<compile_context>
chip_gen: v7x
topology: tpu7x:2x2x1
jax: 0.10.2.dev20260603
libtpu: 0.0.44.dev20260713+nightly
codegen_flags: <defaults>
</compile_context>

<pallas_src>
import functools
import jax
import jax.numpy as jnp
from jax import lax
from jax.experimental import pallas as pl
from jax.experimental.pallas import tpu as pltpu
from jax.experimental.pallas import tpu_sc as plsc

N = 2048
IN_CH = 128
HID = 64
HEADS = 4
OUT_CH = 128

M_TOTAL = N * N
NUM_EDGES = M_TOTAL - 1 - (9 * (M_TOTAL - 1)) // 10

ROWS_A = 64
ROWS_C = 256
BD = 512
NPIV = 16


def _count_lanes(blk, piv_ref):
    lane = lax.broadcasted_iota(jnp.int32, (1, 128), 1)
    acc = jnp.zeros((1, 128), jnp.float32)
    for p in range(NPIV):
        cnt = jnp.sum((blk >= piv_ref[0, p]).astype(jnp.float32))
        acc = acc + jnp.where(lane == p, cnt, 0.0)
    return acc


def _agg_body(attn_ref, w_ref, b_ref, piv_ref, out_ref, cnt_ref):
    def rnd(v):
        return v.astype(jnp.bfloat16).astype(jnp.float32)

    acc = rnd(w_ref[0, 0]) * rnd(attn_ref[0, 0])
    for c in range(1, 12):
        acc = acc + rnd(w_ref[0, c]) * rnd(attn_ref[0, c])
    agg = acc + b_ref[0, 0]
    out_ref[...] = agg

    @pl.when(pl.program_id(0) == 0)
    def _init():
        cnt_ref[...] = jnp.zeros_like(cnt_ref)

    cnt_ref[...] += _count_lanes(agg, piv_ref)


def _agg_mat(attn, agg_w, agg_b, pivots):
    piv = jnp.full((1, 128), jnp.inf, jnp.float32).at[0, :NPIV].set(pivots)
    return pl.pallas_call(
        _agg_body,
        grid=(N // ROWS_A,),
        in_specs=[
            pl.BlockSpec((1, 12, ROWS_A, N), lambda i: (0, 0, i, 0)),
            pl.BlockSpec(memory_space=pltpu.SMEM),
            pl.BlockSpec(memory_space=pltpu.SMEM),
            pl.BlockSpec(memory_space=pltpu.SMEM),
        ],
        out_specs=[
            pl.BlockSpec((ROWS_A, N), lambda i: (i, 0)),
            pl.BlockSpec((1, 128), lambda i: (0, 0)),
        ],
        out_shape=[
            jax.ShapeDtypeStruct((N, N), jnp.float32),
            jax.ShapeDtypeStruct((1, 128), jnp.float32),
        ],
    )(attn, agg_w.reshape(1, 12), agg_b.reshape(1, 1), piv)


def _count_body(agg_ref, piv_ref, out_ref):
    @pl.when(pl.program_id(0) == 0)
    def _init():
        out_ref[...] = jnp.zeros_like(out_ref)

    out_ref[...] += _count_lanes(agg_ref[...], piv_ref)


def _count_ge(agg, pivots):
    piv = jnp.full((1, 128), jnp.inf, jnp.float32).at[0, :NPIV].set(pivots)
    out = pl.pallas_call(
        _count_body,
        grid=(N // ROWS_C,),
        in_specs=[
            pl.BlockSpec((ROWS_C, N), lambda i: (i, 0)),
            pl.BlockSpec(memory_space=pltpu.SMEM),
        ],
        out_specs=pl.BlockSpec((1, 128), lambda i: (0, 0)),
        out_shape=jax.ShapeDtypeStruct((1, 128), jnp.float32),
    )(agg, piv)
    return out[0, :NPIV]


NBINS_SC = 4096
SC_NW = 32
SC_CHUNK = 32768
SC_ELEMS = M_TOTAL // SC_NW


def _sc_hist_body(agg_ref, sc_ref, c_ref, zero_ref, out_ref,
                  chunk, hist, scvec, cvec):
    wid = lax.axis_index("s") * 2 + lax.axis_index("c")
    base = wid * SC_ELEMS
    pltpu.sync_copy(sc_ref, scvec)
    pltpu.sync_copy(c_ref, cvec)
    pltpu.sync_copy(zero_ref, hist)
    sc_v = scvec[...]
    c_v = cvec[...]
    lane2 = lax.iota(jnp.int32, 16) - 16 * 131072
    ones = jnp.full((16,), 1.0, jnp.float32)
    for c in range(SC_ELEMS // SC_CHUNK):
        pltpu.sync_copy(agg_ref.at[pl.ds(base + c * SC_CHUNK, SC_CHUNK)],
                        chunk)

        def body(i, carry):
            for u in range(8):
                v = chunk[pl.ds(i * 128 + u * 16, 16)]
                t = v * sc_v + c_v
                t = jnp.minimum(jnp.maximum(t, 131072.0),
                                131072.0 + (NBINS_SC - 1))
                idx = t.astype(jnp.int32) * 16 + lane2
                plsc.addupdate_scatter(hist, [idx], ones)
            return carry

        lax.fori_loop(0, SC_CHUNK // 128, body, 0)
    pltpu.sync_copy(hist, out_ref.at[wid])


def _sc_hist(agg1d, lo, hi):
    scale = jnp.float32(NBINS_SC) / (hi - lo)
    sc16 = jnp.full((16,), scale, jnp.float32)
    c16 = jnp.full((16,), 131072.0 - lo * scale, jnp.float32)
    zeros = jnp.zeros((NBINS_SC * 16,), jnp.float32)
    mesh = plsc.VectorSubcoreMesh(core_axis_name="c", subcore_axis_name="s")
    f = pl.kernel(
        _sc_hist_body,
        out_type=jax.ShapeDtypeStruct((SC_NW, NBINS_SC * 16), jnp.float32),
        mesh=mesh,
        compiler_params=pltpu.CompilerParams(needs_layout_passes=False),
        scratch_types=[
            pltpu.VMEM((SC_CHUNK,), jnp.float32),
            pltpu.VMEM((NBINS_SC * 16,), jnp.float32),
            pltpu.VMEM((16,), jnp.float32),
            pltpu.VMEM((16,), jnp.float32),
        ],
    )
    out = f(agg1d, sc16, c16, zeros)
    return jnp.sum(out.reshape(SC_NW, NBINS_SC, 16), axis=(0, 2))


def _row_count_body(agg_ref, t_ref, out_ref):
    msk = (agg_ref[...] >= t_ref[0, 0]).astype(jnp.float32)
    out_ref[...] = jnp.sum(msk, axis=1, keepdims=True)


def _row_counts(agg, thresh):
    return pl.pallas_call(
        _row_count_body,
        grid=(N // ROWS_C,),
        in_specs=[
            pl.BlockSpec((ROWS_C, N), lambda i: (i, 0)),
            pl.BlockSpec(memory_space=pltpu.SMEM),
        ],
        out_specs=pl.BlockSpec((ROWS_C, 1), lambda i: (i, 0)),
        out_shape=jax.ShapeDtypeStruct((N, 1), jnp.float32),
    )(agg, thresh.reshape(1, 1))


def _gat_body(agg_ref, x_ref, xd_ref, w_ref, atts_ref, attd_ref, mode_ref,
              allow_ref, t_ref, bias_ref, out_ref, *, heads, out_ch, do_elu):
    j = pl.program_id(0)
    dst0 = j * BD
    agg = agg_ref[...]
    mode = mode_ref[...]
    allow = allow_ref[0:1, pl.ds(dst0, BD)]
    msk = (agg >= t_ref[0, 0]) & (
        (mode == 1.0) | ((mode == 2.0) & (allow == 1.0)))

    rows = lax.broadcasted_iota(jnp.int32, (N, BD), 0)
    cols = lax.broadcasted_iota(jnp.int32, (N, BD), 1)
    diag = rows == (cols + dst0)

    xl = jnp.dot(x_ref[...], w_ref[...], preferred_element_type=jnp.float32)
    xld = jnp.dot(xd_ref[...], w_ref[...], preferred_element_type=jnp.float32)

    outs = []
    for h in range(heads):
        xh = xl[:, h * out_ch:(h + 1) * out_ch]
        xhd = xld[:, h * out_ch:(h + 1) * out_ch]
        a_s = jnp.sum(xh * atts_ref[h:h + 1, :], axis=1, keepdims=True)
        a_d = lax.dot_general(attd_ref[h:h + 1, :], xhd,
                              (((1,), (1,)), ((), ())),
                              preferred_element_type=jnp.float32,
                              precision=lax.Precision.HIGHEST)
        logit = a_s + a_d
        logit = jnp.where(logit >= 0.0, logit, 0.2 * logit)
        e = jnp.exp(logit)
        w = jnp.where(msk, e, 0.0) + jnp.where(diag, e, 0.0)
        denom = jnp.sum(w, axis=0, keepdims=True) + 1e-16
        w = w * (1.0 / denom)
        w_hi = w.astype(jnp.bfloat16).astype(jnp.float32)
        w_lo = w - w_hi
        x_hi = xh.astype(jnp.bfloat16).astype(jnp.float32)
        x_lo = xh - x_hi
        dims = (((0,), (0,)), ((), ()))
        o = (lax.dot_general(w_hi, x_hi, dims,
                             preferred_element_type=jnp.float32)
             + lax.dot_general(w_hi, x_lo, dims,
                               preferred_element_type=jnp.float32)
             + lax.dot_general(w_lo, x_hi, dims,
                               preferred_element_type=jnp.float32))
        outs.append(o)

    out = outs[0] if heads == 1 else jnp.concatenate(outs, axis=1)
    out = out + bias_ref[0:1, :]
    if do_elu:
        out = jnp.where(out > 0.0, out, jnp.exp(out) - 1.0)
    out_ref[...] = out


def _gat_layer(agg, x, W, att_src, att_dst, mode, allow, thresh, bias,
               heads, out_ch, do_elu):
    body = functools.partial(_gat_body, heads=heads, out_ch=out_ch,
                             do_elu=do_elu)
    feat = heads * out_ch
    in_ch = x.shape[1]
    return pl.pallas_call(
        body,
        grid=(N // BD,),
        in_specs=[
            pl.BlockSpec((N, BD), lambda j: (0, j)),
            pl.BlockSpec((N, in_ch), lambda j: (0, 0)),
            pl.BlockSpec((BD, in_ch), lambda j: (j, 0)),
            pl.BlockSpec((in_ch, feat), lambda j: (0, 0)),
            pl.BlockSpec((heads, out_ch), lambda j: (0, 0)),
            pl.BlockSpec((heads, out_ch), lambda j: (0, 0)),
            pl.BlockSpec((N, 1), lambda j: (0, 0)),
            pl.BlockSpec((1, N), lambda j: (0, 0)),
            pl.BlockSpec(memory_space=pltpu.SMEM),
            pl.BlockSpec((1, feat), lambda j: (0, 0)),
        ],
        out_specs=pl.BlockSpec((BD, feat), lambda j: (j, 0)),
        out_shape=jax.ShapeDtypeStruct((N, feat), jnp.float32),
    )(agg, x, x, W, att_src.reshape(heads, out_ch),
      att_dst.reshape(heads, out_ch), mode, allow, thresh.reshape(1, 1),
      bias.reshape(1, feat))


def _bisect_step(lo, hi, cnts, pivots, target):
    sel = jnp.sum((cnts >= target).astype(jnp.int32))
    piv_ext = jnp.concatenate([pivots, hi[None]])
    lo = piv_ext[sel - 1]
    hi = piv_ext[sel]
    return lo, hi, sel


def _pivots(lo, hi):
    return lo + (hi - lo) / NPIV * jnp.arange(NPIV, dtype=jnp.float32)


def kernel(x, attn_tensor, agg_w, agg_b, W1, att_src1, att_dst1, b1,
           W2, att_src2, att_dst2, b2):
    target = jnp.float32(NUM_EDGES)
    lo = jnp.sum(jnp.minimum(agg_w, 0.0)) + agg_b - 1e-3
    hi = jnp.sum(jnp.maximum(agg_w, 0.0)) + agg_b + 1e-3

    piv1 = _pivots(lo, hi)
    agg, cnt1 = _agg_mat(attn_tensor, agg_w, agg_b, piv1)
    lo, hi, _ = _bisect_step(lo, hi, cnt1[0, :NPIV], piv1, target)

    pivots = _pivots(lo, hi)
    cnts = _count_ge(agg, pivots)
    lo, hi, _ = _bisect_step(lo, hi, cnts, pivots, target)

    hist = _sc_hist(agg.reshape(-1), lo, hi)
    sfx = jnp.cumsum(hist[::-1])[::-1]
    b = jnp.sum((sfx >= target).astype(jnp.int32)) - 1
    thresh = lo + b.astype(jnp.float32) * (hi - lo) / NBINS_SC
    rcnt = _row_counts(agg, thresh)[:, 0]

    excl = jnp.cumsum(rcnt) - rcnt
    limit = jnp.clip(target - excl, 0.0, rcnt)
    mode = jnp.where(limit >= rcnt, 1.0,
                     jnp.where(limit > 0.0, 2.0, 0.0))
    is_part = mode == 2.0
    rstar = jnp.argmax(is_part)
    rowvals = lax.dynamic_slice(agg, (rstar, 0), (1, N))[0]
    inrow = (rowvals >= thresh).astype(jnp.float32)
    pfx = jnp.cumsum(inrow) - inrow
    lim_r = limit[rstar]
    allow = jnp.where(jnp.any(is_part), (pfx < lim_r).astype(jnp.float32),
                      jnp.ones((N,), jnp.float32))
    mode = mode.reshape(N, 1)
    allow = allow.reshape(1, N)

    h1 = _gat_layer(agg, x, W1, att_src1, att_dst1, mode, allow, thresh, b1,
                    HEADS, HID, do_elu=True)

    out = _gat_layer(agg, h1, W2, att_src2, att_dst2, mode, allow, thresh, b2,
                     1, OUT_CH, do_elu=False)
    return out

# --- scband reference (transcript-rebuilt; emitter-appended) ---
"""Pipeline reference for scband-gcnwith-agg-14001593385359 (READ-ONLY COPY).

The authoritative reference and input builder live on the scoring server;
editing this copy changes nothing except your own understanding.
"""

import jax, jax.numpy as jnp
import numpy as np

N = 2048
IN_CH = 128
HID = 64
HEADS = 4
OUT_CH = 128

def setup_inputs(seed: int = 0) -> dict:
    key = jax.random.key(seed)
    ks = jax.random.split(key, 12)
    x = jax.random.normal(ks[0], (N, IN_CH), dtype=jnp.float32)
    attn_tensor = jax.random.uniform(ks[1], (1, 12, N, N), dtype=jnp.float32)
    # Conv2d(12, 1, kernel_size=1) == per-channel weighted sum
    agg_w = jax.random.normal(ks[2], (12,), dtype=jnp.float32) * 0.1
    agg_b = jnp.zeros((), dtype=jnp.float32)
    # GATConv 1: in=128 -> heads=4, out=64, concat=True
    W1 = jax.random.normal(ks[3], (IN_CH, HEADS * HID), dtype=jnp.float32) * (1.0 / np.sqrt(IN_CH))
    att_src1 = jax.random.normal(ks[4], (1, HEADS, HID), dtype=jnp.float32) * 0.1
    att_dst1 = jax.random.normal(ks[5], (1, HEADS, HID), dtype=jnp.float32) * 0.1
    b1 = jnp.zeros((HEADS * HID,), dtype=jnp.float32)
    # GATConv 2: in=256 -> heads=1, out=128, concat=False
    W2 = jax.random.normal(ks[6], (HEADS * HID, OUT_CH), dtype=jnp.float32) * (1.0 / np.sqrt(HEADS * HID))
    att_src2 = jax.random.normal(ks[7], (1, 1, OUT_CH), dtype=jnp.float32) * 0.1
    att_dst2 = jax.random.normal(ks[8], (1, 1, OUT_CH), dtype=jnp.float32) * 0.1
    b2 = jnp.zeros((OUT_CH,), dtype=jnp.float32)
    return {"x": x, "attn_tensor": attn_tensor, "agg_w": agg_w, "agg_b": agg_b,
            "W1": W1, "att_src1": att_src1, "att_dst1": att_dst1, "b1": b1,
            "W2": W2, "att_src2": att_src2, "att_dst2": att_dst2, "b2": b2}

def gat_conv(x, edge_index, W, att_src, att_dst, bias, heads, out_ch, concat):
    n = x.shape[0]
    # PyG GATConv default add_self_loops=True
    loop = jnp.arange(n, dtype=edge_index.dtype)
    src = jnp.concatenate([edge_index[0], loop])
    dst = jnp.concatenate([edge_index[1], loop])
    xl = (x @ W).reshape(n, heads, out_ch)
    a_s = (xl * att_src).sum(axis=-1)  # [n, heads]
    a_d = (xl * att_dst).sum(axis=-1)  # [n, heads]
    alpha = a_s[src] + a_d[dst]        # [E, heads]
    alpha = jax.nn.leaky_relu(alpha, negative_slope=0.2)
    amax = jax.ops.segment_max(alpha, dst, num_segments=n)
    alpha = jnp.exp(alpha - amax[dst])
    denom = jax.ops.segment_sum(alpha, dst, num_segments=n)
    alpha = alpha / (denom[dst] + 1e-16)
    msg = xl[src] * alpha[:, :, None]
    out = jax.ops.segment_sum(msg, dst, num_segments=n)
    if concat:
        out = out.reshape(n, heads * out_ch)
    else:
        out = out.mean(axis=1)
    return out + bias

def reference(x, attn_tensor, agg_w, agg_b, W1, att_src1, att_dst1, b1, W2, att_src2, att_dst2, b2):
    # self.agg = Conv2d(12, 1, kernel_size=1); squeeze(1)
    agg_mat = jnp.einsum('bchw,c->bhw', attn_tensor, agg_w) + agg_b  # [B, N, N]
    flat = agg_mat.reshape(agg_mat.shape[0], -1)
    thresh = jnp.quantile(flat, 0.9, axis=1)  # linear interpolation, matches torch
    mask = agg_mat[0] >= thresh[0]
    m_total = mask.shape[0] * mask.shape[1]
    num_edges = m_total - 1 - (9 * (m_total - 1)) // 10
    edge_index = jnp.stack(jnp.nonzero(mask, size=num_edges, fill_value=0)).astype(jnp.int64)  # [2, E]
    h = gat_conv(x, edge_index, W1, att_src1, att_dst1, b1, HEADS, HID, True)
    h = jax.nn.elu(h)
    out = gat_conv(h, edge_index, W2, att_src2, att_dst2, b2, 1, OUT_CH, False)
    return out

if __name__ == "__main__":
    import jax
    _d = setup_inputs()
    print(jax.jit(kernel)(*tuple(_d.values())))

</pallas_src>

<mosaic_0001>
#map = affine_map<(d0, d1) -> (0)>
#map1 = affine_map<(d0, d1) -> (0, 0)>
module attributes {stable_mosaic.version = 14 : i64} {
  func.func @_sc_hist_body(%arg0: i32, %arg1: i32, %arg2: memref<4194304xf32, #tpu.memory_space<hbm>>, %arg3: memref<16xf32, #tpu.memory_space<hbm>>, %arg4: memref<16xf32, #tpu.memory_space<hbm>>, %arg5: memref<65536xf32, #tpu.memory_space<hbm>>, %arg6: memref<32x65536xf32, #tpu.memory_space<hbm>>, %arg7: memref<32768xf32, #tpu.memory_space<vmem>>, %arg8: memref<65536xf32, #tpu.memory_space<vmem>>, %arg9: memref<16xf32, #tpu.memory_space<vmem>>, %arg10: memref<16xf32, #tpu.memory_space<vmem>>) attributes {dimension_semantics = [#tpu.dimension_semantics<core_parallel>, #tpu.dimension_semantics<subcore_parallel>], iteration_bounds = array<i64: 2, 16>, scalar_prefetch = 0 : i64, scratch_operands = 4 : i64, tpu.core_type = #tpu.core_type<sc_vector_subcore>, window_params = [{transform_indices = #map}, {transform_indices = #map}, {transform_indices = #map}, {transform_indices = #map}, {transform_indices = #map1}]} {
    %mul3A = arith.constant 2 : i32
    %mul3A_0 = arith.muli %arg1, %mul3A : i32
    %add3A = arith.addi %mul3A_0, %arg0 : i32
    %mul3A_1 = arith.constant 131072 : i32
    %mul3A_2 = arith.muli %add3A, %mul3A_1 : i32
    "tpu.region"() ({
      %run_scoped3A = tpu.sem_alloc : memref<!tpu.dma_semaphore, #tpu.memory_space<semaphore_mem>>
      tpu.enqueue_dma source(%arg3 : memref<16xf32, #tpu.memory_space<hbm>>) target(%arg9 : memref<16xf32, #tpu.memory_space<vmem>>) target_semaphore(%run_scoped3A : memref<!tpu.dma_semaphore, #tpu.memory_space<semaphore_mem>>)
      tpu.wait_dma2 semaphore(%run_scoped3A : memref<!tpu.dma_semaphore, #tpu.memory_space<semaphore_mem>>) src(%arg3 : memref<16xf32, #tpu.memory_space<hbm>>) dst(%arg9 : memref<16xf32, #tpu.memory_space<vmem>>)
      tpu.yield
    }) : () -> ()
    "tpu.region"() ({
      %run_scoped3A = tpu.sem_alloc : memref<!tpu.dma_semaphore, #tpu.memory_space<semaphore_mem>>
      tpu.enqueue_dma source(%arg4 : memref<16xf32, #tpu.memory_space<hbm>>) target(%arg10 : memref<16xf32, #tpu.memory_space<vmem>>) target_semaphore(%run_scoped3A : memref<!tpu.dma_semaphore, #tpu.memory_space<semaphore_mem>>)
      tpu.wait_dma2 semaphore(%run_scoped3A : memref<!tpu.dma_semaphore, #tpu.memory_space<semaphore_mem>>) src(%arg4 : memref<16xf32, #tpu.memory_space<hbm>>) dst(%arg10 : memref<16xf32, #tpu.memory_space<vmem>>)
      tpu.yield
    }) : () -> ()
    "tpu.region"() ({
      %run_scoped3A = tpu.sem_alloc : memref<!tpu.dma_semaphore, #tpu.memory_space<semaphore_mem>>
      tpu.enqueue_dma source(%arg5 : memref<65536xf32, #tpu.memory_space<hbm>>) target(%arg8 : memref<65536xf32, #tpu.memory_space<vmem>>) target_semaphore(%run_scoped3A : memref<!tpu.dma_semaphore, #tpu.memory_space<semaphore_mem>>)
      tpu.wait_dma2 semaphore(%run_scoped3A : memref<!tpu.dma_semaphore, #tpu.memory_space<semaphore_mem>>) src(%arg5 : memref<65536xf32, #tpu.memory_space<hbm>>) dst(%arg8 : memref<65536xf32, #tpu.memory_space<vmem>>)
      tpu.yield
    }) : () -> ()
    %get3A = arith.constant 0 : index
    %get3A_3 = tpu.vector_load %arg9[%get3A] {strides = array<i32>} : memref<16xf32, #tpu.memory_space<vmem>>, vector<16xf32>,
    %get3A_4 = arith.constant 0 : index
    %get3A_5 = tpu.vector_load %arg10[%get3A_4] {strides = array<i32>} : memref<16xf32, #tpu.memory_space<vmem>>, vector<16xf32>,
    %iota3A = tpu.iota {dimensions = array<i32: 0>} : vector<16xi32>
    %sub3A = arith.constant 2097152 : i32
    %sub3A_6 = vector.broadcast %sub3A : i32 to vector<16xi32>
    %sub3A_7 = arith.subi %iota3A, %sub3A_6 : vector<16xi32>
    %broadcast_in_dim3A = arith.constant 1.000000e+00 : f32
    %broadcast_in_dim3A_8 = vector.broadcast %broadcast_in_dim3A : f32 to vector<16xf32>
    %add3A_9 = arith.constant 0 : i32
    %add3A_10 = arith.addi %mul3A_2, %add3A_9 : i32
    "tpu.region"() ({
      %run_scoped3A = tpu.sem_alloc : memref<!tpu.dma_semaphore, #tpu.memory_space<semaphore_mem>>
      %dma_start3A = tpu.memref_slice %arg2[%add3A_10] : memref<4194304xf32, #tpu.memory_space<hbm>> -> memref<32768xf32, #tpu.memory_space<hbm>>
      %dma_start3A_40 = tpu.memref_slice %arg2[%add3A_10] : memref<4194304xf32, #tpu.memory_space<hbm>> -> memref<32768xf32, #tpu.memory_space<hbm>>
      tpu.enqueue_dma source(%dma_start3A_40 : memref<32768xf32, #tpu.memory_space<hbm>>) target(%arg7 : memref<32768xf32, #tpu.memory_space<vmem>>) target_semaphore(%run_scoped3A : memref<!tpu.dma_semaphore, #tpu.memory_space<semaphore_mem>>)
      %dma_wait3A = tpu.memref_slice %arg2[%add3A_10] : memref<4194304xf32, #tpu.memory_space<hbm>> -> memref<32768xf32, #tpu.memory_space<hbm>>
      %dma_wait3A_41 = tpu.memref_slice %arg2[%add3A_10] : memref<4194304xf32, #tpu.memory_space<hbm>> -> memref<32768xf32, #tpu.memory_space<hbm>>
      tpu.wait_dma2 semaphore(%run_scoped3A : memref<!tpu.dma_semaphore, #tpu.memory_space<semaphore_mem>>) src(%dma_wait3A_41 : memref<32768xf32, #tpu.memory_space<hbm>>) dst(%arg7 : memref<32768xf32, #tpu.memory_space<vmem>>)
      tpu.yield
    }) : () -> ()
    %scan3A = arith.constant 0 : i32
    %scan3A_11 = arith.constant 0 : i32
    %scan3A_12 = arith.constant 256 : i32
    %scan3A_13 = arith.addi %scan3A_11, %scan3A_12 : i32
    %scan3A_14 = arith.constant 1 : i32
    scf.for %scan3A_40 = %scan3A_11 to %scan3A_13 step %scan3A_14  : i32 {
      %mul3A_41 = arith.constant 128 : i32
      %mul3A_42 = arith.muli %scan3A_40, %mul3A_41 : i32
      %add3A_43 = arith.constant 0 : i32
      %add3A_44 = arith.addi %mul3A_42, %add3A_43 : i32
      %get3A_45 = arith.index_cast %add3A_44 : i32 to index
      %get3A_46 = tpu.vector_load %arg7[%get3A_45] {strides = array<i32>} : memref<32768xf32, #tpu.memory_space<vmem>>, vector<16xf32>,
      %mul3A_47 = arith.mulf %get3A_46, %get3A_3 : vector<16xf32>
      %add3A_48 = arith.addf %mul3A_47, %get3A_5 : vector<16xf32>
      %max3A = arith.constant 1.310720e+05 : f32
      %max3A_49 = vector.broadcast %max3A : f32 to vector<16xf32>
      %max3A_50 = arith.maximumf %add3A_48, %max3A_49 : vector<16xf32>
      %min3A = arith.constant 1.351670e+05 : f32
      %min3A_51 = vector.broadcast %min3A : f32 to vector<16xf32>
      %min3A_52 = arith.minimumf %max3A_50, %min3A_51 : vector<16xf32>
      %convert_element_type3A = arith.fptosi %min3A_52 : vector<16xf32> to vector<16xi32>
      %mul3A_53 = arith.constant 16 : i32
      %mul3A_54 = vector.broadcast %mul3A_53 : i32 to vector<16xi32>
      %mul3A_55 = arith.muli %convert_element_type3A, %mul3A_54 : vector<16xi32>
      %add3A_56 = arith.addi %mul3A_55, %sub3A_7 : vector<16xi32>
      tpu.vector_store_idx %arg8[%add3A_56], %broadcast_in_dim3A_8 {add = true} : memref<65536xf32, #tpu.memory_space<vmem>>[vector<16xi32>], vector<16xf32>,
      %mul3A_57 = arith.constant 128 : i32
      %mul3A_58 = arith.muli %scan3A_40, %mul3A_57 : i32
      %add3A_59 = arith.constant 16 : i32
      %add3A_60 = arith.addi %mul3A_58, %add3A_59 : i32
      %get3A_61 = arith.index_cast %add3A_60 : i32 to index
      %get3A_62 = tpu.vector_load %arg7[%get3A_61] {strides = array<i32>} : memref<32768xf32, #tpu.memory_space<vmem>>, vector<16xf32>,
      %mul3A_63 = arith.mulf %get3A_62, %get3A_3 : vector<16xf32>
      %add3A_64 = arith.addf %mul3A_63, %get3A_5 : vector<16xf32>
      %max3A_65 = arith.constant 1.310720e+05 : f32
      %max3A_66 = vector.broadcast %max3A_65 : f32 to vector<16xf32>
      %max3A_67 = arith.maximumf %add3A_64, %max3A_66 : vector<16xf32>
      %min3A_68 = arith.constant 1.351670e+05 : f32
      %min3A_69 = vector.broadcast %min3A_68 : f32 to vector<16xf32>
      %min3A_70 = arith.minimumf %max3A_67, %min3A_69 : vector<16xf32>
      %convert_element_type3A_71 = arith.fptosi %min3A_70 : vector<16xf32> to vector<16xi32>
      %mul3A_72 = arith.constant 16 : i32
      %mul3A_73 = vector.broadcast %mul3A_72 : i32 to vector<16xi32>
      %mul3A_74 = arith.muli %convert_element_type3A_71, %mul3A_73 : vector<16xi32>
      %add3A_75 = arith.addi %mul3A_74, %sub3A_7 : vector<16xi32>
      tpu.vector_store_idx %arg8[%add3A_75], %broadcast_in_dim3A_8 {add = true} : memref<65536xf32, #tpu.memory_space<vmem>>[vector<16xi32>], vector<16xf32>,
      %mul3A_76 = arith.constant 128 : i32
      %mul3A_77 = arith.muli %scan3A_40, %mul3A_76 : i32
      %add3A_78 = arith.constant 32 : i32
      %add3A_79 = arith.addi %mul3A_77, %add3A_78 : i32
      %get3A_80 = arith.index_cast %add3A_79 : i32 to index
      %get3A_81 = tpu.vector_load %arg7[%get3A_80] {strides = array<i32>} : memref<32768xf32, #tpu.memory_space<vmem>>, vector<16xf32>,
      %mul3A_82 = arith.mulf %get3A_81, %get3A_3 : vector<16xf32>
      %add3A_83 = arith.addf %mul3A_82, %get3A_5 : vector<16xf32>
      %max3A_84 = arith.constant 1.310720e+05 : f32
      %max3A_85 = vector.broadcast %max3A_84 : f32 to vector<16xf32>
      %max3A_86 = arith.maximumf %add3A_83, %max3A_85 : vector<16xf32>
      %min3A_87 = arith.constant 1.351670e+05 : f32
      %min3A_88 = vector.broadcast %min3A_87 : f32 to vector<16xf32>
      %min3A_89 = arith.minimumf %max3A_86, %min3A_88 : vector<16xf32>
      %convert_element_type3A_90 = arith.fptosi %min3A_89 : vector<16xf32> to vector<16xi32>
      %mul3A_91 = arith.constant 16 : i32
      %mul3A_92 = vector.broadcast %mul3A_91 : i32 to vector<16xi32>
      %mul3A_93 = arith.muli %convert_element_type3A_90, %mul3A_92 : vector<16xi32>
      %add3A_94 = arith.addi %mul3A_93, %sub3A_7 : vector<16xi32>
      tpu.vector_store_idx %arg8[%add3A_94], %broadcast_in_dim3A_8 {add = true} : memref<65536xf32, #tpu.memory_space<vmem>>[vector<16xi32>], vector<16xf32>,
      %mul3A_95 = arith.constant 128 : i32
      %mul3A_96 = arith.muli %scan3A_40, %mul3A_95 : i32
      %add3A_97 = arith.constant 48 : i32
      %add3A_98 = arith.addi %mul3A_96, %add3A_97 : i32
      %get3A_99 = arith.index_cast %add3A_98 : i32 to index
      %get3A_100 = tpu.vector_load %arg7[%get3A_99] {strides = array<i32>} : memref<32768xf32, #tpu.memory_space<vmem>>, vector<16xf32>,
      %mul3A_101 = arith.mulf %get3A_100, %get3A_3 : vector<16xf32>
      %add3A_102 = arith.addf %mul3A_101, %get3A_5 : vector<16xf32>
      %max3A_103 = arith.constant 1.310720e+05 : f32
      %max3A_104 = vector.broadcast %max3A_103 : f32 to vector<16xf32>
      %max3A_105 = arith.maximumf %add3A_102, %max3A_104 : vector<16xf32>
      %min3A_106 = arith.constant 1.351670e+05 : f32
      %min3A_107 = vector.broadcast %min3A_106 : f32 to vector<16xf32>
      %min3A_108 = arith.minimumf %max3A_105, %min3A_107 : vector<16xf32>
      %convert_element_type3A_109 = arith.fptosi %min3A_108 : vector<16xf32> to vector<16xi32>
      %mul3A_110 = arith.constant 16 : i32
      %mul3A_111 = vector.broadcast %mul3A_110 : i32 to vector<16xi32>
      %mul3A_112 = arith.muli %convert_element_type3A_109, %mul3A_111 : vector<16xi32>
      %add3A_113 = arith.addi %mul3A_112, %sub3A_7 : vector<16xi32>
      tpu.vector_store_idx %arg8[%add3A_113], %broadcast_in_dim3A_8 {add = true} : memref<65536xf32, #tpu.memory_space<vmem>>[vector<16xi32>], vector<16xf32>,
      %mul3A_114 = arith.constant 128 : i32
      %mul3A_115 = arith.muli %scan3A_40, %mul3A_114 : i32
      %add3A_116 = arith.constant 64 : i32
      %add3A_117 = arith.addi %mul3A_115, %add3A_116 : i32
      %get3A_118 = arith.index_cast %add3A_117 : i32 to index
      %get3A_119 = tpu.vector_load %arg7[%get3A_118] {strides = array<i32>} : memref<32768xf32, #tpu.memory_space<vmem>>, vector<16xf32>,
      %mul3A_120 = arith.mulf %get3A_119, %get3A_3 : vector<16xf32>
      %add3A_121 = arith.addf %mul3A_120, %get3A_5 : vector<16xf32>
      %max3A_122 = arith.constant 1.310720e+05 : f32
      %max3A_123 = vector.broadcast %max3A_122 : f32 to vector<16xf32>
      %max3A_124 = arith.maximumf %add3A_121, %max3A_123 : vector<16xf32>
      %min3A_125 = arith.constant 1.351670e+05 : f32
      %min3A_126 = vector.broadcast %min3A_125 : f32 to vector<16xf32>
      %min3A_127 = arith.minimumf %max3A_124, %min3A_126 : vector<16xf32>
      %convert_element_type3A_128 = arith.fptosi %min3A_127 : vector<16xf32> to vector<16xi32>
      %mul3A_129 = arith.constant 16 : i32
      %mul3A_130 = vector.broadcast %mul3A_129 : i32 to vector<16xi32>
      %mul3A_131 = arith.muli %convert_element_type3A_128, %mul3A_130 : vector<16xi32>
      %add3A_132 = arith.addi %mul3A_131, %sub3A_7 : vector<16xi32>
      tpu.vector_store_idx %arg8[%add3A_132], %broadcast_in_dim3A_8 {add = true} : memref<65536xf32, #tpu.memory_space<vmem>>[vector<16xi32>], vector<16xf32>,
      %mul3A_133 = arith.constant 128 : i32
      %mul3A_134 = arith.muli %scan3A_40, %mul3A_133 : i32
      %add3A_135 = arith.constant 80 : i32
      %add3A_136 = arith.addi %mul3A_134, %add3A_135 : i32
      %get3A_137 = arith.index_cast %add3A_136 : i32 to index
      %get3A_138 = tpu.vector_load %arg7[%get3A_137] {strides = array<i32>} : memref<32768xf32, #tpu.memory_space<vmem>>, vector<16xf32>,
      %mul3A_139 = arith.mulf %get3A_138, %get3A_3 : vector<16xf32>
      %add3A_140 = arith.addf %mul3A_139, %get3A_5 : vector<16xf32>
      %max3A_141 = arith.constant 1.310720e+05 : f32
      %max3A_142 = vector.broadcast %max3A_141 : f32 to vector<16xf32>
      %max3A_143 = arith.maximumf %add3A_140, %max3A_142 : vector<16xf32>
      %min3A_144 = arith.constant 1.351670e+05 : f32
      %min3A_145 = vector.broadcast %min3A_144 : f32 to vector<16xf32>
      %min3A_146 = arith.minimumf %max3A_143, %min3A_145 : vector<16xf32>
      %convert_element_type3A_147 = arith.fptosi %min3A_146 : vector<16xf32> to vector<16xi32>
      %mul3A_148 = arith.constant 16 : i32
      %mul3A_149 = vector.broadcast %mul3A_148 : i32 to vector<16xi32>
      %mul3A_150 = arith.muli %convert_element_type3A_147, %mul3A_149 : vector<16xi32>
      %add3A_151 = arith.addi %mul3A_150, %sub3A_7 : vector<16xi32>
      tpu.vector_store_idx %arg8[%add3A_151], %broadcast_in_dim3A_8 {add = true} : memref<65536xf32, #tpu.memory_space<vmem>>[vector<16xi32>], vector<16xf32>,
      %mul3A_152 = arith.constant 128 : i32
      %mul3A_153 = arith.muli %scan3A_40, %mul3A_152 : i32
      %add3A_154 = arith.constant 96 : i32
      %add3A_155 = arith.addi %mul3A_153, %add3A_154 : i32
      %get3A_156 = arith.index_cast %add3A_155 : i32 to index
      %get3A_157 = tpu.vector_load %arg7[%get3A_156] {strides = array<i32>} : memref<32768xf32, #tpu.memory_space<vmem>>, vector<16xf32>,
      %mul3A_158 = arith.mulf %get3A_157, %get3A_3 : vector<16xf32>
      %add3A_159 = arith.addf %mul3A_158, %get3A_5 : vector<16xf32>
      %max3A_160 = arith.constant 1.310720e+05 : f32
      %max3A_161 = vector.broadcast %max3A_160 : f32 to vector<16xf32>
      %max3A_162 = arith.maximumf %add3A_159, %max3A_161 : vector<16xf32>
      %min3A_163 = arith.constant 1.351670e+05 : f32
      %min3A_164 = vector.broadcast %min3A_163 : f32 to vector<16xf32>
      %min3A_165 = arith.minimumf %max3A_162, %min3A_164 : vector<16xf32>
      %convert_element_type3A_166 = arith.fptosi %min3A_165 : vector<16xf32> to vector<16xi32>
      %mul3A_167 = arith.constant 16 : i32
      %mul3A_168 = vector.broadcast %mul3A_167 : i32 to vector<16xi32>
      %mul3A_169 = arith.muli %convert_element_type3A_166, %mul3A_168 : vector<16xi32>
      %add3A_170 = arith.addi %mul3A_169, %sub3A_7 : vector<16xi32>
      tpu.vector_store_idx %arg8[%add3A_170], %broadcast_in_dim3A_8 {add = true} : memref<65536xf32, #tpu.memory_space<vmem>>[vector<16xi32>], vector<16xf32>,
      %mul3A_171 = arith.constant 128 : i32
      %mul3A_172 = arith.muli %scan3A_40, %mul3A_171 : i32
      %add3A_173 = arith.constant 112 : i32
      %add3A_174 = arith.addi %mul3A_172, %add3A_173 : i32
      %get3A_175 = arith.index_cast %add3A_174 : i32 to index
      %get3A_176 = tpu.vector_load %arg7[%get3A_175] {strides = array<i32>} : memref<32768xf32, #tpu.memory_space<vmem>>, vector<16xf32>,
      %mul3A_177 = arith.mulf %get3A_176, %get3A_3 : vector<16xf32>
      %add3A_178 = arith.addf %mul3A_177, %get3A_5 : vector<16xf32>
      %max3A_179 = arith.constant 1.310720e+05 : f32
      %max3A_180 = vector.broadcast %max3A_179 : f32 to vector<16xf32>
      %max3A_181 = arith.maximumf %add3A_178, %max3A_180 : vector<16xf32>
      %min3A_182 = arith.constant 1.351670e+05 : f32
      %min3A_183 = vector.broadcast %min3A_182 : f32 to vector<16xf32>
      %min3A_184 = arith.minimumf %max3A_181, %min3A_183 : vector<16xf32>
      %convert_element_type3A_185 = arith.fptosi %min3A_184 : vector<16xf32> to vector<16xi32>
      %mul3A_186 = arith.constant 16 : i32
      %mul3A_187 = vector.broadcast %mul3A_186 : i32 to vector<16xi32>
      %mul3A_188 = arith.muli %convert_element_type3A_185, %mul3A_187 : vector<16xi32>
      %add3A_189 = arith.addi %mul3A_188, %sub3A_7 : vector<16xi32>
      tpu.vector_store_idx %arg8[%add3A_189], %broadcast_in_dim3A_8 {add = true} : memref<65536xf32, #tpu.memory_space<vmem>>[vector<16xi32>], vector<16xf32>,
    }
    %scan3A_15 = arith.constant 256 : i32
    %add3A_16 = arith.constant 32768 : i32
    %add3A_17 = arith.addi %mul3A_2, %add3A_16 : i32
    "tpu.region"() ({
      %run_scoped3A = tpu.sem_alloc : memref<!tpu.dma_semaphore, #tpu.memory_space<semaphore_mem>>
      %dma_start3A = tpu.memref_slice %arg2[%add3A_17] : memref<4194304xf32, #tpu.memory_space<hbm>> -> memref<32768xf32, #tpu.memory_space<hbm>>
      %dma_start3A_40 = tpu.memref_slice %arg2[%add3A_17] : memref<4194304xf32, #tpu.memory_space<hbm>> -> memref<32768xf32, #tpu.memory_space<hbm>>
      tpu.enqueue_dma source(%dma_start3A_40 : memref<32768xf32, #tpu.memory_space<hbm>>) target(%arg7 : memref<32768xf32, #tpu.memory_space<vmem>>) target_semaphore(%run_scoped3A : memref<!tpu.dma_semaphore, #tpu.memory_space<semaphore_mem>>)
      %dma_wait3A = tpu.memref_slice %arg2[%add3A_17] : memref<4194304xf32, #tpu.memory_space<hbm>> -> memref<32768xf32, #tpu.memory_space<hbm>>
      %dma_wait3A_41 = tpu.memref_slice %arg2[%add3A_17] : memref<4194304xf32, #tpu.memory_space<hbm>> -> memref<32768xf32, #tpu.memory_space<hbm>>
      tpu.wait_dma2 semaphore(%run_scoped3A : memref<!tpu.dma_semaphore, #tpu.memory_space<semaphore_mem>>) src(%dma_wait3A_41 : memref<32768xf32, #tpu.memory_space<hbm>>) dst(%arg7 : memref<32768xf32, #tpu.memory_space<vmem>>)
      tpu.yield
    }) : () -> ()
    %scan3A_18 = arith.constant 0 : i32
    %scan3A_19 = arith.constant 0 : i32
    %scan3A_20 = arith.constant 256 : i32
    %scan3A_21 = arith.addi %scan3A_19, %scan3A_20 : i32
    %scan3A_22 = arith.constant 1 : i32
    scf.for %scan3A_40 = %scan3A_19 to %scan3A_21 step %scan3A_22  : i32 {
      %mul3A_41 = arith.constant 128 : i32
      %mul3A_42 = arith.muli %scan3A_40, %mul3A_41 : i32
      %add3A_43 = arith.constant 0 : i32
      %add3A_44 = arith.addi %mul3A_42, %add3A_43 : i32
      %get3A_45 = arith.index_cast %add3A_44 : i32 to index
      %get3A_46 = tpu.vector_load %arg7[%get3A_45] {strides = array<i32>} : memref<32768xf32, #tpu.memory_space<vmem>>, vector<16xf32>,
      %mul3A_47 = arith.mulf %get3A_46, %get3A_3 : vector<16xf32>
      %add3A_48 = arith.addf %mul3A_47, %get3A_5 : vector<16xf32>
      %max3A = arith.constant 1.310720e+05 : f32
      %max3A_49 = vector.broadcast %max3A : f32 to vector<16xf32>
      %max3A_50 = arith.maximumf %add3A_48, %max3A_49 : vector<16xf32>
      %min3A = arith.constant 1.351670e+05 : f32
      %min3A_51 = vector.broadcast %min3A : f32 to vector<16xf32>
      %min3A_52 = arith.minimumf %max3A_50, %min3A_51 : vector<16xf32>
      %convert_element_type3A = arith.fptosi %min3A_52 : vector<16xf32> to vector<16xi32>
      %mul3A_53 = arith.constant 16 : i32
      %mul3A_54 = vector.broadcast %mul3A_53 : i32 to vector<16xi32>
      %mul3A_55 = arith.muli %convert_element_type3A, %mul3A_54 : vector<16xi32>
      %add3A_56 = arith.addi %mul3A_55, %sub3A_7 : vector<16xi32>
      tpu.vector_store_idx %arg8[%add3A_56], %broadcast_in_dim3A_8 {add = true} : memref<65536xf32, #tpu.memory_space<vmem>>[vector<16xi32>], vector<16xf32>,
      %mul3A_57 = arith.constant 128 : i32
      %mul3A_58 = arith.muli %scan3A_40, %mul3A_57 : i32
      %add3A_59 = arith.constant 16 : i32
      %add3A_60 = arith.addi %mul3A_58, %add3A_59 : i32
      %get3A_61 = arith.index_cast %add3A_60 : i32 to index
      %get3A_62 = tpu.vector_load %arg7[%get3A_61] {strides = array<i32>} : memref<32768xf32, #tpu.memory_space<vmem>>, vector<16xf32>,
      %mul3A_63 = arith.mulf %get3A_62, %get3A_3 : vector<16xf32>
      %add3A_64 = arith.addf %mul3A_63, %get3A_5 : vector<16xf32>
      %max3A_65 = arith.constant 1.310720e+05 : f32
      %max3A_66 = vector.broadcast %max3A_65 : f32 to vector<16xf32>
      %max3A_67 = arith.maximumf %add3A_64, %max3A_66 : vector<16xf32>
      %min3A_68 = arith.constant 1.351670e+05 : f32
      %min3A_69 = vector.broadcast %min3A_68 : f32 to vector<16xf32>
      %min3A_70 = arith.minimumf %max3A_67, %min3A_69 : vector<16xf32>
      %convert_element_type3A_71 = arith.fptosi %min3A_70 : vector<16xf32> to vector<16xi32>
      %mul3A_72 = arith.constant 16 : i32
      %mul3A_73 = vector.broadcast %mul3A_72 : i32 to vector<16xi32>
      %mul3A_74 = arith.muli %convert_element_type3A_71, %mul3A_73 : vector<16xi32>
      %add3A_75 = arith.addi %mul3A_74, %sub3A_7 : vector<16xi32>
      tpu.vector_store_idx %arg8[%add3A_75], %broadcast_in_dim3A_8 {add = true} : memref<65536xf32, #tpu.memory_space<vmem>>[vector<16xi32>], vector<16xf32>,
      %mul3A_76 = arith.constant 128 : i32
      %mul3A_77 = arith.muli %scan3A_40, %mul3A_76 : i32
      %add3A_78 = arith.constant 32 : i32
      %add3A_79 = arith.addi %mul3A_77, %add3A_78 : i32
      %get3A_80 = arith.index_cast %add3A_79 : i32 to index
      %get3A_81 = tpu.vector_load %arg7[%get3A_80] {strides = array<i32>} : memref<32768xf32, #tpu.memory_space<vmem>>, vector<16xf32>,
      %mul3A_82 = arith.mulf %get3A_81, %get3A_3 : vector<16xf32>
      %add3A_83 = arith.addf %mul3A_82, %get3A_5 : vector<16xf32>
      %max3A_84 = arith.constant 1.310720e+05 : f32
      %max3A_85 = vector.broadcast %max3A_84 : f32 to vector<16xf32>
      %max3A_86 = arith.maximumf %add3A_83, %max3A_85 : vector<16xf32>
      %min3A_87 = arith.constant 1.351670e+05 : f32
      %min3A_88 = vector.broadcast %min3A_87 : f32 to vector<16xf32>
      %min3A_89 = arith.minimumf %max3A_86, %min3A_88 : vector<16xf32>
      %convert_element_type3A_90 = arith.fptosi %min3A_89 : vector<16xf32> to vector<16xi32>
      %mul3A_91 = arith.constant 16 : i32
      %mul3A_92 = vector.broadcast %mul3A_91 : i32 to vector<16xi32>
      %mul3A_93 = arith.muli %convert_element_type3A_90, %mul3A_92 : vector<16xi32>
      %add3A_94 = arith.addi %mul3A_93, %sub3A_7 : vector<16xi32>
      tpu.vector_store_idx %arg8[%add3A_94], %broadcast_in_dim3A_8 {add = true} : memref<65536xf32, #tpu.memory_space<vmem>>[vector<16xi32>], vector<16xf32>,
      %mul3A_95 = arith.constant 128 : i32
      %mul3A_96 = arith.muli %scan3A_40, %mul3A_95 : i32
      %add3A_97 = arith.constant 48 : i32
      %add3A_98 = arith.addi %mul3A_96, %add3A_97 : i32
      %get3A_99 = arith.index_cast %add3A_98 : i32 to index
      %get3A_100 = tpu.vector_load %arg7[%get3A_99] {strides = array<i32>} : memref<32768xf32, #tpu.memory_space<vmem>>, vector<16xf32>,
      %mul3A_101 = arith.mulf %get3A_100, %get3A_3 : vector<16xf32>
      %add3A_102 = arith.addf %mul3A_101, %get3A_5 : vector<16xf32>
      %max3A_103 = arith.constant 1.310720e+05 : f32
      %max3A_104 = vector.broadcast %max3A_103 : f32 to vector<16xf32>
      %max3A_105 = arith.maximumf %add3A_102, %max3A_104 : vector<16xf32>
      %min3A_106 = arith.constant 1.351670e+05 : f32
      %min3A_107 = vector.broadcast %min3A_106 : f32 to vector<16xf32>
      %min3A_108 = arith.minimumf %max3A_105, %min3A_107 : vector<16xf32>
      %convert_element_type3A_109 = arith.fptosi %min3A_108 : vector<16xf32> to vector<16xi32>
      %mul3A_110 = arith.constant 16 : i32
      %mul3A_111 = vector.broadcast %mul3A_110 : i32 to vector<16xi32>
      %mul3A_112 = arith.muli %convert_element_type3A_109, %mul3A_111 : vector<16xi32>
      %add3A_113 = arith.addi %mul3A_112, %sub3A_7 : vector<16xi32>
      tpu.vector_store_idx %arg8[%add3A_113], %broadcast_in_dim3A_8 {add = true} : memref<65536xf32, #tpu.memory_space<vmem>>[vector<16xi32>], vector<16xf32>,
      %mul3A_114 = arith.constant 128 : i32
      %mul3A_115 = arith.muli %scan3A_40, %mul3A_114 : i32
      %add3A_116 = arith.constant 64 : i32
      %add3A_117 = arith.addi %mul3A_115, %add3A_116 : i32
      %get3A_118 = arith.index_cast %add3A_117 : i32 to index
      %get3A_119 = tpu.vector_load %arg7[%get3A_118] {strides = array<i32>} : memref<32768xf32, #tpu.memory_space<vmem>>, vector<16xf32>,
      %mul3A_120 = arith.mulf %get3A_119, %get3A_3 : vector<16xf32>
      %add3A_121 = arith.addf %mul3A_120, %get3A_5 : vector<16xf32>
      %max3A_122 = arith.constant 1.310720e+05 : f32
      %max3A_123 = vector.broadcast %max3A_122 : f32 to vector<16xf32>
      %max3A_124 = arith.maximumf %add3A_121, %max3A_123 : vector<16xf32>
      %min3A_125 = arith.constant 1.351670e+05 : f32
      %min3A_126 = vector.broadcast %min3A_125 : f32 to vector<16xf32>
      %min3A_127 = arith.minimumf %max3A_124, %min3A_126 : vector<16xf32>
      %convert_element_type3A_128 = arith.fptosi %min3A_127 : vector<16xf32> to vector<16xi32>
      %mul3A_129 = arith.constant 16 : i32
      %mul3A_130 = vector.broadcast %mul3A_129 : i32 to vector<16xi32>
      %mul3A_131 = arith.muli %convert_element_type3A_128, %mul3A_130 : vector<16xi32>
      %add3A_132 = arith.addi %mul3A_131, %sub3A_7 : vector<16xi32>
      tpu.vector_store_idx %arg8[%add3A_132], %broadcast_in_dim3A_8 {add = true} : memref<65536xf32, #tpu.memory_space<vmem>>[vector<16xi32>], vector<16xf32>,
      %mul3A_133 = arith.constant 128 : i32
      %mul3A_134 = arith.muli %scan3A_40, %mul3A_133 : i32
      %add3A_135 = arith.constant 80 : i32
      %add3A_136 = arith.addi %mul3A_134, %add3A_135 : i32
      %get3A_137 = arith.index_cast %add3A_136 : i32 to index
      %get3A_138 = tpu.vector_load %arg7[%get3A_137] {strides = array<i32>} : memref<32768xf32, #tpu.memory_space<vmem>>, vector<16xf32>,
      %mul3A_139 = arith.mulf %get3A_138, %get3A_3 : vector<16xf32>
      %add3A_140 = arith.addf %mul3A_139, %get3A_5 : vector<16xf32>
      %max3A_141 = arith.constant 1.310720e+05 : f32
      %max3A_142 = vector.broadcast %max3A_141 : f32 to vector<16xf32>
      %max3A_143 = arith.maximumf %add3A_140, %max3A_142 : vector<16xf32>
      %min3A_144 = arith.constant 1.351670e+05 : f32
      %min3A_145 = vector.broadcast %min3A_144 : f32 to vector<16xf32>
      %min3A_146 = arith.minimumf %max3A_143, %min3A_145 : vector<16xf32>
      %convert_element_type3A_147 = arith.fptosi %min3A_146 : vector<16xf32> to vector<16xi32>
      %mul3A_148 = arith.constant 16 : i32
      %mul3A_149 = vector.broadcast %mul3A_148 : i32 to vector<16xi32>
      %mul3A_150 = arith.muli %convert_element_type3A_147, %mul3A_149 : vector<16xi32>
      %add3A_151 = arith.addi %mul3A_150, %sub3A_7 : vector<16xi32>
      tpu.vector_store_idx %arg8[%add3A_151], %broadcast_in_dim3A_8 {add = true} : memref<65536xf32, #tpu.memory_space<vmem>>[vector<16xi32>], vector<16xf32>,
      %mul3A_152 = arith.constant 128 : i32
      %mul3A_153 = arith.muli %scan3A_40, %mul3A_152 : i32
      %add3A_154 = arith.constant 96 : i32
      %add3A_155 = arith.addi %mul3A_153, %add3A_154 : i32
      %get3A_156 = arith.index_cast %add3A_155 : i32 to index
      %get3A_157 = tpu.vector_load %arg7[%get3A_156] {strides = array<i32>} : memref<32768xf32, #tpu.memory_space<vmem>>, vector<16xf32>,
      %mul3A_158 = arith.mulf %get3A_157, %get3A_3 : vector<16xf32>
      %add3A_159 = arith.addf %mul3A_158, %get3A_5 : vector<16xf32>
      %max3A_160 = arith.constant 1.310720e+05 : f32
      %max3A_161 = vector.broadcast %max3A_160 : f32 to vector<16xf32>
      %max3A_162 = arith.maximumf %add3A_159, %max3A_161 : vector<16xf32>
      %min3A_163 = arith.constant 1.351670e+05 : f32
      %min3A_164 = vector.broadcast %min3A_163 : f32 to vector<16xf32>
      %min3A_165 = arith.minimumf %max3A_162, %min3A_164 : vector<16xf32>
      %convert_element_type3A_166 = arith.fptosi %min3A_165 : vector<16xf32> to vector<16xi32>
      %mul3A_167 = arith.constant 16 : i32
      %mul3A_168 = vector.broadcast %mul3A_167 : i32 to vector<16xi32>
      %mul3A_169 = arith.muli %convert_element_type3A_166, %mul3A_168 : vector<16xi32>
      %add3A_170 = arith.addi %mul3A_169, %sub3A_7 : vector<16xi32>
      tpu.vector_store_idx %arg8[%add3A_170], %broadcast_in_dim3A_8 {add = true} : memref<65536xf32, #tpu.memory_space<vmem>>[vector<16xi32>], vector<16xf32>,
      %mul3A_171 = arith.constant 128 : i32
      %mul3A_172 = arith.muli %scan3A_40, %mul3A_171 : i32
      %add3A_173 = arith.constant 112 : i32
      %add3A_174 = arith.addi %mul3A_172, %add3A_173 : i32
      %get3A_175 = arith.index_cast %add3A_174 : i32 to index
      %get3A_176 = tpu.vector_load %arg7[%get3A_175] {strides = array<i32>} : memref<32768xf32, #tpu.memory_space<vmem>>, vector<16xf32>,
      %mul3A_177 = arith.mulf %get3A_176, %get3A_3 : vector<16xf32>
      %add3A_178 = arith.addf %mul3A_177, %get3A_5 : vector<16xf32>
      %max3A_179 = arith.constant 1.310720e+05 : f32
      %max3A_180 = vector.broadcast %max3A_179 : f32 to vector<16xf32>
      %max3A_181 = arith.maximumf %add3A_178, %max3A_180 : vector<16xf32>
      %min3A_182 = arith.constant 1.351670e+05 : f32
      %min3A_183 = vector.broadcast %min3A_182 : f32 to vector<16xf32>
      %min3A_184 = arith.minimumf %max3A_181, %min3A_183 : vector<16xf32>
      %convert_element_type3A_185 = arith.fptosi %min3A_184 : vector<16xf32> to vector<16xi32>
      %mul3A_186 = arith.constant 16 : i32
      %mul3A_187 = vector.broadcast %mul3A_186 : i32 to vector<16xi32>
      %mul3A_188 = arith.muli %convert_element_type3A_185, %mul3A_187 : vector<16xi32>
      %add3A_189 = arith.addi %mul3A_188, %sub3A_7 : vector<16xi32>
      tpu.vector_store_idx %arg8[%add3A_189], %broadcast_in_dim3A_8 {add = true} : memref<65536xf32, #tpu.memory_space<vmem>>[vector<16xi32>], vector<16xf32>,
    }
    %scan3A_23 = arith.constant 256 : i32
    %add3A_24 = arith.constant 65536 : i32
    %add3A_25 = arith.addi %mul3A_2, %add3A_24 : i32
    "tpu.region"() ({
      %run_scoped3A = tpu.sem_alloc : memref<!tpu.dma_semaphore, #tpu.memory_space<semaphore_mem>>
      %dma_start3A = tpu.memref_slice %arg2[%add3A_25] : memref<4194304xf32, #tpu.memory_space<hbm>> -> memref<32768xf32, #tpu.memory_space<hbm>>
      %dma_start3A_40 = tpu.memref_slice %arg2[%add3A_25] : memref<4194304xf32, #tpu.memory_space<hbm>> -> memref<32768xf32, #tpu.memory_space<hbm>>
      tpu.enqueue_dma source(%dma_start3A_40 : memref<32768xf32, #tpu.memory_space<hbm>>) target(%arg7 : memref<32768xf32, #tpu.memory_space<vmem>>) target_semaphore(%run_scoped3A : memref<!tpu.dma_semaphore, #tpu.memory_space<semaphore_mem>>)
      %dma_wait3A = tpu.memref_slice %arg2[%add3A_25] : memref<4194304xf32, #tpu.memory_space<hbm>> -> memref<32768xf32, #tpu.memory_space<hbm>>
      %dma_wait3A_41 = tpu.memref_slice %arg2[%add3A_25] : memref<4194304xf32, #tpu.memory_space<hbm>> -> memref<32768xf32, #tpu.memory_space<hbm>>
      tpu.wait_dma2 semaphore(%run_scoped3A : memref<!tpu.dma_semaphore, #tpu.memory_space<semaphore_mem>>) src(%dma_wait3A_41 : memref<32768xf32, #tpu.memory_space<hbm>>) dst(%arg7 : memref<32768xf32, #tpu.memory_space<vmem>>)
      tpu.yield
    }) : () -> ()
    %scan3A_26 = arith.constant 0 : i32
    %scan3A_27 = arith.constant 0 : i32
    %scan3A_28 = arith.constant 256 : i32
    %scan3A_29 = arith.addi %scan3A_27, %scan3A_28 : i32
    %scan3A_30 = arith.constant 1 : i32
    scf.for %scan3A_40 = %scan3A_27 to %scan3A_29 step %scan3A_30  : i32 {
      %mul3A_41 = arith.constant 128 : i32
      %mul3A_42 = arith.muli %scan3A_40, %mul3A_41 : i32
      %add3A_43 = arith.constant 0 : i32
      %add3A_44 = arith.addi %mul3A_42, %add3A_43 : i32
      %get3A_45 = arith.index_cast %add3A_44 : i32 to index
      %get3A_46 = tpu.vector_load %arg7[%get3A_45] {strides = array<i32>} : memref<32768xf32, #tpu.memory_space<vmem>>, vector<16xf32>,
      %mul3A_47 = arith.mulf %get3A_46, %get3A_3 : vector<16xf32>
      %add3A_48 = arith.addf %mul3A_47, %get3A_5 : vector<16xf32>
      %max3A = arith.constant 1.310720e+05 : f32
      %max3A_49 = vector.broadcast %max3A : f32 to vector<16xf32>
      %max3A_50 = arith.maximumf %add3A_48, %max3A_49 : vector<16xf32>
      %min3A = arith.constant 1.351670e+05 : f32
      %min3A_51 = vector.broadcast %min3A : f32 to vector<16xf32>
      %min3A_52 = arith.minimumf %max3A_50, %min3A_51 : vector<16xf32>
      %convert_element_type3A = arith.fptosi %min3A_52 : vector<16xf32> to vector<16xi32>
      %mul3A_53 = arith.constant 16 : i32
      %mul3A_54 = vector.broadcast %mul3A_53 : i32 to vector<16xi32>
      %mul3A_55 = arith.muli %convert_element_type3A, %mul3A_54 : vector<16xi32>
      %add3A_56 = arith.addi %mul3A_55, %sub3A_7 : vector<16xi32>
      tpu.vector_store_idx %arg8[%add3A_56], %broadcast_in_dim3A_8 {add = true} : memref<65536xf32, #tpu.memory_space<vmem>>[vector<16xi32>], vector<16xf32>,
      %mul3A_57 = arith.constant 128 : i32
      %mul3A_58 = arith.muli %scan3A_40, %mul3A_57 : i32
      %add3A_59 = arith.constant 16 : i32
      %add3A_60 = arith.addi %mul3A_58, %add3A_59 : i32
      %get3A_61 = arith.index_cast %add3A_60 : i32 to index
      %get3A_62 = tpu.vector_load %arg7[%get3A_61] {strides = array<i32>} : memref<32768xf32, #tpu.memory_space<vmem>>, vector<16xf32>,
      %mul3A_63 = arith.mulf %get3A_62, %get3A_3 : vector<16xf32>
      %add3A_64 = arith.addf %mul3A_63, %get3A_5 : vector<16xf32>
      %max3A_65 = arith.constant 1.310720e+05 : f32
      %max3A_66 = vector.broadcast %max3A_65 : f32 to vector<16xf32>
      %max3A_67 = arith.maximumf %add3A_64, %max3A_66 : vector<16xf32>
      %min3A_68 = arith.constant 1.351670e+05 : f32
      %min3A_69 = vector.broadcast %min3A_68 : f32 to vector<16xf32>
      %min3A_70 = arith.minimumf %max3A_67, %min3A_69 : vector<16xf32>
      %convert_element_type3A_71 = arith.fptosi %min3A_70 : vector<16xf32> to vector<16xi32>
      %mul3A_72 = arith.constant 16 : i32
      %mul3A_73 = vector.broadcast %mul3A_72 : i32 to vector<16xi32>
      %mul3A_74 = arith.muli %convert_element_type3A_71, %mul3A_73 : vector<16xi32>
      %add3A_75 = arith.addi %mul3A_74, %sub3A_7 : vector<16xi32>
      tpu.vector_store_idx %arg8[%add3A_75], %broadcast_in_dim3A_8 {add = true} : memref<65536xf32, #tpu.memory_space<vmem>>[vector<16xi32>], vector<16xf32>,
      %mul3A_76 = arith.constant 128 : i32
      %mul3A_77 = arith.muli %scan3A_40, %mul3A_76 : i32
      %add3A_78 = arith.constant 32 : i32
      %add3A_79 = arith.addi %mul3A_77, %add3A_78 : i32
      %get3A_80 = arith.index_cast %add3A_79 : i32 to index
      %get3A_81 = tpu.vector_load %arg7[%get3A_80] {strides = array<i32>} : memref<32768xf32, #tpu.memory_space<vmem>>, vector<16xf32>,
      %mul3A_82 = arith.mulf %get3A_81, %get3A_3 : vector<16xf32>
      %add3A_83 = arith.addf %mul3A_82, %get3A_5 : vector<16xf32>
      %max3A_84 = arith.constant 1.310720e+05 : f32
      %max3A_85 = vector.broadcast %max3A_84 : f32 to vector<16xf32>
      %max3A_86 = arith.maximumf %add3A_83, %max3A_85 : vector<16xf32>
      %min3A_87 = arith.constant 1.351670e+05 : f32
      %min3A_88 = vector.broadcast %min3A_87 : f32 to vector<16xf32>
      %min3A_89 = arith.minimumf %max3A_86, %min3A_88 : vector<16xf32>
      %convert_element_type3A_90 = arith.fptosi %min3A_89 : vector<16xf32> to vector<16xi32>
      %mul3A_91 = arith.constant 16 : i32
      %mul3A_92 = vector.broadcast %mul3A_91 : i32 to vector<16xi32>
      %mul3A_93 = arith.muli %convert_element_type3A_90, %mul3A_92 : vector<16xi32>
      %add3A_94 = arith.addi %mul3A_93, %sub3A_7 : vector<16xi32>
      tpu.vector_store_idx %arg8[%add3A_94], %broadcast_in_dim3A_8 {add = true} : memref<65536xf32, #tpu.memory_space<vmem>>[vector<16xi32>], vector<16xf32>,
      %mul3A_95 = arith.constant 128 : i32
      %mul3A_96 = arith.muli %scan3A_40, %mul3A_95 : i32
      %add3A_97 = arith.constant 48 : i32
      %add3A_98 = arith.addi %mul3A_96, %add3A_97 : i32
      %get3A_99 = arith.index_cast %add3A_98 : i32 to index
      %get3A_100 = tpu.vector_load %arg7[%get3A_99] {strides = array<i32>} : memref<32768xf32, #tpu.memory_space<vmem>>, vector<16xf32>,
      %mul3A_101 = arith.mulf %get3A_100, %get3A_3 : vector<16xf32>
      %add3A_102 = arith.addf %mul3A_101, %get3A_5 : vector<16xf32>
      %max3A_103 = arith.constant 1.310720e+05 : f32
      %max3A_104 = vector.broadcast %max3A_103 : f32 to vector<16xf32>
      %max3A_105 = arith.maximumf %add3A_102, %max3A_104 : vector<16xf32>
      %min3A_106 = arith.constant 1.351670e+05 : f32
      %min3A_107 = vector.broadcast %min3A_106 : f32 to vector<16xf32>
      %min3A_108 = arith.minimumf %max3A_105, %min3A_107 : vector<16xf32>
      %convert_element_type3A_109 = arith.fptosi %min3A_108 : vector<16xf32> to vector<16xi32>
      %mul3A_110 = arith.constant 16 : i32
      %mul3A_111 = vector.broadcast %mul3A_110 : i32 to vector<16xi32>
      %mul3A_112 = arith.muli %convert_element_type3A_109, %mul3A_111 : vector<16xi32>
      %add3A_113 = arith.addi %mul3A_112, %sub3A_7 : vector<16xi32>
      tpu.vector_store_idx %arg8[%add3A_113], %broadcast_in_dim3A_8 {add = true} : memref<65536xf32, #tpu.memory_space<vmem>>[vector<16xi32>], vector<16xf32>,
      %mul3A_114 = arith.constant 128 : i32
      %mul3A_115 = arith.muli %scan3A_40, %mul3A_114 : i32
      %add3A_116 = arith.constant 64 : i32
      %add3A_117 = arith.addi %mul3A_115, %add3A_116 : i32
      %get3A_118 = arith.index_cast %add3A_117 : i32 to index
      %get3A_119 = tpu.vector_load %arg7[%get3A_118] {strides = array<i32>} : memref<32768xf32, #tpu.memory_space<vmem>>, vector<16xf32>,
      %mul3A_120 = arith.mulf %get3A_119, %get3A_3 : vector<16xf32>
      %add3A_121 = arith.addf %mul3A_120, %get3A_5 : vector<16xf32>
      %max3A_122 = arith.constant 1.310720e+05 : f32
      %max3A_123 = vector.broadcast %max3A_122 : f32 to vector<16xf32>
      %max3A_124 = arith.maximumf %add3A_121, %max3A_123 : vector<16xf32>
      %min3A_125 = arith.constant 1.351670e+05 : f32
      %min3A_126 = vector.broadcast %min3A_125 : f32 to vector<16xf32>
      %min3A_127 = arith.minimumf %max3A_124, %min3A_126 : vector<16xf32>
      %convert_element_type3A_128 = arith.fptosi %min3A_127 : vector<16xf32> to vector<16xi32>
      %mul3A_129 = arith.constant 16 : i32
      %mul3A_130 = vector.broadcast %mul3A_129 : i32 to vector<16xi32>
      %mul3A_131 = arith.muli %convert_element_type3A_128, %mul3A_130 : vector<16xi32>
      %add3A_132 = arith.addi %mul3A_131, %sub3A_7 : vector<16xi32>
      tpu.vector_store_idx %arg8[%add3A_132], %broadcast_in_dim3A_8 {add = true} : memref<65536xf32, #tpu.memory_space<vmem>>[vector<16xi32>], vector<16xf32>,
      %mul3A_133 = arith.constant 128 : i32
      %mul3A_134 = arith.muli %scan3A_40, %mul3A_133 : i32
      %add3A_135 = arith.constant 80 : i32
      %add3A_136 = arith.addi %mul3A_134, %add3A_135 : i32
      %get3A_137 = arith.index_cast %add3A_136 : i32 to index
      %get3A_138 = tpu.vector_load %arg7[%get3A_137] {strides = array<i32>} : memref<32768xf32, #tpu.memory_space<vmem>>, vector<16xf32>,
      %mul3A_139 = arith.mulf %get3A_138, %get3A_3 : vector<16xf32>
      %add3A_140 = arith.addf %mul3A_139, %get3A_5 : vector<16xf32>
      %max3A_141 = arith.constant 1.310720e+05 : f32
      %max3A_142 = vector.broadcast %max3A_141 : f32 to vector<16xf32>
      %max3A_143 = arith.maximumf %add3A_140, %max3A_142 : vector<16xf32>
      %min3A_144 = arith.constant 1.351670e+05 : f32
      %min3A_145 = vector.broadcast %min3A_144 : f32 to vector<16xf32>
      %min3A_146 = arith.minimumf %max3A_143, %min3A_145 : vector<16xf32>
      %convert_element_type3A_147 = arith.fptosi %min3A_146 : vector<16xf32> to vector<16xi32>
      %mul3A_148 = arith.constant 16 : i32
      %mul3A_149 = vector.broadcast %mul3A_148 : i32 to vector<16xi32>
      %mul3A_150 = arith.muli %convert_element_type3A_147, %mul3A_149 : vector<16xi32>
      %add3A_151 = arith.addi %mul3A_150, %sub3A_7 : vector<16xi32>
      tpu.vector_store_idx %arg8[%add3A_151], %broadcast_in_dim3A_8 {add = true} : memref<65536xf32, #tpu.memory_space<vmem>>[vector<16xi32>], vector<16xf32>,
      %mul3A_152 = arith.constant 128 : i32
      %mul3A_153 = arith.muli %scan3A_40, %mul3A_152 : i32
      %add3A_154 = arith.constant 96 : i32
      %add3A_155 = arith.addi %mul3A_153, %add3A_154 : i32
      %get3A_156 = arith.index_cast %add3A_155 : i32 to index
      %get3A_157 = tpu.vector_load %arg7[%get3A_156] {strides = array<i32>} : memref<32768xf32, #tpu.memory_space<vmem>>, vector<16xf32>,
      %mul3A_158 = arith.mulf %get3A_157, %get3A_3 : vector<16xf32>
      %add3A_159 = arith.addf %mul3A_158, %get3A_5 : vector<16xf32>
      %max3A_160 = arith.constant 1.310720e+05 : f32
      %max3A_161 = vector.broadcast %max3A_160 : f32 to vector<16xf32>
      %max3A_162 = arith.maximumf %add3A_159, %max3A_161 : vector<16xf32>
      %min3A_163 = arith.constant 1.351670e+05 : f32
      %min3A_164 = vector.broadcast %min3A_163 : f32 to vector<16xf32>
      %min3A_165 = arith.minimumf %max3A_162, %min3A_164 : vector<16xf32>
      %convert_element_type3A_166 = arith.fptosi %min3A_165 : vector<16xf32> to vector<16xi32>
      %mul3A_167 = arith.constant 16 : i32
      %mul3A_168 = vector.broadcast %mul3A_167 : i32 to vector<16xi32>
      %mul3A_169 = arith.muli %convert_element_type3A_166, %mul3A_168 : vector<16xi32>
      %add3A_170 = arith.addi %mul3A_169, %sub3A_7 : vector<16xi32>
      tpu.vector_store_idx %arg8[%add3A_170], %broadcast_in_dim3A_8 {add = true} : memref<65536xf32, #tpu.memory_space<vmem>>[vector<16xi32>], vector<16xf32>,
      %mul3A_171 = arith.constant 128 : i32
      %mul3A_172 = arith.muli %scan3A_40, %mul3A_171 : i32
      %add3A_173 = arith.constant 112 : i32
      %add3A_174 = arith.addi %mul3A_172, %add3A_173 : i32
      %get3A_175 = arith.index_cast %add3A_174 : i32 to index
      %get3A_176 = tpu.vector_load %arg7[%get3A_175] {strides = array<i32>} : memref<32768xf32, #tpu.memory_space<vmem>>, vector<16xf32>,
      %mul3A_177 = arith.mulf %get3A_176, %get3A_3 : vector<16xf32>
      %add3A_178 = arith.addf %mul3A_177, %get3A_5 : vector<16xf32>
      %max3A_179 = arith.constant 1.310720e+05 : f32
      %max3A_180 = vector.broadcast %max3A_179 : f32 to vector<16xf32>
      %max3A_181 = arith.maximumf %add3A_178, %max3A_180 : vector<16xf32>
      %min3A_182 = arith.constant 1.351670e+05 : f32
      %min3A_183 = vector.broadcast %min3A_182 : f32 to vector<16xf32>
      %min3A_184 = arith.minimumf %max3A_181, %min3A_183 : vector<16xf32>
      %convert_element_type3A_185 = arith.fptosi %min3A_184 : vector<16xf32> to vector<16xi32>
      %mul3A_186 = arith.constant 16 : i32
      %mul3A_187 = vector.broadcast %mul3A_186 : i32 to vector<16xi32>
      %mul3A_188 = arith.muli %convert_element_type3A_185, %mul3A_187 : vector<16xi32>
      %add3A_189 = arith.addi %mul3A_188, %sub3A_7 : vector<16xi32>
      tpu.vector_store_idx %arg8[%add3A_189], %broadcast_in_dim3A_8 {add = true} : memref<65536xf32, #tpu.memory_space<vmem>>[vector<16xi32>], vector<16xf32>,
    }
    %scan3A_31 = arith.constant 256 : i32
    %add3A_32 = arith.constant 98304 : i32
    %add3A_33 = arith.addi %mul3A_2, %add3A_32 : i32
    "tpu.region"() ({
      %run_scoped3A = tpu.sem_alloc : memref<!tpu.dma_semaphore, #tpu.memory_space<semaphore_mem>>
      %dma_start3A = tpu.memref_slice %arg2[%add3A_33] : memref<4194304xf32, #tpu.memory_space<hbm>> -> memref<32768xf32, #tpu.memory_space<hbm>>
      %dma_start3A_40 = tpu.memref_slice %arg2[%add3A_33] : memref<4194304xf32, #tpu.memory_space<hbm>> -> memref<32768xf32, #tpu.memory_space<hbm>>
      tpu.enqueue_dma source(%dma_start3A_40 : memref<32768xf32, #tpu.memory_space<hbm>>) target(%arg7 : memref<32768xf32, #tpu.memory_space<vmem>>) target_semaphore(%run_scoped3A : memref<!tpu.dma_semaphore, #tpu.memory_space<semaphore_mem>>)
      %dma_wait3A = tpu.memref_slice %arg2[%add3A_33] : memref<4194304xf32, #tpu.memory_space<hbm>> -> memref<32768xf32, #tpu.memory_space<hbm>>
      %dma_wait3A_41 = tpu.memref_slice %arg2[%add3A_33] : memref<4194304xf32, #tpu.memory_space<hbm>> -> memref<32768xf32, #tpu.memory_space<hbm>>
      tpu.wait_dma2 semaphore(%run_scoped3A : memref<!tpu.dma_semaphore, #tpu.memory_space<semaphore_mem>>) src(%dma_wait3A_41 : memref<32768xf32, #tpu.memory_space<hbm>>) dst(%arg7 : memref<32768xf32, #tpu.memory_space<vmem>>)
      tpu.yield
    }) : () -> ()
    %scan3A_34 = arith.constant 0 : i32
    %scan3A_35 = arith.constant 0 : i32
    %scan3A_36 = arith.constant 256 : i32
    %scan3A_37 = arith.addi %scan3A_35, %scan3A_36 : i32
    %scan3A_38 = arith.constant 1 : i32
    scf.for %scan3A_40 = %scan3A_35 to %scan3A_37 step %scan3A_38  : i32 {
      %mul3A_41 = arith.constant 128 : i32
      %mul3A_42 = arith.muli %scan3A_40, %mul3A_41 : i32
      %add3A_43 = arith.constant 0 : i32
      %add3A_44 = arith.addi %mul3A_42, %add3A_43 : i32
      %get3A_45 = arith.index_cast %add3A_44 : i32 to index
      %get3A_46 = tpu.vector_load %arg7[%get3A_45] {strides = array<i32>} : memref<32768xf32, #tpu.memory_space<vmem>>, vector<16xf32>,
      %mul3A_47 = arith.mulf %get3A_46, %get3A_3 : vector<16xf32>
      %add3A_48 = arith.addf %mul3A_47, %get3A_5 : vector<16xf32>
      %max3A = arith.constant 1.310720e+05 : f32
      %max3A_49 = vector.broadcast %max3A : f32 to vector<16xf32>
      %max3A_50 = arith.maximumf %add3A_48, %max3A_49 : vector<16xf32>
      %min3A = arith.constant 1.351670e+05 : f32
      %min3A_51 = vector.broadcast %min3A : f32 to vector<16xf32>
      %min3A_52 = arith.minimumf %max3A_50, %min3A_51 : vector<16xf32>
      %convert_element_type3A = arith.fptosi %min3A_52 : vector<16xf32> to vector<16xi32>
      %mul3A_53 = arith.constant 16 : i32
      %mul3A_54 = vector.broadcast %mul3A_53 : i32 to vector<16xi32>
      %mul3A_55 = arith.muli %convert_element_type3A, %mul3A_54 : vector<16xi32>
      %add3A_56 = arith.addi %mul3A_55, %sub3A_7 : vector<16xi32>
      tpu.vector_store_idx %arg8[%add3A_56], %broadcast_in_dim3A_8 {add = true} : memref<65536xf32, #tpu.memory_space<vmem>>[vector<16xi32>], vector<16xf32>,
      %mul3A_57 = arith.constant 128 : i32
      %mul3A_58 = arith.muli %scan3A_40, %mul3A_57 : i32
      %add3A_59 = arith.constant 16 : i32
      %add3A_60 = arith.addi %mul3A_58, %add3A_59 : i32
      %get3A_61 = arith.index_cast %add3A_60 : i32 to index
      %get3A_62 = tpu.vector_load %arg7[%get3A_61] {strides = array<i32>} : memref<32768xf32, #tpu.memory_space<vmem>>, vector<16xf32>,
      %mul3A_63 = arith.mulf %get3A_62, %get3A_3 : vector<16xf32>
      %add3A_64 = arith.addf %mul3A_63, %get3A_5 : vector<16xf32>
      %max3A_65 = arith.constant 1.310720e+05 : f32
      %max3A_66 = vector.broadcast %max3A_65 : f32 to vector<16xf32>
      %max3A_67 = arith.maximumf %add3A_64, %max3A_66 : vector<16xf32>
      %min3A_68 = arith.constant 1.351670e+05 : f32
      %min3A_69 = vector.broadcast %min3A_68 : f32 to vector<16xf32>
      %min3A_70 = arith.minimumf %max3A_67, %min3A_69 : vector<16xf32>
      %convert_element_type3A_71 = arith.fptosi %min3A_70 : vector<16xf32> to vector<16xi32>
      %mul3A_72 = arith.constant 16 : i32
      %mul3A_73 = vector.broadcast %mul3A_72 : i32 to vector<16xi32>
      %mul3A_74 = arith.muli %convert_element_type3A_71, %mul3A_73 : vector<16xi32>
      %add3A_75 = arith.addi %mul3A_74, %sub3A_7 : vector<16xi32>
      tpu.vector_store_idx %arg8[%add3A_75], %broadcast_in_dim3A_8 {add = true} : memref<65536xf32, #tpu.memory_space<vmem>>[vector<16xi32>], vector<16xf32>,
      %mul3A_76 = arith.constant 128 : i32
      %mul3A_77 = arith.muli %scan3A_40, %mul3A_76 : i32
      %add3A_78 = arith.constant 32 : i32
      %add3A_79 = arith.addi %mul3A_77, %add3A_78 : i32
      %get3A_80 = arith.index_cast %add3A_79 : i32 to index
      %get3A_81 = tpu.vector_load %arg7[%get3A_80] {strides = array<i32>} : memref<32768xf32, #tpu.memory_space<vmem>>, vector<16xf32>,
      %mul3A_82 = arith.mulf %get3A_81, %get3A_3 : vector<16xf32>
      %add3A_83 = arith.addf %mul3A_82, %get3A_5 : vector<16xf32>
      %max3A_84 = arith.constant 1.310720e+05 : f32
      %max3A_85 = vector.broadcast %max3A_84 : f32 to vector<16xf32>
      %max3A_86 = arith.maximumf %add3A_83, %max3A_85 : vector<16xf32>
      %min3A_87 = arith.constant 1.351670e+05 : f32
      %min3A_88 = vector.broadcast %min3A_87 : f32 to vector<16xf32>
      %min3A_89 = arith.minimumf %max3A_86, %min3A_88 : vector<16xf32>
      %convert_element_type3A_90 = arith.fptosi %min3A_89 : vector<16xf32> to vector<16xi32>
      %mul3A_91 = arith.constant 16 : i32
      %mul3A_92 = vector.broadcast %mul3A_91 : i32 to vector<16xi32>
      %mul3A_93 = arith.muli %convert_element_type3A_90, %mul3A_92 : vector<16xi32>
      %add3A_94 = arith.addi %mul3A_93, %sub3A_7 : vector<16xi32>
      tpu.vector_store_idx %arg8[%add3A_94], %broadcast_in_dim3A_8 {add = true} : memref<65536xf32, #tpu.memory_space<vmem>>[vector<16xi32>], vector<16xf32>,
      %mul3A_95 = arith.constant 128 : i32
      %mul3A_96 = arith.muli %scan3A_40, %mul3A_95 : i32
      %add3A_97 = arith.constant 48 : i32
      %add3A_98 = arith.addi %mul3A_96, %add3A_97 : i32
      %get3A_99 = arith.index_cast %add3A_98 : i32 to index
      %get3A_100 = tpu.vector_load %arg7[%get3A_99] {strides = array<i32>} : memref<32768xf32, #tpu.memory_space<vmem>>, vector<16xf32>,
      %mul3A_101 = arith.mulf %get3A_100, %get3A_3 : vector<16xf32>
      %add3A_102 = arith.addf %mul3A_101, %get3A_5 : vector<16xf32>
      %max3A_103 = arith.constant 1.310720e+05 : f32
      %max3A_104 = vector.broadcast %max3A_103 : f32 to vector<16xf32>
      %max3A_105 = arith.maximumf %add3A_102, %max3A_104 : vector<16xf32>
      %min3A_106 = arith.constant 1.351670e+05 : f32
      %min3A_107 = vector.broadcast %min3A_106 : f32 to vector<16xf32>
      %min3A_108 = arith.minimumf %max3A_105, %min3A_107 : vector<16xf32>
      %convert_element_type3A_109 = arith.fptosi %min3A_108 : vector<16xf32> to vector<16xi32>
      %mul3A_110 = arith.constant 16 : i32
      %mul3A_111 = vector.broadcast %mul3A_110 : i32 to vector<16xi32>
      %mul3A_112 = arith.muli %convert_element_type3A_109, %mul3A_111 : vector<16xi32>
      %add3A_113 = arith.addi %mul3A_112, %sub3A_7 : vector<16xi32>
      tpu.vector_store_idx %arg8[%add3A_113], %broadcast_in_dim3A_8 {add = true} : memref<65536xf32, #tpu.memory_space<vmem>>[vector<16xi32>], vector<16xf32>,
      %mul3A_114 = arith.constant 128 : i32
      %mul3A_115 = arith.muli %scan3A_40, %mul3A_114 : i32
      %add3A_116 = arith.constant 64 : i32
      %add3A_117 = arith.addi %mul3A_115, %add3A_116 : i32
      %get3A_118 = arith.index_cast %add3A_117 : i32 to index
      %get3A_119 = tpu.vector_load %arg7[%get3A_118] {strides = array<i32>} : memref<32768xf32, #tpu.memory_space<vmem>>, vector<16xf32>,
      %mul3A_120 = arith.mulf %get3A_119, %get3A_3 : vector<16xf32>
      %add3A_121 = arith.addf %mul3A_120, %get3A_5 : vector<16xf32>
      %max3A_122 = arith.constant 1.310720e+05 : f32
      %max3A_123 = vector.broadcast %max3A_122 : f32 to vector<16xf32>
      %max3A_124 = arith.maximumf %add3A_121, %max3A_123 : vector<16xf32>
      %min3A_125 = arith.constant 1.351670e+05 : f32
      %min3A_126 = vector.broadcast %min3A_125 : f32 to vector<16xf32>
      %min3A_127 = arith.minimumf %max3A_124, %min3A_126 : vector<16xf32>
      %convert_element_type3A_128 = arith.fptosi %min3A_127 : vector<16xf32> to vector<16xi32>
      %mul3A_129 = arith.constant 16 : i32
      %mul3A_130 = vector.broadcast %mul3A_129 : i32 to vector<16xi32>
      %mul3A_131 = arith.muli %convert_element_type3A_128, %mul3A_130 : vector<16xi32>
      %add3A_132 = arith.addi %mul3A_131, %sub3A_7 : vector<16xi32>
      tpu.vector_store_idx %arg8[%add3A_132], %broadcast_in_dim3A_8 {add = true} : memref<65536xf32, #tpu.memory_space<vmem>>[vector<16xi32>], vector<16xf32>,
      %mul3A_133 = arith.constant 128 : i32
      %mul3A_134 = arith.muli %scan3A_40, %mul3A_133 : i32
      %add3A_135 = arith.constant 80 : i32
      %add3A_136 = arith.addi %mul3A_134, %add3A_135 : i32
      %get3A_137 = arith.index_cast %add3A_136 : i32 to index
      %get3A_138 = tpu.vector_load %arg7[%get3A_137] {strides = array<i32>} : memref<32768xf32, #tpu.memory_space<vmem>>, vector<16xf32>,
      %mul3A_139 = arith.mulf %get3A_138, %get3A_3 : vector<16xf32>
      %add3A_140 = arith.addf %mul3A_139, %get3A_5 : vector<16xf32>
      %max3A_141 = arith.constant 1.310720e+05 : f32
      %max3A_142 = vector.broadcast %max3A_141 : f32 to vector<16xf32>
      %max3A_143 = arith.maximumf %add3A_140, %max3A_142 : vector<16xf32>
      %min3A_144 = arith.constant 1.351670e+05 : f32
      %min3A_145 = vector.broadcast %min3A_144 : f32 to vector<16xf32>
      %min3A_146 = arith.minimumf %max3A_143, %min3A_145 : vector<16xf32>
      %convert_element_type3A_147 = arith.fptosi %min3A_146 : vector<16xf32> to vector<16xi32>
      %mul3A_148 = arith.constant 16 : i32
      %mul3A_149 = vector.broadcast %mul3A_148 : i32 to vector<16xi32>
      %mul3A_150 = arith.muli %convert_element_type3A_147, %mul3A_149 : vector<16xi32>
      %add3A_151 = arith.addi %mul3A_150, %sub3A_7 : vector<16xi32>
      tpu.vector_store_idx %arg8[%add3A_151], %broadcast_in_dim3A_8 {add = true} : memref<65536xf32, #tpu.memory_space<vmem>>[vector<16xi32>], vector<16xf32>,
      %mul3A_152 = arith.constant 128 : i32
      %mul3A_153 = arith.muli %scan3A_40, %mul3A_152 : i32
      %add3A_154 = arith.constant 96 : i32
      %add3A_155 = arith.addi %mul3A_153, %add3A_154 : i32
      %get3A_156 = arith.index_cast %add3A_155 : i32 to index
      %get3A_157 = tpu.vector_load %arg7[%get3A_156] {strides = array<i32>} : memref<32768xf32, #tpu.memory_space<vmem>>, vector<16xf32>,
      %mul3A_158 = arith.mulf %get3A_157, %get3A_3 : vector<16xf32>
      %add3A_159 = arith.addf %mul3A_158, %get3A_5 : vector<16xf32>
      %max3A_160 = arith.constant 1.310720e+05 : f32
      %max3A_161 = vector.broadcast %max3A_160 : f32 to vector<16xf32>
      %max3A_162 = arith.maximumf %add3A_159, %max3A_161 : vector<16xf32>
      %min3A_163 = arith.constant 1.351670e+05 : f32
      %min3A_164 = vector.broadcast %min3A_163 : f32 to vector<16xf32>
      %min3A_165 = arith.minimumf %max3A_162, %min3A_164 : vector<16xf32>
      %convert_element_type3A_166 = arith.fptosi %min3A_165 : vector<16xf32> to vector<16xi32>
      %mul3A_167 = arith.constant 16 : i32
      %mul3A_168 = vector.broadcast %mul3A_167 : i32 to vector<16xi32>
      %mul3A_169 = arith.muli %convert_element_type3A_166, %mul3A_168 : vector<16xi32>
      %add3A_170 = arith.addi %mul3A_169, %sub3A_7 : vector<16xi32>
      tpu.vector_store_idx %arg8[%add3A_170], %broadcast_in_dim3A_8 {add = true} : memref<65536xf32, #tpu.memory_space<vmem>>[vector<16xi32>], vector<16xf32>,
      %mul3A_171 = arith.constant 128 : i32
      %mul3A_172 = arith.muli %scan3A_40, %mul3A_171 : i32
      %add3A_173 = arith.constant 112 : i32
      %add3A_174 = arith.addi %mul3A_172, %add3A_173 : i32
      %get3A_175 = arith.index_cast %add3A_174 : i32 to index
      %get3A_176 = tpu.vector_load %arg7[%get3A_175] {strides = array<i32>} : memref<32768xf32, #tpu.memory_space<vmem>>, vector<16xf32>,
      %mul3A_177 = arith.mulf %get3A_176, %get3A_3 : vector<16xf32>
      %add3A_178 = arith.addf %mul3A_177, %get3A_5 : vector<16xf32>
      %max3A_179 = arith.constant 1.310720e+05 : f32
      %max3A_180 = vector.broadcast %max3A_179 : f32 to vector<16xf32>
      %max3A_181 = arith.maximumf %add3A_178, %max3A_180 : vector<16xf32>
      %min3A_182 = arith.constant 1.351670e+05 : f32
      %min3A_183 = vector.broadcast %min3A_182 : f32 to vector<16xf32>
      %min3A_184 = arith.minimumf %max3A_181, %min3A_183 : vector<16xf32>
      %convert_element_type3A_185 = arith.fptosi %min3A_184 : vector<16xf32> to vector<16xi32>
      %mul3A_186 = arith.constant 16 : i32
      %mul3A_187 = vector.broadcast %mul3A_186 : i32 to vector<16xi32>
      %mul3A_188 = arith.muli %convert_element_type3A_185, %mul3A_187 : vector<16xi32>
      %add3A_189 = arith.addi %mul3A_188, %sub3A_7 : vector<16xi32>
      tpu.vector_store_idx %arg8[%add3A_189], %broadcast_in_dim3A_8 {add = true} : memref<65536xf32, #tpu.memory_space<vmem>>[vector<16xi32>], vector<16xf32>,
    }
    %scan3A_39 = arith.constant 256 : i32
    "tpu.region"() ({
      %run_scoped3A = tpu.sem_alloc : memref<!tpu.dma_semaphore, #tpu.memory_space<semaphore_mem>>
      %dma_start3A = arith.constant 0 : i32
      %dma_start3A_40 = tpu.memref_slice %arg6[%add3A, %dma_start3A] : memref<32x65536xf32, #tpu.memory_space<hbm>> -> memref<1x65536xf32, #tpu.memory_space<hbm>>
      %dma_start3A_41 = tpu.memref_squeeze %dma_start3A_40 : memref<1x65536xf32, #tpu.memory_space<hbm>> -> memref<65536xf32, #tpu.memory_space<hbm>>
      %dma_start3A_42 = arith.constant 0 : i32
      %dma_start3A_43 = tpu.memref_slice %arg6[%add3A, %dma_start3A_42] : memref<32x65536xf32, #tpu.memory_space<hbm>> -> memref<1x65536xf32, #tpu.memory_space<hbm>>
      %dma_start3A_44 = tpu.memref_squeeze %dma_start3A_43 : memref<1x65536xf32, #tpu.memory_space<hbm>> -> memref<65536xf32, #tpu.memory_space<hbm>>
      tpu.enqueue_dma source(%arg8 : memref<65536xf32, #tpu.memory_space<vmem>>) target(%dma_start3A_44 : memref<65536xf32, #tpu.memory_space<hbm>>) target_semaphore(%run_scoped3A : memref<!tpu.dma_semaphore, #tpu.memory_space<semaphore_mem>>)
      %dma_wait3A = arith.constant 0 : i32
      %dma_wait3A_45 = tpu.memref_slice %arg6[%add3A, %dma_wait3A] : memref<32x65536xf32, #tpu.memory_space<hbm>> -> memref<1x65536xf32, #tpu.memory_space<hbm>>
      %dma_wait3A_46 = tpu.memref_squeeze %dma_wait3A_45 : memref<1x65536xf32, #tpu.memory_space<hbm>> -> memref<65536xf32, #tpu.memory_space<hbm>>
      %dma_wait3A_47 = arith.constant 0 : i32
      %dma_wait3A_48 = tpu.memref_slice %arg6[%add3A, %dma_wait3A_47] : memref<32x65536xf32, #tpu.memory_space<hbm>> -> memref<1x65536xf32, #tpu.memory_space<hbm>>
      %dma_wait3A_49 = tpu.memref_squeeze %dma_wait3A_48 : memref<1x65536xf32, #tpu.memory_space<hbm>> -> memref<65536xf32, #tpu.memory_space<hbm>>
      tpu.wait_dma2 semaphore(%run_scoped3A : memref<!tpu.dma_semaphore, #tpu.memory_space<semaphore_mem>>) src(%arg8 : memref<65536xf32, #tpu.memory_space<vmem>>) dst(%dma_wait3A_49 : memref<65536xf32, #tpu.memory_space<hbm>>)
      tpu.yield
    }) : () -> ()
    return
  }
}

module attributes {stable_mosaic.version = 14 : i64} {
  func.func @_agg_body(%arg0: i32, %arg1: memref<1x12x64x2048xf32, #tpu.memory_space<vmem>>, %arg2: memref<1x12xf32, #tpu.memory_space<smem>>, %arg3: memref<1x1xf32, #tpu.memory_space<smem>>, %arg4: memref<1x128xf32, #tpu.memory_space<smem>>, %arg5: memref<64x2048xf32, #tpu.memory_space<vmem>>, %arg6: memref<1x128xf32, #tpu.memory_space<vmem>>) attributes {dimension_semantics = [#tpu.dimension_semantics<arbitrary>], iteration_bounds = array<i64: 32>, scalar_prefetch = 0 : i64, scratch_operands = 0 : i64, tpu.core_type = #tpu.core_type<tc>, window_params = [{transform_indices = @transform_0, window_bounds = array<i64: 1, 12, 64, 2048>}, {transform_indices = @transform_1, window_bounds = array<i64: 1, 12>}, {transform_indices = @transform_2, window_bounds = array<i64: 1, 1>}, {transform_indices = @transform_3, window_bounds = array<i64: 1, 128>}, {transform_indices = @transform_4, window_bounds = array<i64: 64, 2048>}, {pipeline_mode = #tpu.pipeline_mode<synchronous>, transform_indices = @transform_5, window_bounds = array<i64: 1, 128>}]} {
    %get3A = arith.constant 0 : index
    %get3A_0 = arith.constant 0 : index
    %get3A_1 = memref.load %arg2[%get3A, %get3A_0] : memref<1x12xf32, #tpu.memory_space<smem>>
    %convert_element_type3A = arith.truncf %get3A_1 : f32 to bf16
    %convert_element_type3A_2 = arith.extf %convert_element_type3A : bf16 to f32
    %get3A_3 = arith.constant 0 : index
    %get3A_4 = arith.constant 0 : index
    %get3A_5 = arith.constant 0 : index
    %get3A_6 = arith.constant 0 : index
    %get3A_7 = vector.load %arg1[%get3A_3, %get3A_4, %get3A_5, %get3A_6] : memref<1x12x64x2048xf32, #tpu.memory_space<vmem>>, vector<1x1x64x2048xf32>
    %get3A_8 = vector.shape_cast %get3A_7 : vector<1x1x64x2048xf32> to vector<64x2048xf32>
    %convert_element_type3A_9 = arith.truncf %get3A_8 : vector<64x2048xf32> to vector<64x2048xbf16>
    %convert_element_type3A_10 = arith.extf %convert_element_type3A_9 : vector<64x2048xbf16> to vector<64x2048xf32>
    %mul3A = vector.broadcast %convert_element_type3A_2 : f32 to vector<64x2048xf32>
    %mul3A_11 = arith.mulf %mul3A, %convert_element_type3A_10 : vector<64x2048xf32>
    %get3A_12 = arith.constant 0 : index
    %get3A_13 = arith.constant 1 : index
    %get3A_14 = memref.load %arg2[%get3A_12, %get3A_13] : memref<1x12xf32, #tpu.memory_space<smem>>
    %convert_element_type3A_15 = arith.truncf %get3A_14 : f32 to bf16
    %convert_element_type3A_16 = arith.extf %convert_element_type3A_15 : bf16 to f32
    %get3A_17 = arith.constant 0 : index
    %get3A_18 = arith.constant 1 : index
    %get3A_19 = arith.constant 0 : index
    %get3A_20 = arith.constant 0 : index
    %get3A_21 = vector.load %arg1[%get3A_17, %get3A_18, %get3A_19, %get3A_20] : memref<1x12x64x2048xf32, #tpu.memory_space<vmem>>, vector<1x1x64x2048xf32>
    %get3A_22 = vector.shape_cast %get3A_21 : vector<1x1x64x2048xf32> to vector<64x2048xf32>
    %convert_element_type3A_23 = arith.truncf %get3A_22 : vector<64x2048xf32> to vector<64x2048xbf16>
    %convert_element_type3A_24 = arith.extf %convert_element_type3A_23 : vector<64x2048xbf16> to vector<64x2048xf32>
    %mul3A_25 = vector.broadcast %convert_element_type3A_16 : f32 to vector<64x2048xf32>
    %mul3A_26 = arith.mulf %mul3A_25, %convert_element_type3A_24 : vector<64x2048xf32>
    %add3A = arith.addf %mul3A_11, %mul3A_26 : vector<64x2048xf32>
    %get3A_27 = arith.constant 0 : index
    %get3A_28 = arith.constant 2 : index
    %get3A_29 = memref.load %arg2[%get3A_27, %get3A_28] : memref<1x12xf32, #tpu.memory_space<smem>>
    %convert_element_type3A_30 = arith.truncf %get3A_29 : f32 to bf16
    %convert_element_type3A_31 = arith.extf %convert_element_type3A_30 : bf16 to f32
    %get3A_32 = arith.constant 0 : index
    %get3A_33 = arith.constant 2 : index
    %get3A_34 = arith.constant 0 : index
    %get3A_35 = arith.constant 0 : index
    %get3A_36 = vector.load %arg1[%get3A_32, %get3A_33, %get3A_34, %get3A_35] : memref<1x12x64x2048xf32, #tpu.memory_space<vmem>>, vector<1x1x64x2048xf32>
    %get3A_37 = vector.shape_cast %get3A_36 : vector<1x1x64x2048xf32> to vector<64x2048xf32>
    %convert_element_type3A_38 = arith.truncf %get3A_37 : vector<64x2048xf32> to vector<64x2048xbf16>
    %convert_element_type3A_39 = arith.extf %convert_element_type3A_38 : vector<64x2048xbf16> to vector<64x2048xf32>
    %mul3A_40 = vector.broadcast %convert_element_type3A_31 : f32 to vector<64x2048xf32>
    %mul3A_41 = arith.mulf %mul3A_40, %convert_element_type3A_39 : vector<64x2048xf32>
    %add3A_42 = arith.addf %add3A, %mul3A_41 : vector<64x2048xf32>
    %get3A_43 = arith.constant 0 : index
    %get3A_44 = arith.constant 3 : index
    %get3A_45 = memref.load %arg2[%get3A_43, %get3A_44] : memref<1x12xf32, #tpu.memory_space<smem>>
    %convert_element_type3A_46 = arith.truncf %get3A_45 : f32 to bf16
    %convert_element_type3A_47 = arith.extf %convert_element_type3A_46 : bf16 to f32
    %get3A_48 = arith.constant 0 : index
    %get3A_49 = arith.constant 3 : index
    %get3A_50 = arith.constant 0 : index
    %get3A_51 = arith.constant 0 : index
    %get3A_52 = vector.load %arg1[%get3A_48, %get3A_49, %get3A_50, %get3A_51] : memref<1x12x64x2048xf32, #tpu.memory_space<vmem>>, vector<1x1x64x2048xf32>
    %get3A_53 = vector.shape_cast %get3A_52 : vector<1x1x64x2048xf32> to vector<64x2048xf32>
    %convert_element_type3A_54 = arith.truncf %get3A_53 : vector<64x2048xf32> to vector<64x2048xbf16>
    %convert_element_type3A_55 = arith.extf %convert_element_type3A_54 : vector<64x2048xbf16> to vector<64x2048xf32>
    %mul3A_56 = vector.broadcast %convert_element_type3A_47 : f32 to vector<64x2048xf32>
    %mul3A_57 = arith.mulf %mul3A_56, %convert_element_type3A_55 : vector<64x2048xf32>
    %add3A_58 = arith.addf %add3A_42, %mul3A_57 : vector<64x2048xf32>
    %get3A_59 = arith.constant 0 : index
    %get3A_60 = arith.constant 4 : index
    %get3A_61 = memref.load %arg2[%get3A_59, %get3A_60] : memref<1x12xf32, #tpu.memory_space<smem>>
    %convert_element_type3A_62 = arith.truncf %get3A_61 : f32 to bf16
    %convert_element_type3A_63 = arith.extf %convert_element_type3A_62 : bf16 to f32
    %get3A_64 = arith.constant 0 : index
    %get3A_65 = arith.constant 4 : index
    %get3A_66 = arith.constant 0 : index
    %get3A_67 = arith.constant 0 : index
    %get3A_68 = vector.load %arg1[%get3A_64, %get3A_65, %get3A_66, %get3A_67] : memref<1x12x64x2048xf32, #tpu.memory_space<vmem>>, vector<1x1x64x2048xf32>
    %get3A_69 = vector.shape_cast %get3A_68 : vector<1x1x64x2048xf32> to vector<64x2048xf32>
    %convert_element_type3A_70 = arith.truncf %get3A_69 : vector<64x2048xf32> to vector<64x2048xbf16>
    %convert_element_type3A_71 = arith.extf %convert_element_type3A_70 : vector<64x2048xbf16> to vector<64x2048xf32>
    %mul3A_72 = vector.broadcast %convert_element_type3A_63 : f32 to vector<64x2048xf32>
    %mul3A_73 = arith.mulf %mul3A_72, %convert_element_type3A_71 : vector<64x2048xf32>
    %add3A_74 = arith.addf %add3A_58, %mul3A_73 : vector<64x2048xf32>
    %get3A_75 = arith.constant 0 : index
    %get3A_76 = arith.constant 5 : index
    %get3A_77 = memref.load %arg2[%get3A_75, %get3A_76] : memref<1x12xf32, #tpu.memory_space<smem>>
    %convert_element_type3A_78 = arith.truncf %get3A_77 : f32 to bf16
    %convert_element_type3A_79 = arith.extf %convert_element_type3A_78 : bf16 to f32
    %get3A_80 = arith.constant 0 : index
    %get3A_81 = arith.constant 5 : index
    %get3A_82 = arith.constant 0 : index
    %get3A_83 = arith.constant 0 : index
    %get3A_84 = vector.load %arg1[%get3A_80, %get3A_81, %get3A_82, %get3A_83] : memref<1x12x64x2048xf32, #tpu.memory_space<vmem>>, vector<1x1x64x2048xf32>
    %get3A_85 = vector.shape_cast %get3A_84 : vector<1x1x64x2048xf32> to vector<64x2048xf32>
    %convert_element_type3A_86 = arith.truncf %get3A_85 : vector<64x2048xf32> to vector<64x2048xbf16>
    %convert_element_type3A_87 = arith.extf %convert_element_type3A_86 : vector<64x2048xbf16> to vector<64x2048xf32>
    %mul3A_88 = vector.broadcast %convert_element_type3A_79 : f32 to vector<64x2048xf32>
    %mul3A_89 = arith.mulf %mul3A_88, %convert_element_type3A_87 : vector<64x2048xf32>
    %add3A_90 = arith.addf %add3A_74, %mul3A_89 : vector<64x2048xf32>
    %get3A_91 = arith.constant 0 : index
    %get3A_92 = arith.constant 6 : index
    %get3A_93 = memref.load %arg2[%get3A_91, %get3A_92] : memref<1x12xf32, #tpu.memory_space<smem>>
    %convert_element_type3A_94 = arith.truncf %get3A_93 : f32 to bf16
    %convert_element_type3A_95 = arith.extf %convert_element_type3A_94 : bf16 to f32
    %get3A_96 = arith.constant 0 : index
    %get3A_97 = arith.constant 6 : index
    %get3A_98 = arith.constant 0 : index
    %get3A_99 = arith.constant 0 : index
    %get3A_100 = vector.load %arg1[%get3A_96, %get3A_97, %get3A_98, %get3A_99] : memref<1x12x64x2048xf32, #tpu.memory_space<vmem>>, vector<1x1x64x2048xf32>
    %get3A_101 = vector.shape_cast %get3A_100 : vector<1x1x64x2048xf32> to vector<64x2048xf32>
    %convert_element_type3A_102 = arith.truncf %get3A_101 : vector<64x2048xf32> to vector<64x2048xbf16>
    %convert_element_type3A_103 = arith.extf %convert_element_type3A_102 : vector<64x2048xbf16> to vector<64x2048xf32>
    %mul3A_104 = vector.broadcast %convert_element_type3A_95 : f32 to vector<64x2048xf32>
    %mul3A_105 = arith.mulf %mul3A_104, %convert_element_type3A_103 : vector<64x2048xf32>
    %add3A_106 = arith.addf %add3A_90, %mul3A_105 : vector<64x2048xf32>
    %get3A_107 = arith.constant 0 : index
    %get3A_108 = arith.constant 7 : index
    %get3A_109 = memref.load %arg2[%get3A_107, %get3A_108] : memref<1x12xf32, #tpu.memory_space<smem>>
    %convert_element_type3A_110 = arith.truncf %get3A_109 : f32 to bf16
    %convert_element_type3A_111 = arith.extf %convert_element_type3A_110 : bf16 to f32
    %get3A_112 = arith.constant 0 : index
    %get3A_113 = arith.constant 7 : index
    %get3A_114 = arith.constant 0 : index
    %get3A_115 = arith.constant 0 : index
    %get3A_116 = vector.load %arg1[%get3A_112, %get3A_113, %get3A_114, %get3A_115] : memref<1x12x64x2048xf32, #tpu.memory_space<vmem>>, vector<1x1x64x2048xf32>
    %get3A_117 = vector.shape_cast %get3A_116 : vector<1x1x64x2048xf32> to vector<64x2048xf32>
    %convert_element_type3A_118 = arith.truncf %get3A_117 : vector<64x2048xf32> to vector<64x2048xbf16>
    %convert_element_type3A_119 = arith.extf %convert_element_type3A_118 : vector<64x2048xbf16> to vector<64x2048xf32>
    %mul3A_120 = vector.broadcast %convert_element_type3A_111 : f32 to vector<64x2048xf32>
    %mul3A_121 = arith.mulf %mul3A_120, %convert_element_type3A_119 : vector<64x2048xf32>
    %add3A_122 = arith.addf %add3A_106, %mul3A_121 : vector<64x2048xf32>
    %get3A_123 = arith.constant 0 : index
    %get3A_124 = arith.constant 8 : index
    %get3A_125 = memref.load %arg2[%get3A_123, %get3A_124] : memref<1x12xf32, #tpu.memory_space<smem>>
    %convert_element_type3A_126 = arith.truncf %get3A_125 : f32 to bf16
    %convert_element_type3A_127 = arith.extf %convert_element_type3A_126 : bf16 to f32
    %get3A_128 = arith.constant 0 : index
    %get3A_129 = arith.constant 8 : index
    %get3A_130 = arith.constant 0 : index
    %get3A_131 = arith.constant 0 : index
    %get3A_132 = vector.load %arg1[%get3A_128, %get3A_129, %get3A_130, %get3A_131] : memref<1x12x64x2048xf32, #tpu.memory_space<vmem>>, vector<1x1x64x2048xf32>
    %get3A_133 = vector.shape_cast %get3A_132 : vector<1x1x64x2048xf32> to vector<64x2048xf32>
    %convert_element_type3A_134 = arith.truncf %get3A_133 : vector<64x2048xf32> to vector<64x2048xbf16>
    %convert_element_type3A_135 = arith.extf %convert_element_type3A_134 : vector<64x2048xbf16> to vector<64x2048xf32>
    %mul3A_136 = vector.broadcast %convert_element_type3A_127 : f32 to vector<64x2048xf32>
    %mul3A_137 = arith.mulf %mul3A_136, %convert_element_type3A_135 : vector<64x2048xf32>
    %add3A_138 = arith.addf %add3A_122, %mul3A_137 : vector<64x2048xf32>
    %get3A_139 = arith.constant 0 : index
    %get3A_140 = arith.constant 9 : index
    %get3A_141 = memref.load %arg2[%get3A_139, %get3A_140] : memref<1x12xf32, #tpu.memory_space<smem>>
    %convert_element_type3A_142 = arith.truncf %get3A_141 : f32 to bf16
    %convert_element_type3A_143 = arith.extf %convert_element_type3A_142 : bf16 to f32
    %get3A_144 = arith.constant 0 : index
    %get3A_145 = arith.constant 9 : index
    %get3A_146 = arith.constant 0 : index
    %get3A_147 = arith.constant 0 : index
    %get3A_148 = vector.load %arg1[%get3A_144, %get3A_145, %get3A_146, %get3A_147] : memref<1x12x64x2048xf32, #tpu.memory_space<vmem>>, vector<1x1x64x2048xf32>
    %get3A_149 = vector.shape_cast %get3A_148 : vector<1x1x64x2048xf32> to vector<64x2048xf32>
    %convert_element_type3A_150 = arith.truncf %get3A_149 : vector<64x2048xf32> to vector<64x2048xbf16>
    %convert_element_type3A_151 = arith.extf %convert_element_type3A_150 : vector<64x2048xbf16> to vector<64x2048xf32>
    %mul3A_152 = vector.broadcast %convert_element_type3A_143 : f32 to vector<64x2048xf32>
    %mul3A_153 = arith.mulf %mul3A_152, %convert_element_type3A_151 : vector<64x2048xf32>
    %add3A_154 = arith.addf %add3A_138, %mul3A_153 : vector<64x2048xf32>
    %get3A_155 = arith.constant 0 : index
    %get3A_156 = arith.constant 10 : index
    %get3A_157 = memref.load %arg2[%get3A_155, %get3A_156] : memref<1x12xf32, #tpu.memory_space<smem>>
    %convert_element_type3A_158 = arith.truncf %get3A_157 : f32 to bf16
    %convert_element_type3A_159 = arith.extf %convert_element_type3A_158 : bf16 to f32
    %get3A_160 = arith.constant 0 : index
    %get3A_161 = arith.constant 10 : index
    %get3A_162 = arith.constant 0 : index
    %get3A_163 = arith.constant 0 : index
    %get3A_164 = vector.load %arg1[%get3A_160, %get3A_161, %get3A_162, %get3A_163] : memref<1x12x64x2048xf32, #tpu.memory_space<vmem>>, vector<1x1x64x2048xf32>
    %get3A_165 = vector.shape_cast %get3A_164 : vector<1x1x64x2048xf32> to vector<64x2048xf32>
    %convert_element_type3A_166 = arith.truncf %get3A_165 : vector<64x2048xf32> to vector<64x2048xbf16>
    %convert_element_type3A_167 = arith.extf %convert_element_type3A_166 : vector<64x2048xbf16> to vector<64x2048xf32>
    %mul3A_168 = vector.broadcast %convert_element_type3A_159 : f32 to vector<64x2048xf32>
    %mul3A_169 = arith.mulf %mul3A_168, %convert_element_type3A_167 : vector<64x2048xf32>
    %add3A_170 = arith.addf %add3A_154, %mul3A_169 : vector<64x2048xf32>
    %get3A_171 = arith.constant 0 : index
    %get3A_172 = arith.constant 11 : index
    %get3A_173 = memref.load %arg2[%get3A_171, %get3A_172] : memref<1x12xf32, #tpu.memory_space<smem>>
    %convert_element_type3A_174 = arith.truncf %get3A_173 : f32 to bf16
    %convert_element_type3A_175 = arith.extf %convert_element_type3A_174 : bf16 to f32
    %get3A_176 = arith.constant 0 : index
    %get3A_177 = arith.constant 11 : index
    %get3A_178 = arith.constant 0 : index
    %get3A_179 = arith.constant 0 : index
    %get3A_180 = vector.load %arg1[%get3A_176, %get3A_177, %get3A_178, %get3A_179] : memref<1x12x64x2048xf32, #tpu.memory_space<vmem>>, vector<1x1x64x2048xf32>
    %get3A_181 = vector.shape_cast %get3A_180 : vector<1x1x64x2048xf32> to vector<64x2048xf32>
    %convert_element_type3A_182 = arith.truncf %get3A_181 : vector<64x2048xf32> to vector<64x2048xbf16>
    %convert_element_type3A_183 = arith.extf %convert_element_type3A_182 : vector<64x2048xbf16> to vector<64x2048xf32>
    %mul3A_184 = vector.broadcast %convert_element_type3A_175 : f32 to vector<64x2048xf32>
    %mul3A_185 = arith.mulf %mul3A_184, %convert_element_type3A_183 : vector<64x2048xf32>
    %add3A_186 = arith.addf %add3A_170, %mul3A_185 : vector<64x2048xf32>
    %get3A_187 = arith.constant 0 : index
    %get3A_188 = arith.constant 0 : index
    %get3A_189 = memref.load %arg3[%get3A_187, %get3A_188] : memref<1x1xf32, #tpu.memory_space<smem>>
    %add3A_190 = vector.broadcast %get3A_189 : f32 to vector<64x2048xf32>
    %add3A_191 = arith.addf %add3A_186, %add3A_190 : vector<64x2048xf32>
    %swap3A = arith.constant 0 : index
    %swap3A_192 = arith.constant 0 : index
    %swap3A_193 = vector.load %arg5[%swap3A, %swap3A_192] : memref<64x2048xf32, #tpu.memory_space<vmem>>, vector<64x2048xf32>
    tpu.vector_store %arg5[%swap3A, %swap3A_192], %add3A_191 {strides = array<i32>} : memref<64x2048xf32, #tpu.memory_space<vmem>>, vector<64x2048xf32>,
    %eq3A = arith.constant 0 : i32
    %eq3A_194 = arith.cmpi eq, %arg0, %eq3A : i32
    %convert_element_type3A_195 = arith.extui %eq3A_194 : i1 to i32
    %cond3A = arith.constant 0 : i32
    %cond3A_196 = arith.cmpi ne, %convert_element_type3A_195, %cond3A : i32
    scf.if %cond3A_196 {
      %broadcast_in_dim3A_521 = arith.constant 0.000000e+00 : f32
      %broadcast_in_dim3A_522 = vector.broadcast %broadcast_in_dim3A_521 : f32 to vector<1x128xf32>
      %swap3A_523 = arith.constant 0 : index
      %swap3A_524 = arith.constant 0 : index
      %swap3A_525 = vector.load %arg6[%swap3A_523, %swap3A_524] : memref<1x128xf32, #tpu.memory_space<vmem>>, vector<1x128xf32>
      tpu.vector_store %arg6[%swap3A_523, %swap3A_524], %broadcast_in_dim3A_522 {strides = array<i32>} : memref<1x128xf32, #tpu.memory_space<vmem>>, vector<1x128xf32>,
    } else {
    }
    %get3A_197 = arith.constant 0 : index
    %get3A_198 = arith.constant 0 : index
    %get3A_199 = vector.load %arg6[%get3A_197, %get3A_198] : memref<1x128xf32, #tpu.memory_space<vmem>>, vector<1x128xf32>
    %iota3A = tpu.iota {dimensions = array<i32: 1>} : vector<1x128xi32>
    %broadcast_in_dim3A = arith.constant 0.000000e+00 : f32
    %broadcast_in_dim3A_200 = vector.broadcast %broadcast_in_dim3A : f32 to vector<1x128xf32>
    %get3A_201 = arith.constant 0 : index
    %get3A_202 = arith.constant 0 : index
    %get3A_203 = memref.load %arg4[%get3A_201, %get3A_202] : memref<1x128xf32, #tpu.memory_space<smem>>
    %ge3A = vector.broadcast %get3A_203 : f32 to vector<64x2048xf32>
    %ge3A_204 = arith.cmpf oge, %add3A_191, %ge3A : vector<64x2048xf32>
    %convert_element_type3A_205 = arith.extui %ge3A_204 : vector<64x2048xi1> to vector<64x2048xi32>
    %convert_element_type3A_206 = arith.sitofp %convert_element_type3A_205 : vector<64x2048xi32> to vector<64x2048xf32>
    %reduce_sum3A = vector.shape_cast %convert_element_type3A_206 : vector<64x2048xf32> to vector<1x64x2048xf32>
    %reduce_sum3A_207 = arith.constant dense<0.000000e+00> : vector<1xf32>
    %reduce_sum3A_208 = vector.multi_reduction <add>, %reduce_sum3A, %reduce_sum3A_207 [1, 2] : vector<1x64x2048xf32> to vector<1xf32>
    %reduce_sum3A_209 = vector.shape_cast %reduce_sum3A_208 : vector<1xf32> to vector<1x1x1xf32>
    %reduce_sum3A_210 = vector.extract %reduce_sum3A_209[0, 0, 0] : f32 from vector<1x1x1xf32>
    %eq3A_211 = arith.constant 0 : i32
    %eq3A_212 = vector.broadcast %eq3A_211 : i32 to vector<1x128xi32>
    %eq3A_213 = arith.cmpi eq, %iota3A, %eq3A_212 : vector<1x128xi32>
    %jit3A = arith.constant 0.000000e+00 : f32
    %broadcast_in_dim3A_214 = vector.broadcast %reduce_sum3A_210 : f32 to vector<1x128xf32>
    %broadcast_in_dim3A_215 = vector.broadcast %jit3A : f32 to vector<1x128xf32>
    %select_n3A = arith.select %eq3A_213, %broadcast_in_dim3A_214, %broadcast_in_dim3A_215 : vector<1x128xi1>, vector<1x128xf32>
    %add3A_216 = arith.addf %broadcast_in_dim3A_200, %select_n3A : vector<1x128xf32>
    %get3A_217 = arith.constant 0 : index
    %get3A_218 = arith.constant 1 : index
    %get3A_219 = memref.load %arg4[%get3A_217, %get3A_218] : memref<1x128xf32, #tpu.memory_space<smem>>
    %ge3A_220 = vector.broadcast %get3A_219 : f32 to vector<64x2048xf32>
    %ge3A_221 = arith.cmpf oge, %add3A_191, %ge3A_220 : vector<64x2048xf32>
    %convert_element_type3A_222 = arith.extui %ge3A_221 : vector<64x2048xi1> to vector<64x2048xi32>
    %convert_element_type3A_223 = arith.sitofp %convert_element_type3A_222 : vector<64x2048xi32> to vector<64x2048xf32>
    %reduce_sum3A_224 = vector.shape_cast %convert_element_type3A_223 : vector<64x2048xf32> to vector<1x64x2048xf32>
    %reduce_sum3A_225 = arith.constant dense<0.000000e+00> : vector<1xf32>
    %reduce_sum3A_226 = vector.multi_reduction <add>, %reduce_sum3A_224, %reduce_sum3A_225 [1, 2] : vector<1x64x2048xf32> to vector<1xf32>
    %reduce_sum3A_227 = vector.shape_cast %reduce_sum3A_226 : vector<1xf32> to vector<1x1x1xf32>
    %reduce_sum3A_228 = vector.extract %reduce_sum3A_227[0, 0, 0] : f32 from vector<1x1x1xf32>
    %eq3A_229 = arith.constant 1 : i32
    %eq3A_230 = vector.broadcast %eq3A_229 : i32 to vector<1x128xi32>
    %eq3A_231 = arith.cmpi eq, %iota3A, %eq3A_230 : vector<1x128xi32>
    %jit3A_232 = arith.constant 0.000000e+00 : f32
    %broadcast_in_dim3A_233 = vector.broadcast %reduce_sum3A_228 : f32 to vector<1x128xf32>
    %broadcast_in_dim3A_234 = vector.broadcast %jit3A_232 : f32 to vector<1x128xf32>
    %select_n3A_235 = arith.select %eq3A_231, %broadcast_in_dim3A_233, %broadcast_in_dim3A_234 : vector<1x128xi1>, vector<1x128xf32>
    %add3A_236 = arith.addf %add3A_216, %select_n3A_235 : vector<1x128xf32>
    %get3A_237 = arith.constant 0 : index
    %get3A_238 = arith.constant 2 : index
    %get3A_239 = memref.load %arg4[%get3A_237, %get3A_238] : memref<1x128xf32, #tpu.memory_space<smem>>
    %ge3A_240 = vector.broadcast %get3A_239 : f32 to vector<64x2048xf32>
    %ge3A_241 = arith.cmpf oge, %add3A_191, %ge3A_240 : vector<64x2048xf32>
    %convert_element_type3A_242 = arith.extui %ge3A_241 : vector<64x2048xi1> to vector<64x2048xi32>
    %convert_element_type3A_243 = arith.sitofp %convert_element_type3A_242 : vector<64x2048xi32> to vector<64x2048xf32>
    %reduce_sum3A_244 = vector.shape_cast %convert_element_type3A_243 : vector<64x2048xf32> to vector<1x64x2048xf32>
    %reduce_sum3A_245 = arith.constant dense<0.000000e+00> : vector<1xf32>
    %reduce_sum3A_246 = vector.multi_reduction <add>, %reduce_sum3A_244, %reduce_sum3A_245 [1, 2] : vector<1x64x2048xf32> to vector<1xf32>
    %reduce_sum3A_247 = vector.shape_cast %reduce_sum3A_246 : vector<1xf32> to vector<1x1x1xf32>
    %reduce_sum3A_248 = vector.extract %reduce_sum3A_247[0, 0, 0] : f32 from vector<1x1x1xf32>
    %eq3A_249 = arith.constant 2 : i32
    %eq3A_250 = vector.broadcast %eq3A_249 : i32 to vector<1x128xi32>
    %eq3A_251 = arith.cmpi eq, %iota3A, %eq3A_250 : vector<1x128xi32>
    %jit3A_252 = arith.constant 0.000000e+00 : f32
    %broadcast_in_dim3A_253 = vector.broadcast %reduce_sum3A_248 : f32 to vector<1x128xf32>
    %broadcast_in_dim3A_254 = vector.broadcast %jit3A_252 : f32 to vector<1x128xf32>
    %select_n3A_255 = arith.select %eq3A_251, %broadcast_in_dim3A_253, %broadcast_in_dim3A_254 : vector<1x128xi1>, vector<1x128xf32>
    %add3A_256 = arith.addf %add3A_236, %select_n3A_255 : vector<1x128xf32>
    %get3A_257 = arith.constant 0 : index
    %get3A_258 = arith.constant 3 : index
    %get3A_259 = memref.load %arg4[%get3A_257, %get3A_258] : memref<1x128xf32, #tpu.memory_space<smem>>
    %ge3A_260 = vector.broadcast %get3A_259 : f32 to vector<64x2048xf32>
    %ge3A_261 = arith.cmpf oge, %add3A_191, %ge3A_260 : vector<64x2048xf32>
    %convert_element_type3A_262 = arith.extui %ge3A_261 : vector<64x2048xi1> to vector<64x2048xi32>
    %convert_element_type3A_263 = arith.sitofp %convert_element_type3A_262 : vector<64x2048xi32> to vector<64x2048xf32>
    %reduce_sum3A_264 = vector.shape_cast %convert_element_type3A_263 : vector<64x2048xf32> to vector<1x64x2048xf32>
    %reduce_sum3A_265 = arith.constant dense<0.000000e+00> : vector<1xf32>
    %reduce_sum3A_266 = vector.multi_reduction <add>, %reduce_sum3A_264, %reduce_sum3A_265 [1, 2] : vector<1x64x2048xf32> to vector<1xf32>
    %reduce_sum3A_267 = vector.shape_cast %reduce_sum3A_266 : vector<1xf32> to vector<1x1x1xf32>
    %reduce_sum3A_268 = vector.extract %reduce_sum3A_267[0, 0, 0] : f32 from vector<1x1x1xf32>
    %eq3A_269 = arith.constant 3 : i32
    %eq3A_270 = vector.broadcast %eq3A_269 : i32 to vector<1x128xi32>
    %eq3A_271 = arith.cmpi eq, %iota3A, %eq3A_270 : vector<1x128xi32>
    %jit3A_272 = arith.constant 0.000000e+00 : f32
    %broadcast_in_dim3A_273 = vector.broadcast %reduce_sum3A_268 : f32 to vector<1x128xf32>
    %broadcast_in_dim3A_274 = vector.broadcast %jit3A_272 : f32 to vector<1x128xf32>
    %select_n3A_275 = arith.select %eq3A_271, %broadcast_in_dim3A_273, %broadcast_in_dim3A_274 : vector<1x128xi1>, vector<1x128xf32>
    %add3A_276 = arith.addf %add3A_256, %select_n3A_275 : vector<1x128xf32>
    %get3A_277 = arith.constant 0 : index
    %get3A_278 = arith.constant 4 : index
    %get3A_279 = memref.load %arg4[%get3A_277, %get3A_278] : memref<1x128xf32, #tpu.memory_space<smem>>
    %ge3A_280 = vector.broadcast %get3A_279 : f32 to vector<64x2048xf32>
    %ge3A_281 = arith.cmpf oge, %add3A_191, %ge3A_280 : vector<64x2048xf32>
    %convert_element_type3A_282 = arith.extui %ge3A_281 : vector<64x2048xi1> to vector<64x2048xi32>
    %convert_element_type3A_283 = arith.sitofp %convert_element_type3A_282 : vector<64x2048xi32> to vector<64x2048xf32>
    %reduce_sum3A_284 = vector.shape_cast %convert_element_type3A_283 : vector<64x2048xf32> to vector<1x64x2048xf32>
    %reduce_sum3A_285 = arith.constant dense<0.000000e+00> : vector<1xf32>
    %reduce_sum3A_286 = vector.multi_reduction <add>, %reduce_sum3A_284, %reduce_sum3A_285 [1, 2] : vector<1x64x2048xf32> to vector<1xf32>
    %reduce_sum3A_287 = vector.shape_cast %reduce_sum3A_286 : vector<1xf32> to vector<1x1x1xf32>
    %reduce_sum3A_288 = vector.extract %reduce_sum3A_287[0, 0, 0] : f32 from vector<1x1x1xf32>
    %eq3A_289 = arith.constant 4 : i32
    %eq3A_290 = vector.broadcast %eq3A_289 : i32 to vector<1x128xi32>
    %eq3A_291 = arith.cmpi eq, %iota3A, %eq3A_290 : vector<1x128xi32>
    %jit3A_292 = arith.constant 0.000000e+00 : f32
    %broadcast_in_dim3A_293 = vector.broadcast %reduce_sum3A_288 : f32 to vector<1x128xf32>
    %broadcast_in_dim3A_294 = vector.broadcast %jit3A_292 : f32 to vector<1x128xf32>
    %select_n3A_295 = arith.select %eq3A_291, %broadcast_in_dim3A_293, %broadcast_in_dim3A_294 : vector<1x128xi1>, vector<1x128xf32>
    %add3A_296 = arith.addf %add3A_276, %select_n3A_295 : vector<1x128xf32>
    %get3A_297 = arith.constant 0 : index
    %get3A_298 = arith.constant 5 : index
    %get3A_299 = memref.load %arg4[%get3A_297, %get3A_298] : memref<1x128xf32, #tpu.memory_space<smem>>
    %ge3A_300 = vector.broadcast %get3A_299 : f32 to vector<64x2048xf32>
    %ge3A_301 = arith.cmpf oge, %add3A_191, %ge3A_300 : vector<64x2048xf32>
    %convert_element_type3A_302 = arith.extui %ge3A_301 : vector<64x2048xi1> to vector<64x2048xi32>
    %convert_element_type3A_303 = arith.sitofp %convert_element_type3A_302 : vector<64x2048xi32> to vector<64x2048xf32>
    %reduce_sum3A_304 = vector.shape_cast %convert_element_type3A_303 : vector<64x2048xf32> to vector<1x64x2048xf32>
    %reduce_sum3A_305 = arith.constant dense<0.000000e+00> : vector<1xf32>
    %reduce_sum3A_306 = vector.multi_reduction <add>, %reduce_sum3A_304, %reduce_sum3A_305 [1, 2] : vector<1x64x2048xf32> to vector<1xf32>
    %reduce_sum3A_307 = vector.shape_cast %reduce_sum3A_306 : vector<1xf32> to vector<1x1x1xf32>
    %reduce_sum3A_308 = vector.extract %reduce_sum3A_307[0, 0, 0] : f32 from vector<1x1x1xf32>
    %eq3A_309 = arith.constant 5 : i32
    %eq3A_310 = vector.broadcast %eq3A_309 : i32 to vector<1x128xi32>
    %eq3A_311 = arith.cmpi eq, %iota3A, %eq3A_310 : vector<1x128xi32>
    %jit3A_312 = arith.constant 0.000000e+00 : f32
    %broadcast_in_dim3A_313 = vector.broadcast %reduce_sum3A_308 : f32 to vector<1x128xf32>
    %broadcast_in_dim3A_314 = vector.broadcast %jit3A_312 : f32 to vector<1x128xf32>
    %select_n3A_315 = arith.select %eq3A_311, %broadcast_in_dim3A_313, %broadcast_in_dim3A_314 : vector<1x128xi1>, vector<1x128xf32>
    %add3A_316 = arith.addf %add3A_296, %select_n3A_315 : vector<1x128xf32>
    %get3A_317 = arith.constant 0 : index
    %get3A_318 = arith.constant 6 : index
    %get3A_319 = memref.load %arg4[%get3A_317, %get3A_318] : memref<1x128xf32, #tpu.memory_space<smem>>
    %ge3A_320 = vector.broadcast %get3A_319 : f32 to vector<64x2048xf32>
    %ge3A_321 = arith.cmpf oge, %add3A_191, %ge3A_320 : vector<64x2048xf32>
    %convert_element_type3A_322 = arith.extui %ge3A_321 : vector<64x2048xi1> to vector<64x2048xi32>
    %convert_element_type3A_323 = arith.sitofp %convert_element_type3A_322 : vector<64x2048xi32> to vector<64x2048xf32>
    %reduce_sum3A_324 = vector.shape_cast %convert_element_type3A_323 : vector<64x2048xf32> to vector<1x64x2048xf32>
    %reduce_sum3A_325 = arith.constant dense<0.000000e+00> : vector<1xf32>
    %reduce_sum3A_326 = vector.multi_reduction <add>, %reduce_sum3A_324, %reduce_sum3A_325 [1, 2] : vector<1x64x2048xf32> to vector<1xf32>
    %reduce_sum3A_327 = vector.shape_cast %reduce_sum3A_326 : vector<1xf32> to vector<1x1x1xf32>
    %reduce_sum3A_328 = vector.extract %reduce_sum3A_327[0, 0, 0] : f32 from vector<1x1x1xf32>
    %eq3A_329 = arith.constant 6 : i32
    %eq3A_330 = vector.broadcast %eq3A_329 : i32 to vector<1x128xi32>
    %eq3A_331 = arith.cmpi eq, %iota3A, %eq3A_330 : vector<1x128xi32>
    %jit3A_332 = arith.constant 0.000000e+00 : f32
    %broadcast_in_dim3A_333 = vector.broadcast %reduce_sum3A_328 : f32 to vector<1x128xf32>
    %broadcast_in_dim3A_334 = vector.broadcast %jit3A_332 : f32 to vector<1x128xf32>
    %select_n3A_335 = arith.select %eq3A_331, %broadcast_in_dim3A_333, %broadcast_in_dim3A_334 : vector<1x128xi1>, vector<1x128xf32>
    %add3A_336 = arith.addf %add3A_316, %select_n3A_335 : vector<1x128xf32>
    %get3A_337 = arith.constant 0 : index
    %get3A_338 = arith.constant 7 : index
    %get3A_339 = memref.load %arg4[%get3A_337, %get3A_338] : memref<1x128xf32, #tpu.memory_space<smem>>
    %ge3A_340 = vector.broadcast %get3A_339 : f32 to vector<64x2048xf32>
    %ge3A_341 = arith.cmpf oge, %add3A_191, %ge3A_340 : vector<64x2048xf32>
    %convert_element_type3A_342 = arith.extui %ge3A_341 : vector<64x2048xi1> to vector<64x2048xi32>
    %convert_element_type3A_343 = arith.sitofp %convert_element_type3A_342 : vector<64x2048xi32> to vector<64x2048xf32>
    %reduce_sum3A_344 = vector.shape_cast %convert_element_type3A_343 : vector<64x2048xf32> to vector<1x64x2048xf32>
    %reduce_sum3A_345 = arith.constant dense<0.000000e+00> : vector<1xf32>
    %reduce_sum3A_346 = vector.multi_reduction <add>, %reduce_sum3A_344, %reduce_sum3A_345 [1, 2] : vector<1x64x2048xf32> to vector<1xf32>
    %reduce_sum3A_347 = vector.shape_cast %reduce_sum3A_346 : vector<1xf32> to vector<1x1x1xf32>
    %reduce_sum3A_348 = vector.extract %reduce_sum3A_347[0, 0, 0] : f32 from vector<1x1x1xf32>
    %eq3A_349 = arith.constant 7 : i32
    %eq3A_350 = vector.broadcast %eq3A_349 : i32 to vector<1x128xi32>
    %eq3A_351 = arith.cmpi eq, %iota3A, %eq3A_350 : vector<1x128xi32>
    %jit3A_352 = arith.constant 0.000000e+00 : f32
    %broadcast_in_dim3A_353 = vector.broadcast %reduce_sum3A_348 : f32 to vector<1x128xf32>
    %broadcast_in_dim3A_354 = vector.broadcast %jit3A_352 : f32 to vector<1x128xf32>
    %select_n3A_355 = arith.select %eq3A_351, %broadcast_in_dim3A_353, %broadcast_in_dim3A_354 : vector<1x128xi1>, vector<1x128xf32>
    %add3A_356 = arith.addf %add3A_336, %select_n3A_355 : vector<1x128xf32>
    %get3A_357 = arith.constant 0 : index
    %get3A_358 = arith.constant 8 : index
    %get3A_359 = memref.load %arg4[%get3A_357, %get3A_358] : memref<1x128xf32, #tpu.memory_space<smem>>
    %ge3A_360 = vector.broadcast %get3A_359 : f32 to vector<64x2048xf32>
    %ge3A_361 = arith.cmpf oge, %add3A_191, %ge3A_360 : vector<64x2048xf32>
    %convert_element_type3A_362 = arith.extui %ge3A_361 : vector<64x2048xi1> to vector<64x2048xi32>
    %convert_element_type3A_363 = arith.sitofp %convert_element_type3A_362 : vector<64x2048xi32> to vector<64x2048xf32>
    %reduce_sum3A_364 = vector.shape_cast %convert_element_type3A_363 : vector<64x2048xf32> to vector<1x64x2048xf32>
    %reduce_sum3A_365 = arith.constant dense<0.000000e+00> : vector<1xf32>
    %reduce_sum3A_366 = vector.multi_reduction <add>, %reduce_sum3A_364, %reduce_sum3A_365 [1, 2] : vector<1x64x2048xf32> to vector<1xf32>
    %reduce_sum3A_367 = vector.shape_cast %reduce_sum3A_366 : vector<1xf32> to vector<1x1x1xf32>
    %reduce_sum3A_368 = vector.extract %reduce_sum3A_367[0, 0, 0] : f32 from vector<1x1x1xf32>
    %eq3A_369 = arith.constant 8 : i32
    %eq3A_370 = vector.broadcast %eq3A_369 : i32 to vector<1x128xi32>
    %eq3A_371 = arith.cmpi eq, %iota3A, %eq3A_370 : vector<1x128xi32>
    %jit3A_372 = arith.constant 0.000000e+00 : f32
    %broadcast_in_dim3A_373 = vector.broadcast %reduce_sum3A_368 : f32 to vector<1x128xf32>
    %broadcast_in_dim3A_374 = vector.broadcast %jit3A_372 : f32 to vector<1x128xf32>
    %select_n3A_375 = arith.select %eq3A_371, %broadcast_in_dim3A_373, %broadcast_in_dim3A_374 : vector<1x128xi1>, vector<1x128xf32>
    %add3A_376 = arith.addf %add3A_356, %select_n3A_375 : vector<1x128xf32>
    %get3A_377 = arith.constant 0 : index
    %get3A_378 = arith.constant 9 : index
    %get3A_379 = memref.load %arg4[%get3A_377, %get3A_378] : memref<1x128xf32, #tpu.memory_space<smem>>
    %ge3A_380 = vector.broadcast %get3A_379 : f32 to vector<64x2048xf32>
    %ge3A_381 = arith.cmpf oge, %add3A_191, %ge3A_380 : vector<64x2048xf32>
    %convert_element_type3A_382 = arith.extui %ge3A_381 : vector<64x2048xi1> to vector<64x2048xi32>
    %convert_element_type3A_383 = arith.sitofp %convert_element_type3A_382 : vector<64x2048xi32> to vector<64x2048xf32>
    %reduce_sum3A_384 = vector.shape_cast %convert_element_type3A_383 : vector<64x2048xf32> to vector<1x64x2048xf32>
    %reduce_sum3A_385 = arith.constant dense<0.000000e+00> : vector<1xf32>
    %reduce_sum3A_386 = vector.multi_reduction <add>, %reduce_sum3A_384, %reduce_sum3A_385 [1, 2] : vector<1x64x2048xf32> to vector<1xf32>
    %reduce_sum3A_387 = vector.shape_cast %reduce_sum3A_386 : vector<1xf32> to vector<1x1x1xf32>
    %reduce_sum3A_388 = vector.extract %reduce_sum3A_387[0, 0, 0] : f32 from vector<1x1x1xf32>
    %eq3A_389 = arith.constant 9 : i32
    %eq3A_390 = vector.broadcast %eq3A_389 : i32 to vector<1x128xi32>
    %eq3A_391 = arith.cmpi eq, %iota3A, %eq3A_390 : vector<1x128xi32>
    %jit3A_392 = arith.constant 0.000000e+00 : f32
    %broadcast_in_dim3A_393 = vector.broadcast %reduce_sum3A_388 : f32 to vector<1x128xf32>
    %broadcast_in_dim3A_394 = vector.broadcast %jit3A_392 : f32 to vector<1x128xf32>
    %select_n3A_395 = arith.select %eq3A_391, %broadcast_in_dim3A_393, %broadcast_in_dim3A_394 : vector<1x128xi1>, vector<1x128xf32>
    %add3A_396 = arith.addf %add3A_376, %select_n3A_395 : vector<1x128xf32>
    %get3A_397 = arith.constant 0 : index
    %get3A_398 = arith.constant 10 : index
    %get3A_399 = memref.load %arg4[%get3A_397, %get3A_398] : memref<1x128xf32, #tpu.memory_space<smem>>
    %ge3A_400 = vector.broadcast %get3A_399 : f32 to vector<64x2048xf32>
    %ge3A_401 = arith.cmpf oge, %add3A_191, %ge3A_400 : vector<64x2048xf32>
    %convert_element_type3A_402 = arith.extui %ge3A_401 : vector<64x2048xi1> to vector<64x2048xi32>
    %convert_element_type3A_403 = arith.sitofp %convert_element_type3A_402 : vector<64x2048xi32> to vector<64x2048xf32>
    %reduce_sum3A_404 = vector.shape_cast %convert_element_type3A_403 : vector<64x2048xf32> to vector<1x64x2048xf32>
    %reduce_sum3A_405 = arith.constant dense<0.000000e+00> : vector<1xf32>
    %reduce_sum3A_406 = vector.multi_reduction <add>, %reduce_sum3A_404, %reduce_sum3A_405 [1, 2] : vector<1x64x2048xf32> to vector<1xf32>
    %reduce_sum3A_407 = vector.shape_cast %reduce_sum3A_406 : vector<1xf32> to vector<1x1x1xf32>
    %reduce_sum3A_408 = vector.extract %reduce_sum3A_407[0, 0, 0] : f32 from vector<1x1x1xf32>
    %eq3A_409 = arith.constant 10 : i32
    %eq3A_410 = vector.broadcast %eq3A_409 : i32 to vector<1x128xi32>
    %eq3A_411 = arith.cmpi eq, %iota3A, %eq3A_410 : vector<1x128xi32>
    %jit3A_412 = arith.constant 0.000000e+00 : f32
    %broadcast_in_dim3A_413 = vector.broadcast %reduce_sum3A_408 : f32 to vector<1x128xf32>
    %broadcast_in_dim3A_414 = vector.broadcast %jit3A_412 : f32 to vector<1x128xf32>
    %select_n3A_415 = arith.select %eq3A_411, %broadcast_in_dim3A_413, %broadcast_in_dim3A_414 : vector<1x128xi1>, vector<1x128xf32>
    %add3A_416 = arith.addf %add3A_396, %select_n3A_415 : vector<1x128xf32>
    %get3A_417 = arith.constant 0 : index
    %get3A_418 = arith.constant 11 : index
    %get3A_419 = memref.load %arg4[%get3A_417, %get3A_418] : memref<1x128xf32, #tpu.memory_space<smem>>
    %ge3A_420 = vector.broadcast %get3A_419 : f32 to vector<64x2048xf32>
    %ge3A_421 = arith.cmpf oge, %add3A_191, %ge3A_420 : vector<64x2048xf32>
    %convert_element_type3A_422 = arith.extui %ge3A_421 : vector<64x2048xi1> to vector<64x2048xi32>
    %convert_element_type3A_423 = arith.sitofp %convert_element_type3A_422 : vector<64x2048xi32> to vector<64x2048xf32>
    %reduce_sum3A_424 = vector.shape_cast %convert_element_type3A_423 : vector<64x2048xf32> to vector<1x64x2048xf32>
    %reduce_sum3A_425 = arith.constant dense<0.000000e+00> : vector<1xf32>
    %reduce_sum3A_426 = vector.multi_reduction <add>, %reduce_sum3A_424, %reduce_sum3A_425 [1, 2] : vector<1x64x2048xf32> to vector<1xf32>
    %reduce_sum3A_427 = vector.shape_cast %reduce_sum3A_426 : vector<1xf32> to vector<1x1x1xf32>
    %reduce_sum3A_428 = vector.extract %reduce_sum3A_427[0, 0, 0] : f32 from vector<1x1x1xf32>
    %eq3A_429 = arith.constant 11 : i32
    %eq3A_430 = vector.broadcast %eq3A_429 : i32 to vector<1x128xi32>
    %eq3A_431 = arith.cmpi eq, %iota3A, %eq3A_430 : vector<1x128xi32>
    %jit3A_432 = arith.constant 0.000000e+00 : f32
    %broadcast_in_dim3A_433 = vector.broadcast %reduce_sum3A_428 : f32 to vector<1x128xf32>
    %broadcast_in_dim3A_434 = vector.broadcast %jit3A_432 : f32 to vector<1x128xf32>
    %select_n3A_435 = arith.select %eq3A_431, %broadcast_in_dim3A_433, %broadcast_in_dim3A_434 : vector<1x128xi1>, vector<1x128xf32>
    %add3A_436 = arith.addf %add3A_416, %select_n3A_435 : vector<1x128xf32>
    %get3A_437 = arith.constant 0 : index
    %get3A_438 = arith.constant 12 : index
    %get3A_439 = memref.load %arg4[%get3A_437, %get3A_438] : memref<1x128xf32, #tpu.memory_space<smem>>
    %ge3A_440 = vector.broadcast %get3A_439 : f32 to vector<64x2048xf32>
    %ge3A_441 = arith.cmpf oge, %add3A_191, %ge3A_440 : vector<64x2048xf32>
    %convert_element_type3A_442 = arith.extui %ge3A_441 : vector<64x2048xi1> to vector<64x2048xi32>
    %convert_element_type3A_443 = arith.sitofp %convert_element_type3A_442 : vector<64x2048xi32> to vector<64x2048xf32>
    %reduce_sum3A_444 = vector.shape_cast %convert_element_type3A_443 : vector<64x2048xf32> to vector<1x64x2048xf32>
    %reduce_sum3A_445 = arith.constant dense<0.000000e+00> : vector<1xf32>
    %reduce_sum3A_446 = vector.multi_reduction <add>, %reduce_sum3A_444, %reduce_sum3A_445 [1, 2] : vector<1x64x2048xf32> to vector<1xf32>
    %reduce_sum3A_447 = vector.shape_cast %reduce_sum3A_446 : vector<1xf32> to vector<1x1x1xf32>
    %reduce_sum3A_448 = vector.extract %reduce_sum3A_447[0, 0, 0] : f32 from vector<1x1x1xf32>
    %eq3A_449 = arith.constant 12 : i32
    %eq3A_450 = vector.broadcast %eq3A_449 : i32 to vector<1x128xi32>
    %eq3A_451 = arith.cmpi eq, %iota3A, %eq3A_450 : vector<1x128xi32>
    %jit3A_452 = arith.constant 0.000000e+00 : f32
    %broadcast_in_dim3A_453 = vector.broadcast %reduce_sum3A_448 : f32 to vector<1x128xf32>
    %broadcast_in_dim3A_454 = vector.broadcast %jit3A_452 : f32 to vector<1x128xf32>
    %select_n3A_455 = arith.select %eq3A_451, %broadcast_in_dim3A_453, %broadcast_in_dim3A_454 : vector<1x128xi1>, vector<1x128xf32>
    %add3A_456 = arith.addf %add3A_436, %select_n3A_455 : vector<1x128xf32>
    %get3A_457 = arith.constant 0 : index
    %get3A_458 = arith.constant 13 : index
    %get3A_459 = memref.load %arg4[%get3A_457, %get3A_458] : memref<1x128xf32, #tpu.memory_space<smem>>
    %ge3A_460 = vector.broadcast %get3A_459 : f32 to vector<64x2048xf32>
    %ge3A_461 = arith.cmpf oge, %add3A_191, %ge3A_460 : vector<64x2048xf32>
    %convert_element_type3A_462 = arith.extui %ge3A_461 : vector<64x2048xi1> to vector<64x2048xi32>
    %convert_element_type3A_463 = arith.sitofp %convert_element_type3A_462 : vector<64x2048xi32> to vector<64x2048xf32>
    %reduce_sum3A_464 = vector.shape_cast %convert_element_type3A_463 : vector<64x2048xf32> to vector<1x64x2048xf32>
    %reduce_sum3A_465 = arith.constant dense<0.000000e+00> : vector<1xf32>
    %reduce_sum3A_466 = vector.multi_reduction <add>, %reduce_sum3A_464, %reduce_sum3A_465 [1, 2] : vector<1x64x2048xf32> to vector<1xf32>
    %reduce_sum3A_467 = vector.shape_cast %reduce_sum3A_466 : vector<1xf32> to vector<1x1x1xf32>
    %reduce_sum3A_468 = vector.extract %reduce_sum3A_467[0, 0, 0] : f32 from vector<1x1x1xf32>
    %eq3A_469 = arith.constant 13 : i32
    %eq3A_470 = vector.broadcast %eq3A_469 : i32 to vector<1x128xi32>
    %eq3A_471 = arith.cmpi eq, %iota3A, %eq3A_470 : vector<1x128xi32>
    %jit3A_472 = arith.constant 0.000000e+00 : f32
    %broadcast_in_dim3A_473 = vector.broadcast %reduce_sum3A_468 : f32 to vector<1x128xf32>
    %broadcast_in_dim3A_474 = vector.broadcast %jit3A_472 : f32 to vector<1x128xf32>
    %select_n3A_475 = arith.select %eq3A_471, %broadcast_in_dim3A_473, %broadcast_in_dim3A_474 : vector<1x128xi1>, vector<1x128xf32>
    %add3A_476 = arith.addf %add3A_456, %select_n3A_475 : vector<1x128xf32>
    %get3A_477 = arith.constant 0 : index
    %get3A_478 = arith.constant 14 : index
    %get3A_479 = memref.load %arg4[%get3A_477, %get3A_478] : memref<1x128xf32, #tpu.memory_space<smem>>
    %ge3A_480 = vector.broadcast %get3A_479 : f32 to vector<64x2048xf32>
    %ge3A_481 = arith.cmpf oge, %add3A_191, %ge3A_480 : vector<64x2048xf32>
    %convert_element_type3A_482 = arith.extui %ge3A_481 : vector<64x2048xi1> to vector<64x2048xi32>
    %convert_element_type3A_483 = arith.sitofp %convert_element_type3A_482 : vector<64x2048xi32> to vector<64x2048xf32>
    %reduce_sum3A_484 = vector.shape_cast %convert_element_type3A_483 : vector<64x2048xf32> to vector<1x64x2048xf32>
    %reduce_sum3A_485 = arith.constant dense<0.000000e+00> : vector<1xf32>
    %reduce_sum3A_486 = vector.multi_reduction <add>, %reduce_sum3A_484, %reduce_sum3A_485 [1, 2] : vector<1x64x2048xf32> to vector<1xf32>
    %reduce_sum3A_487 = vector.shape_cast %reduce_sum3A_486 : vector<1xf32> to vector<1x1x1xf32>
    %reduce_sum3A_488 = vector.extract %reduce_sum3A_487[0, 0, 0] : f32 from vector<1x1x1xf32>
    %eq3A_489 = arith.constant 14 : i32
    %eq3A_490 = vector.broadcast %eq3A_489 : i32 to vector<1x128xi32>
    %eq3A_491 = arith.cmpi eq, %iota3A, %eq3A_490 : vector<1x128xi32>
    %jit3A_492 = arith.constant 0.000000e+00 : f32
    %broadcast_in_dim3A_493 = vector.broadcast %reduce_sum3A_488 : f32 to vector<1x128xf32>
    %broadcast_in_dim3A_494 = vector.broadcast %jit3A_492 : f32 to vector<1x128xf32>
    %select_n3A_495 = arith.select %eq3A_491, %broadcast_in_dim3A_493, %broadcast_in_dim3A_494 : vector<1x128xi1>, vector<1x128xf32>
    %add3A_496 = arith.addf %add3A_476, %select_n3A_495 : vector<1x128xf32>
    %get3A_497 = arith.constant 0 : index
    %get3A_498 = arith.constant 15 : index
    %get3A_499 = memref.load %arg4[%get3A_497, %get3A_498] : memref<1x128xf32, #tpu.memory_space<smem>>
    %ge3A_500 = vector.broadcast %get3A_499 : f32 to vector<64x2048xf32>
    %ge3A_501 = arith.cmpf oge, %add3A_191, %ge3A_500 : vector<64x2048xf32>
    %convert_element_type3A_502 = arith.extui %ge3A_501 : vector<64x2048xi1> to vector<64x2048xi32>
    %convert_element_type3A_503 = arith.sitofp %convert_element_type3A_502 : vector<64x2048xi32> to vector<64x2048xf32>
    %reduce_sum3A_504 = vector.shape_cast %convert_element_type3A_503 : vector<64x2048xf32> to vector<1x64x2048xf32>
    %reduce_sum3A_505 = arith.constant dense<0.000000e+00> : vector<1xf32>
    %reduce_sum3A_506 = vector.multi_reduction <add>, %reduce_sum3A_504, %reduce_sum3A_505 [1, 2] : vector<1x64x2048xf32> to vector<1xf32>
    %reduce_sum3A_507 = vector.shape_cast %reduce_sum3A_506 : vector<1xf32> to vector<1x1x1xf32>
    %reduce_sum3A_508 = vector.extract %reduce_sum3A_507[0, 0, 0] : f32 from vector<1x1x1xf32>
    %eq3A_509 = arith.constant 15 : i32
    %eq3A_510 = vector.broadcast %eq3A_509 : i32 to vector<1x128xi32>
    %eq3A_511 = arith.cmpi eq, %iota3A, %eq3A_510 : vector<1x128xi32>
    %jit3A_512 = arith.constant 0.000000e+00 : f32
    %broadcast_in_dim3A_513 = vector.broadcast %reduce_sum3A_508 : f32 to vector<1x128xf32>
    %broadcast_in_dim3A_514 = vector.broadcast %jit3A_512 : f32 to vector<1x128xf32>
    %select_n3A_515 = arith.select %eq3A_511, %broadcast_in_dim3A_513, %broadcast_in_dim3A_514 : vector<1x128xi1>, vector<1x128xf32>
    %add3A_516 = arith.addf %add3A_496, %select_n3A_515 : vector<1x128xf32>
    %add3A_517 = arith.addf %get3A_199, %add3A_516 : vector<1x128xf32>
    %swap3A_518 = arith.constant 0 : index
    %swap3A_519 = arith.constant 0 : index
    %swap3A_520 = vector.load %arg6[%swap3A_518, %swap3A_519] : memref<1x128xf32, #tpu.memory_space<vmem>>, vector<1x128xf32>
    tpu.vector_store %arg6[%swap3A_518, %swap3A_519], %add3A_517 {strides = array<i32>} : memref<1x128xf32, #tpu.memory_space<vmem>>, vector<1x128xf32>,
    return
  }
  func.func @transform_0(%arg0: i32) -> (i32, i32, i32, i32) {
    %c0_i32 = arith.constant 0 : i32
    %c0_i32_0 = arith.constant 0 : i32
    %c0_i32_1 = arith.constant 0 : i32
    %c0_i32_2 = arith.constant 0 : i32
    return %c0_i32, %c0_i32_0, %arg0, %c0_i32_1 : i32, i32, i32, i32
  }
  func.func @transform_1(%arg0: i32) -> (i32, i32) {
    %c0_i32 = arith.constant 0 : i32
    %c0_i32_0 = arith.constant 0 : i32
    %c0_i32_1 = arith.constant 0 : i32
    return %c0_i32, %c0_i32_0 : i32, i32
  }
  func.func @transform_2(%arg0: i32) -> (i32, i32) {
    %c0_i32 = arith.constant 0 : i32
    %c0_i32_0 = arith.constant 0 : i32
    %c0_i32_1 = arith.constant 0 : i32
    return %c0_i32, %c0_i32_0 : i32, i32
  }
  func.func @transform_3(%arg0: i32) -> (i32, i32) {
    %c0_i32 = arith.constant 0 : i32
    %c0_i32_0 = arith.constant 0 : i32
    %c0_i32_1 = arith.constant 0 : i32
    return %c0_i32, %c0_i32_0 : i32, i32
  }
  func.func @transform_4(%arg0: i32) -> (i32, i32) {
    %c0_i32 = arith.constant 0 : i32
    %c0_i32_0 = arith.constant 0 : i32
    return %arg0, %c0_i32 : i32, i32
  }
  func.func @transform_5(%arg0: i32) -> (i32, i32) {
    %c0_i32 = arith.constant 0 : i32
    %c0_i32_0 = arith.constant 0 : i32
    %c0_i32_1 = arith.constant 0 : i32
    return %c0_i32, %c0_i32_0 : i32, i32
  }
}

module attributes {stable_mosaic.version = 14 : i64} {
  func.func @_count_body(%arg0: i32, %arg1: memref<256x2048xf32, #tpu.memory_space<vmem>>, %arg2: memref<1x128xf32, #tpu.memory_space<smem>>, %arg3: memref<1x128xf32, #tpu.memory_space<vmem>>) attributes {dimension_semantics = [#tpu.dimension_semantics<arbitrary>], iteration_bounds = array<i64: 8>, scalar_prefetch = 0 : i64, scratch_operands = 0 : i64, tpu.core_type = #tpu.core_type<tc>, window_params = [{transform_indices = @transform_0, window_bounds = array<i64: 256, 2048>}, {transform_indices = @transform_1, window_bounds = array<i64: 1, 128>}, {pipeline_mode = #tpu.pipeline_mode<synchronous>, transform_indices = @transform_2, window_bounds = array<i64: 1, 128>}]} {
    %eq3A = arith.constant 0 : i32
    %eq3A_0 = arith.cmpi eq, %arg0, %eq3A : i32
    %convert_element_type3A = arith.extui %eq3A_0 : i1 to i32
    %cond3A = arith.constant 0 : i32
    %cond3A_1 = arith.cmpi ne, %convert_element_type3A, %cond3A : i32
    scf.if %cond3A_1 {
      %broadcast_in_dim3A_326 = arith.constant 0.000000e+00 : f32
      %broadcast_in_dim3A_327 = vector.broadcast %broadcast_in_dim3A_326 : f32 to vector<1x128xf32>
      %swap3A_328 = arith.constant 0 : index
      %swap3A_329 = arith.constant 0 : index
      %swap3A_330 = vector.load %arg3[%swap3A_328, %swap3A_329] : memref<1x128xf32, #tpu.memory_space<vmem>>, vector<1x128xf32>
      tpu.vector_store %arg3[%swap3A_328, %swap3A_329], %broadcast_in_dim3A_327 {strides = array<i32>} : memref<1x128xf32, #tpu.memory_space<vmem>>, vector<1x128xf32>,
    } else {
    }
    %get3A = arith.constant 0 : index
    %get3A_2 = arith.constant 0 : index
    %get3A_3 = vector.load %arg3[%get3A, %get3A_2] : memref<1x128xf32, #tpu.memory_space<vmem>>, vector<1x128xf32>
    %get3A_4 = arith.constant 0 : index
    %get3A_5 = arith.constant 0 : index
    %get3A_6 = vector.load %arg1[%get3A_4, %get3A_5] : memref<256x2048xf32, #tpu.memory_space<vmem>>, vector<256x2048xf32>
    %iota3A = tpu.iota {dimensions = array<i32: 1>} : vector<1x128xi32>
    %broadcast_in_dim3A = arith.constant 0.000000e+00 : f32
    %broadcast_in_dim3A_7 = vector.broadcast %broadcast_in_dim3A : f32 to vector<1x128xf32>
    %get3A_8 = arith.constant 0 : index
    %get3A_9 = arith.constant 0 : index
    %get3A_10 = memref.load %arg2[%get3A_8, %get3A_9] : memref<1x128xf32, #tpu.memory_space<smem>>
    %ge3A = vector.broadcast %get3A_10 : f32 to vector<256x2048xf32>
    %ge3A_11 = arith.cmpf oge, %get3A_6, %ge3A : vector<256x2048xf32>
    %convert_element_type3A_12 = arith.extui %ge3A_11 : vector<256x2048xi1> to vector<256x2048xi32>
    %convert_element_type3A_13 = arith.sitofp %convert_element_type3A_12 : vector<256x2048xi32> to vector<256x2048xf32>
    %reduce_sum3A = vector.shape_cast %convert_element_type3A_13 : vector<256x2048xf32> to vector<1x256x2048xf32>
    %reduce_sum3A_14 = arith.constant dense<0.000000e+00> : vector<1xf32>
    %reduce_sum3A_15 = vector.multi_reduction <add>, %reduce_sum3A, %reduce_sum3A_14 [1, 2] : vector<1x256x2048xf32> to vector<1xf32>
    %reduce_sum3A_16 = vector.shape_cast %reduce_sum3A_15 : vector<1xf32> to vector<1x1x1xf32>
    %reduce_sum3A_17 = vector.extract %reduce_sum3A_16[0, 0, 0] : f32 from vector<1x1x1xf32>
    %eq3A_18 = arith.constant 0 : i32
    %eq3A_19 = vector.broadcast %eq3A_18 : i32 to vector<1x128xi32>
    %eq3A_20 = arith.cmpi eq, %iota3A, %eq3A_19 : vector<1x128xi32>
    %jit3A = arith.constant 0.000000e+00 : f32
    %broadcast_in_dim3A_21 = vector.broadcast %reduce_sum3A_17 : f32 to vector<1x128xf32>
    %broadcast_in_dim3A_22 = vector.broadcast %jit3A : f32 to vector<1x128xf32>
    %select_n3A = arith.select %eq3A_20, %broadcast_in_dim3A_21, %broadcast_in_dim3A_22 : vector<1x128xi1>, vector<1x128xf32>
    %add3A = arith.addf %broadcast_in_dim3A_7, %select_n3A : vector<1x128xf32>
    %get3A_23 = arith.constant 0 : index
    %get3A_24 = arith.constant 1 : index
    %get3A_25 = memref.load %arg2[%get3A_23, %get3A_24] : memref<1x128xf32, #tpu.memory_space<smem>>
    %ge3A_26 = vector.broadcast %get3A_25 : f32 to vector<256x2048xf32>
    %ge3A_27 = arith.cmpf oge, %get3A_6, %ge3A_26 : vector<256x2048xf32>
    %convert_element_type3A_28 = arith.extui %ge3A_27 : vector<256x2048xi1> to vector<256x2048xi32>
    %convert_element_type3A_29 = arith.sitofp %convert_element_type3A_28 : vector<256x2048xi32> to vector<256x2048xf32>
    %reduce_sum3A_30 = vector.shape_cast %convert_element_type3A_29 : vector<256x2048xf32> to vector<1x256x2048xf32>
    %reduce_sum3A_31 = arith.constant dense<0.000000e+00> : vector<1xf32>
    %reduce_sum3A_32 = vector.multi_reduction <add>, %reduce_sum3A_30, %reduce_sum3A_31 [1, 2] : vector<1x256x2048xf32> to vector<1xf32>
    %reduce_sum3A_33 = vector.shape_cast %reduce_sum3A_32 : vector<1xf32> to vector<1x1x1xf32>
    %reduce_sum3A_34 = vector.extract %reduce_sum3A_33[0, 0, 0] : f32 from vector<1x1x1xf32>
    %eq3A_35 = arith.constant 1 : i32
    %eq3A_36 = vector.broadcast %eq3A_35 : i32 to vector<1x128xi32>
    %eq3A_37 = arith.cmpi eq, %iota3A, %eq3A_36 : vector<1x128xi32>
    %jit3A_38 = arith.constant 0.000000e+00 : f32
    %broadcast_in_dim3A_39 = vector.broadcast %reduce_sum3A_34 : f32 to vector<1x128xf32>
    %broadcast_in_dim3A_40 = vector.broadcast %jit3A_38 : f32 to vector<1x128xf32>
    %select_n3A_41 = arith.select %eq3A_37, %broadcast_in_dim3A_39, %broadcast_in_dim3A_40 : vector<1x128xi1>, vector<1x128xf32>
    %add3A_42 = arith.addf %add3A, %select_n3A_41 : vector<1x128xf32>
    %get3A_43 = arith.constant 0 : index
    %get3A_44 = arith.constant 2 : index
    %get3A_45 = memref.load %arg2[%get3A_43, %get3A_44] : memref<1x128xf32, #tpu.memory_space<smem>>
    %ge3A_46 = vector.broadcast %get3A_45 : f32 to vector<256x2048xf32>
    %ge3A_47 = arith.cmpf oge, %get3A_6, %ge3A_46 : vector<256x2048xf32>
    %convert_element_type3A_48 = arith.extui %ge3A_47 : vector<256x2048xi1> to vector<256x2048xi32>
    %convert_element_type3A_49 = arith.sitofp %convert_element_type3A_48 : vector<256x2048xi32> to vector<256x2048xf32>
    %reduce_sum3A_50 = vector.shape_cast %convert_element_type3A_49 : vector<256x2048xf32> to vector<1x256x2048xf32>
    %reduce_sum3A_51 = arith.constant dense<0.000000e+00> : vector<1xf32>
    %reduce_sum3A_52 = vector.multi_reduction <add>, %reduce_sum3A_50, %reduce_sum3A_51 [1, 2] : vector<1x256x2048xf32> to vector<1xf32>
    %reduce_sum3A_53 = vector.shape_cast %reduce_sum3A_52 : vector<1xf32> to vector<1x1x1xf32>
    %reduce_sum3A_54 = vector.extract %reduce_sum3A_53[0, 0, 0] : f32 from vector<1x1x1xf32>
    %eq3A_55 = arith.constant 2 : i32
    %eq3A_56 = vector.broadcast %eq3A_55 : i32 to vector<1x128xi32>
    %eq3A_57 = arith.cmpi eq, %iota3A, %eq3A_56 : vector<1x128xi32>
    %jit3A_58 = arith.constant 0.000000e+00 : f32
    %broadcast_in_dim3A_59 = vector.broadcast %reduce_sum3A_54 : f32 to vector<1x128xf32>
    %broadcast_in_dim3A_60 = vector.broadcast %jit3A_58 : f32 to vector<1x128xf32>
    %select_n3A_61 = arith.select %eq3A_57, %broadcast_in_dim3A_59, %broadcast_in_dim3A_60 : vector<1x128xi1>, vector<1x128xf32>
    %add3A_62 = arith.addf %add3A_42, %select_n3A_61 : vector<1x128xf32>
    %get3A_63 = arith.constant 0 : index
    %get3A_64 = arith.constant 3 : index
    %get3A_65 = memref.load %arg2[%get3A_63, %get3A_64] : memref<1x128xf32, #tpu.memory_space<smem>>
    %ge3A_66 = vector.broadcast %get3A_65 : f32 to vector<256x2048xf32>
    %ge3A_67 = arith.cmpf oge, %get3A_6, %ge3A_66 : vector<256x2048xf32>
    %convert_element_type3A_68 = arith.extui %ge3A_67 : vector<256x2048xi1> to vector<256x2048xi32>
    %convert_element_type3A_69 = arith.sitofp %convert_element_type3A_68 : vector<256x2048xi32> to vector<256x2048xf32>
    %reduce_sum3A_70 = vector.shape_cast %convert_element_type3A_69 : vector<256x2048xf32> to vector<1x256x2048xf32>
    %reduce_sum3A_71 = arith.constant dense<0.000000e+00> : vector<1xf32>
    %reduce_sum3A_72 = vector.multi_reduction <add>, %reduce_sum3A_70, %reduce_sum3A_71 [1, 2] : vector<1x256x2048xf32> to vector<1xf32>
    %reduce_sum3A_73 = vector.shape_cast %reduce_sum3A_72 : vector<1xf32> to vector<1x1x1xf32>
    %reduce_sum3A_74 = vector.extract %reduce_sum3A_73[0, 0, 0] : f32 from vector<1x1x1xf32>
    %eq3A_75 = arith.constant 3 : i32
    %eq3A_76 = vector.broadcast %eq3A_75 : i32 to vector<1x128xi32>
    %eq3A_77 = arith.cmpi eq, %iota3A, %eq3A_76 : vector<1x128xi32>
    %jit3A_78 = arith.constant 0.000000e+00 : f32
    %broadcast_in_dim3A_79 = vector.broadcast %reduce_sum3A_74 : f32 to vector<1x128xf32>
    %broadcast_in_dim3A_80 = vector.broadcast %jit3A_78 : f32 to vector<1x128xf32>
    %select_n3A_81 = arith.select %eq3A_77, %broadcast_in_dim3A_79, %broadcast_in_dim3A_80 : vector<1x128xi1>, vector<1x128xf32>
    %add3A_82 = arith.addf %add3A_62, %select_n3A_81 : vector<1x128xf32>
    %get3A_83 = arith.constant 0 : index
    %get3A_84 = arith.constant 4 : index
    %get3A_85 = memref.load %arg2[%get3A_83, %get3A_84] : memref<1x128xf32, #tpu.memory_space<smem>>
    %ge3A_86 = vector.broadcast %get3A_85 : f32 to vector<256x2048xf32>
    %ge3A_87 = arith.cmpf oge, %get3A_6, %ge3A_86 : vector<256x2048xf32>
    %convert_element_type3A_88 = arith.extui %ge3A_87 : vector<256x2048xi1> to vector<256x2048xi32>
    %convert_element_type3A_89 = arith.sitofp %convert_element_type3A_88 : vector<256x2048xi32> to vector<256x2048xf32>
    %reduce_sum3A_90 = vector.shape_cast %convert_element_type3A_89 : vector<256x2048xf32> to vector<1x256x2048xf32>
    %reduce_sum3A_91 = arith.constant dense<0.000000e+00> : vector<1xf32>
    %reduce_sum3A_92 = vector.multi_reduction <add>, %reduce_sum3A_90, %reduce_sum3A_91 [1, 2] : vector<1x256x2048xf32> to vector<1xf32>
    %reduce_sum3A_93 = vector.shape_cast %reduce_sum3A_92 : vector<1xf32> to vector<1x1x1xf32>
    %reduce_sum3A_94 = vector.extract %reduce_sum3A_93[0, 0, 0] : f32 from vector<1x1x1xf32>
    %eq3A_95 = arith.constant 4 : i32
    %eq3A_96 = vector.broadcast %eq3A_95 : i32 to vector<1x128xi32>
    %eq3A_97 = arith.cmpi eq, %iota3A, %eq3A_96 : vector<1x128xi32>
    %jit3A_98 = arith.constant 0.000000e+00 : f32
    %broadcast_in_dim3A_99 = vector.broadcast %reduce_sum3A_94 : f32 to vector<1x128xf32>
    %broadcast_in_dim3A_100 = vector.broadcast %jit3A_98 : f32 to vector<1x128xf32>
    %select_n3A_101 = arith.select %eq3A_97, %broadcast_in_dim3A_99, %broadcast_in_dim3A_100 : vector<1x128xi1>, vector<1x128xf32>
    %add3A_102 = arith.addf %add3A_82, %select_n3A_101 : vector<1x128xf32>
    %get3A_103 = arith.constant 0 : index
    %get3A_104 = arith.constant 5 : index
    %get3A_105 = memref.load %arg2[%get3A_103, %get3A_104] : memref<1x128xf32, #tpu.memory_space<smem>>
    %ge3A_106 = vector.broadcast %get3A_105 : f32 to vector<256x2048xf32>
    %ge3A_107 = arith.cmpf oge, %get3A_6, %ge3A_106 : vector<256x2048xf32>
    %convert_element_type3A_108 = arith.extui %ge3A_107 : vector<256x2048xi1> to vector<256x2048xi32>
    %convert_element_type3A_109 = arith.sitofp %convert_element_type3A_108 : vector<256x2048xi32> to vector<256x2048xf32>
    %reduce_sum3A_110 = vector.shape_cast %convert_element_type3A_109 : vector<256x2048xf32> to vector<1x256x2048xf32>
    %reduce_sum3A_111 = arith.constant dense<0.000000e+00> : vector<1xf32>
    %reduce_sum3A_112 = vector.multi_reduction <add>, %reduce_sum3A_110, %reduce_sum3A_111 [1, 2] : vector<1x256x2048xf32> to vector<1xf32>
    %reduce_sum3A_113 = vector.shape_cast %reduce_sum3A_112 : vector<1xf32> to vector<1x1x1xf32>
    %reduce_sum3A_114 = vector.extract %reduce_sum3A_113[0, 0, 0] : f32 from vector<1x1x1xf32>
    %eq3A_115 = arith.constant 5 : i32
    %eq3A_116 = vector.broadcast %eq3A_115 : i32 to vector<1x128xi32>
    %eq3A_117 = arith.cmpi eq, %iota3A, %eq3A_116 : vector<1x128xi32>
    %jit3A_118 = arith.constant 0.000000e+00 : f32
    %broadcast_in_dim3A_119 = vector.broadcast %reduce_sum3A_114 : f32 to vector<1x128xf32>
    %broadcast_in_dim3A_120 = vector.broadcast %jit3A_118 : f32 to vector<1x128xf32>
    %select_n3A_121 = arith.select %eq3A_117, %broadcast_in_dim3A_119, %broadcast_in_dim3A_120 : vector<1x128xi1>, vector<1x128xf32>
    %add3A_122 = arith.addf %add3A_102, %select_n3A_121 : vector<1x128xf32>
    %get3A_123 = arith.constant 0 : index
    %get3A_124 = arith.constant 6 : index
    %get3A_125 = memref.load %arg2[%get3A_123, %get3A_124] : memref<1x128xf32, #tpu.memory_space<smem>>
    %ge3A_126 = vector.broadcast %get3A_125 : f32 to vector<256x2048xf32>
    %ge3A_127 = arith.cmpf oge, %get3A_6, %ge3A_126 : vector<256x2048xf32>
    %convert_element_type3A_128 = arith.extui %ge3A_127 : vector<256x2048xi1> to vector<256x2048xi32>
    %convert_element_type3A_129 = arith.sitofp %convert_element_type3A_128 : vector<256x2048xi32> to vector<256x2048xf32>
    %reduce_sum3A_130 = vector.shape_cast %convert_element_type3A_129 : vector<256x2048xf32> to vector<1x256x2048xf32>
    %reduce_sum3A_131 = arith.constant dense<0.000000e+00> : vector<1xf32>
    %reduce_sum3A_132 = vector.multi_reduction <add>, %reduce_sum3A_130, %reduce_sum3A_131 [1, 2] : vector<1x256x2048xf32> to vector<1xf32>
    %reduce_sum3A_133 = vector.shape_cast %reduce_sum3A_132 : vector<1xf32> to vector<1x1x1xf32>
    %reduce_sum3A_134 = vector.extract %reduce_sum3A_133[0, 0, 0] : f32 from vector<1x1x1xf32>
    %eq3A_135 = arith.constant 6 : i32
    %eq3A_136 = vector.broadcast %eq3A_135 : i32 to vector<1x128xi32>
    %eq3A_137 = arith.cmpi eq, %iota3A, %eq3A_136 : vector<1x128xi32>
    %jit3A_138 = arith.constant 0.000000e+00 : f32
    %broadcast_in_dim3A_139 = vector.broadcast %reduce_sum3A_134 : f32 to vector<1x128xf32>
    %broadcast_in_dim3A_140 = vector.broadcast %jit3A_138 : f32 to vector<1x128xf32>
    %select_n3A_141 = arith.select %eq3A_137, %broadcast_in_dim3A_139, %broadcast_in_dim3A_140 : vector<1x128xi1>, vector<1x128xf32>
    %add3A_142 = arith.addf %add3A_122, %select_n3A_141 : vector<1x128xf32>
    %get3A_143 = arith.constant 0 : index
    %get3A_144 = arith.constant 7 : index
    %get3A_145 = memref.load %arg2[%get3A_143, %get3A_144] : memref<1x128xf32, #tpu.memory_space<smem>>
    %ge3A_146 = vector.broadcast %get3A_145 : f32 to vector<256x2048xf32>
    %ge3A_147 = arith.cmpf oge, %get3A_6, %ge3A_146 : vector<256x2048xf32>
    %convert_element_type3A_148 = arith.extui %ge3A_147 : vector<256x2048xi1> to vector<256x2048xi32>
    %convert_element_type3A_149 = arith.sitofp %convert_element_type3A_148 : vector<256x2048xi32> to vector<256x2048xf32>
    %reduce_sum3A_150 = vector.shape_cast %convert_element_type3A_149 : vector<256x2048xf32> to vector<1x256x2048xf32>
    %reduce_sum3A_151 = arith.constant dense<0.000000e+00> : vector<1xf32>
    %reduce_sum3A_152 = vector.multi_reduction <add>, %reduce_sum3A_150, %reduce_sum3A_151 [1, 2] : vector<1x256x2048xf32> to vector<1xf32>
    %reduce_sum3A_153 = vector.shape_cast %reduce_sum3A_152 : vector<1xf32> to vector<1x1x1xf32>
    %reduce_sum3A_154 = vector.extract %reduce_sum3A_153[0, 0, 0] : f32 from vector<1x1x1xf32>
    %eq3A_155 = arith.constant 7 : i32
    %eq3A_156 = vector.broadcast %eq3A_155 : i32 to vector<1x128xi32>
    %eq3A_157 = arith.cmpi eq, %iota3A, %eq3A_156 : vector<1x128xi32>
    %jit3A_158 = arith.constant 0.000000e+00 : f32
    %broadcast_in_dim3A_159 = vector.broadcast %reduce_sum3A_154 : f32 to vector<1x128xf32>
    %broadcast_in_dim3A_160 = vector.broadcast %jit3A_158 : f32 to vector<1x128xf32>
    %select_n3A_161 = arith.select %eq3A_157, %broadcast_in_dim3A_159, %broadcast_in_dim3A_160 : vector<1x128xi1>, vector<1x128xf32>
    %add3A_162 = arith.addf %add3A_142, %select_n3A_161 : vector<1x128xf32>
    %get3A_163 = arith.constant 0 : index
    %get3A_164 = arith.constant 8 : index
    %get3A_165 = memref.load %arg2[%get3A_163, %get3A_164] : memref<1x128xf32, #tpu.memory_space<smem>>
    %ge3A_166 = vector.broadcast %get3A_165 : f32 to vector<256x2048xf32>
    %ge3A_167 = arith.cmpf oge, %get3A_6, %ge3A_166 : vector<256x2048xf32>
    %convert_element_type3A_168 = arith.extui %ge3A_167 : vector<256x2048xi1> to vector<256x2048xi32>
    %convert_element_type3A_169 = arith.sitofp %convert_element_type3A_168 : vector<256x2048xi32> to vector<256x2048xf32>
    %reduce_sum3A_170 = vector.shape_cast %convert_element_type3A_169 : vector<256x2048xf32> to vector<1x256x2048xf32>
    %reduce_sum3A_171 = arith.constant dense<0.000000e+00> : vector<1xf32>
    %reduce_sum3A_172 = vector.multi_reduction <add>, %reduce_sum3A_170, %reduce_sum3A_171 [1, 2] : vector<1x256x2048xf32> to vector<1xf32>
    %reduce_sum3A_173 = vector.shape_cast %reduce_sum3A_172 : vector<1xf32> to vector<1x1x1xf32>
    %reduce_sum3A_174 = vector.extract %reduce_sum3A_173[0, 0, 0] : f32 from vector<1x1x1xf32>
    %eq3A_175 = arith.constant 8 : i32
    %eq3A_176 = vector.broadcast %eq3A_175 : i32 to vector<1x128xi32>
    %eq3A_177 = arith.cmpi eq, %iota3A, %eq3A_176 : vector<1x128xi32>
    %jit3A_178 = arith.constant 0.000000e+00 : f32
    %broadcast_in_dim3A_179 = vector.broadcast %reduce_sum3A_174 : f32 to vector<1x128xf32>
    %broadcast_in_dim3A_180 = vector.broadcast %jit3A_178 : f32 to vector<1x128xf32>
    %select_n3A_181 = arith.select %eq3A_177, %broadcast_in_dim3A_179, %broadcast_in_dim3A_180 : vector<1x128xi1>, vector<1x128xf32>
    %add3A_182 = arith.addf %add3A_162, %select_n3A_181 : vector<1x128xf32>
    %get3A_183 = arith.constant 0 : index
    %get3A_184 = arith.constant 9 : index
    %get3A_185 = memref.load %arg2[%get3A_183, %get3A_184] : memref<1x128xf32, #tpu.memory_space<smem>>
    %ge3A_186 = vector.broadcast %get3A_185 : f32 to vector<256x2048xf32>
    %ge3A_187 = arith.cmpf oge, %get3A_6, %ge3A_186 : vector<256x2048xf32>
    %convert_element_type3A_188 = arith.extui %ge3A_187 : vector<256x2048xi1> to vector<256x2048xi32>
    %convert_element_type3A_189 = arith.sitofp %convert_element_type3A_188 : vector<256x2048xi32> to vector<256x2048xf32>
    %reduce_sum3A_190 = vector.shape_cast %convert_element_type3A_189 : vector<256x2048xf32> to vector<1x256x2048xf32>
    %reduce_sum3A_191 = arith.constant dense<0.000000e+00> : vector<1xf32>
    %reduce_sum3A_192 = vector.multi_reduction <add>, %reduce_sum3A_190, %reduce_sum3A_191 [1, 2] : vector<1x256x2048xf32> to vector<1xf32>
    %reduce_sum3A_193 = vector.shape_cast %reduce_sum3A_192 : vector<1xf32> to vector<1x1x1xf32>
    %reduce_sum3A_194 = vector.extract %reduce_sum3A_193[0, 0, 0] : f32 from vector<1x1x1xf32>
    %eq3A_195 = arith.constant 9 : i32
    %eq3A_196 = vector.broadcast %eq3A_195 : i32 to vector<1x128xi32>
    %eq3A_197 = arith.cmpi eq, %iota3A, %eq3A_196 : vector<1x128xi32>
    %jit3A_198 = arith.constant 0.000000e+00 : f32
    %broadcast_in_dim3A_199 = vector.broadcast %reduce_sum3A_194 : f32 to vector<1x128xf32>
    %broadcast_in_dim3A_200 = vector.broadcast %jit3A_198 : f32 to vector<1x128xf32>
    %select_n3A_201 = arith.select %eq3A_197, %broadcast_in_dim3A_199, %broadcast_in_dim3A_200 : vector<1x128xi1>, vector<1x128xf32>
    %add3A_202 = arith.addf %add3A_182, %select_n3A_201 : vector<1x128xf32>
    %get3A_203 = arith.constant 0 : index
    %get3A_204 = arith.constant 10 : index
    %get3A_205 = memref.load %arg2[%get3A_203, %get3A_204] : memref<1x128xf32, #tpu.memory_space<smem>>
    %ge3A_206 = vector.broadcast %get3A_205 : f32 to vector<256x2048xf32>
    %ge3A_207 = arith.cmpf oge, %get3A_6, %ge3A_206 : vector<256x2048xf32>
    %convert_element_type3A_208 = arith.extui %ge3A_207 : vector<256x2048xi1> to vector<256x2048xi32>
    %convert_element_type3A_209 = arith.sitofp %convert_element_type3A_208 : vector<256x2048xi32> to vector<256x2048xf32>
    %reduce_sum3A_210 = vector.shape_cast %convert_element_type3A_209 : vector<256x2048xf32> to vector<1x256x2048xf32>
    %reduce_sum3A_211 = arith.constant dense<0.000000e+00> : vector<1xf32>
    %reduce_sum3A_212 = vector.multi_reduction <add>, %reduce_sum3A_210, %reduce_sum3A_211 [1, 2] : vector<1x256x2048xf32> to vector<1xf32>
    %reduce_sum3A_213 = vector.shape_cast %reduce_sum3A_212 : vector<1xf32> to vector<1x1x1xf32>
    %reduce_sum3A_214 = vector.extract %reduce_sum3A_213[0, 0, 0] : f32 from vector<1x1x1xf32>
    %eq3A_215 = arith.constant 10 : i32
    %eq3A_216 = vector.broadcast %eq3A_215 : i32 to vector<1x128xi32>
    %eq3A_217 = arith.cmpi eq, %iota3A, %eq3A_216 : vector<1x128xi32>
    %jit3A_218 = arith.constant 0.000000e+00 : f32
    %broadcast_in_dim3A_219 = vector.broadcast %reduce_sum3A_214 : f32 to vector<1x128xf32>
    %broadcast_in_dim3A_220 = vector.broadcast %jit3A_218 : f32 to vector<1x128xf32>
    %select_n3A_221 = arith.select %eq3A_217, %broadcast_in_dim3A_219, %broadcast_in_dim3A_220 : vector<1x128xi1>, vector<1x128xf32>
    %add3A_222 = arith.addf %add3A_202, %select_n3A_221 : vector<1x128xf32>
    %get3A_223 = arith.constant 0 : index
    %get3A_224 = arith.constant 11 : index
    %get3A_225 = memref.load %arg2[%get3A_223, %get3A_224] : memref<1x128xf32, #tpu.memory_space<smem>>
    %ge3A_226 = vector.broadcast %get3A_225 : f32 to vector<256x2048xf32>
    %ge3A_227 = arith.cmpf oge, %get3A_6, %ge3A_226 : vector<256x2048xf32>
    %convert_element_type3A_228 = arith.extui %ge3A_227 : vector<256x2048xi1> to vector<256x2048xi32>
    %convert_element_type3A_229 = arith.sitofp %convert_element_type3A_228 : vector<256x2048xi32> to vector<256x2048xf32>
    %reduce_sum3A_230 = vector.shape_cast %convert_element_type3A_229 : vector<256x2048xf32> to vector<1x256x2048xf32>
    %reduce_sum3A_231 = arith.constant dense<0.000000e+00> : vector<1xf32>
    %reduce_sum3A_232 = vector.multi_reduction <add>, %reduce_sum3A_230, %reduce_sum3A_231 [1, 2] : vector<1x256x2048xf32> to vector<1xf32>
    %reduce_sum3A_233 = vector.shape_cast %reduce_sum3A_232 : vector<1xf32> to vector<1x1x1xf32>
    %reduce_sum3A_234 = vector.extract %reduce_sum3A_233[0, 0, 0] : f32 from vector<1x1x1xf32>
    %eq3A_235 = arith.constant 11 : i32
    %eq3A_236 = vector.broadcast %eq3A_235 : i32 to vector<1x128xi32>
    %eq3A_237 = arith.cmpi eq, %iota3A, %eq3A_236 : vector<1x128xi32>
    %jit3A_238 = arith.constant 0.000000e+00 : f32
    %broadcast_in_dim3A_239 = vector.broadcast %reduce_sum3A_234 : f32 to vector<1x128xf32>
    %broadcast_in_dim3A_240 = vector.broadcast %jit3A_238 : f32 to vector<1x128xf32>
    %select_n3A_241 = arith.select %eq3A_237, %broadcast_in_dim3A_239, %broadcast_in_dim3A_240 : vector<1x128xi1>, vector<1x128xf32>
    %add3A_242 = arith.addf %add3A_222, %select_n3A_241 : vector<1x128xf32>
    %get3A_243 = arith.constant 0 : index
    %get3A_244 = arith.constant 12 : index
    %get3A_245 = memref.load %arg2[%get3A_243, %get3A_244] : memref<1x128xf32, #tpu.memory_space<smem>>
    %ge3A_246 = vector.broadcast %get3A_245 : f32 to vector<256x2048xf32>
    %ge3A_247 = arith.cmpf oge, %get3A_6, %ge3A_246 : vector<256x2048xf32>
    %convert_element_type3A_248 = arith.extui %ge3A_247 : vector<256x2048xi1> to vector<256x2048xi32>
    %convert_element_type3A_249 = arith.sitofp %convert_element_type3A_248 : vector<256x2048xi32> to vector<256x2048xf32>
    %reduce_sum3A_250 = vector.shape_cast %convert_element_type3A_249 : vector<256x2048xf32> to vector<1x256x2048xf32>
    %reduce_sum3A_251 = arith.constant dense<0.000000e+00> : vector<1xf32>
    %reduce_sum3A_252 = vector.multi_reduction <add>, %reduce_sum3A_250, %reduce_sum3A_251 [1, 2] : vector<1x256x2048xf32> to vector<1xf32>
    %reduce_sum3A_253 = vector.shape_cast %reduce_sum3A_252 : vector<1xf32> to vector<1x1x1xf32>
    %reduce_sum3A_254 = vector.extract %reduce_sum3A_253[0, 0, 0] : f32 from vector<1x1x1xf32>
    %eq3A_255 = arith.constant 12 : i32
    %eq3A_256 = vector.broadcast %eq3A_255 : i32 to vector<1x128xi32>
    %eq3A_257 = arith.cmpi eq, %iota3A, %eq3A_256 : vector<1x128xi32>
    %jit3A_258 = arith.constant 0.000000e+00 : f32
    %broadcast_in_dim3A_259 = vector.broadcast %reduce_sum3A_254 : f32 to vector<1x128xf32>
    %broadcast_in_dim3A_260 = vector.broadcast %jit3A_258 : f32 to vector<1x128xf32>
    %select_n3A_261 = arith.select %eq3A_257, %broadcast_in_dim3A_259, %broadcast_in_dim3A_260 : vector<1x128xi1>, vector<1x128xf32>
    %add3A_262 = arith.addf %add3A_242, %select_n3A_261 : vector<1x128xf32>
    %get3A_263 = arith.constant 0 : index
    %get3A_264 = arith.constant 13 : index
    %get3A_265 = memref.load %arg2[%get3A_263, %get3A_264] : memref<1x128xf32, #tpu.memory_space<smem>>
    %ge3A_266 = vector.broadcast %get3A_265 : f32 to vector<256x2048xf32>
    %ge3A_267 = arith.cmpf oge, %get3A_6, %ge3A_266 : vector<256x2048xf32>
    %convert_element_type3A_268 = arith.extui %ge3A_267 : vector<256x2048xi1> to vector<256x2048xi32>
    %convert_element_type3A_269 = arith.sitofp %convert_element_type3A_268 : vector<256x2048xi32> to vector<256x2048xf32>
    %reduce_sum3A_270 = vector.shape_cast %convert_element_type3A_269 : vector<256x2048xf32> to vector<1x256x2048xf32>
    %reduce_sum3A_271 = arith.constant dense<0.000000e+00> : vector<1xf32>
    %reduce_sum3A_272 = vector.multi_reduction <add>, %reduce_sum3A_270, %reduce_sum3A_271 [1, 2] : vector<1x256x2048xf32> to vector<1xf32>
    %reduce_sum3A_273 = vector.shape_cast %reduce_sum3A_272 : vector<1xf32> to vector<1x1x1xf32>
    %reduce_sum3A_274 = vector.extract %reduce_sum3A_273[0, 0, 0] : f32 from vector<1x1x1xf32>
    %eq3A_275 = arith.constant 13 : i32
    %eq3A_276 = vector.broadcast %eq3A_275 : i32 to vector<1x128xi32>
    %eq3A_277 = arith.cmpi eq, %iota3A, %eq3A_276 : vector<1x128xi32>
    %jit3A_278 = arith.constant 0.000000e+00 : f32
    %broadcast_in_dim3A_279 = vector.broadcast %reduce_sum3A_274 : f32 to vector<1x128xf32>
    %broadcast_in_dim3A_280 = vector.broadcast %jit3A_278 : f32 to vector<1x128xf32>
    %select_n3A_281 = arith.select %eq3A_277, %broadcast_in_dim3A_279, %broadcast_in_dim3A_280 : vector<1x128xi1>, vector<1x128xf32>
    %add3A_282 = arith.addf %add3A_262, %select_n3A_281 : vector<1x128xf32>
    %get3A_283 = arith.constant 0 : index
    %get3A_284 = arith.constant 14 : index
    %get3A_285 = memref.load %arg2[%get3A_283, %get3A_284] : memref<1x128xf32, #tpu.memory_space<smem>>
    %ge3A_286 = vector.broadcast %get3A_285 : f32 to vector<256x2048xf32>
    %ge3A_287 = arith.cmpf oge, %get3A_6, %ge3A_286 : vector<256x2048xf32>
    %convert_element_type3A_288 = arith.extui %ge3A_287 : vector<256x2048xi1> to vector<256x2048xi32>
    %convert_element_type3A_289 = arith.sitofp %convert_element_type3A_288 : vector<256x2048xi32> to vector<256x2048xf32>
    %reduce_sum3A_290 = vector.shape_cast %convert_element_type3A_289 : vector<256x2048xf32> to vector<1x256x2048xf32>
    %reduce_sum3A_291 = arith.constant dense<0.000000e+00> : vector<1xf32>
    %reduce_sum3A_292 = vector.multi_reduction <add>, %reduce_sum3A_290, %reduce_sum3A_291 [1, 2] : vector<1x256x2048xf32> to vector<1xf32>
    %reduce_sum3A_293 = vector.shape_cast %reduce_sum3A_292 : vector<1xf32> to vector<1x1x1xf32>
    %reduce_sum3A_294 = vector.extract %reduce_sum3A_293[0, 0, 0] : f32 from vector<1x1x1xf32>
    %eq3A_295 = arith.constant 14 : i32
    %eq3A_296 = vector.broadcast %eq3A_295 : i32 to vector<1x128xi32>
    %eq3A_297 = arith.cmpi eq, %iota3A, %eq3A_296 : vector<1x128xi32>
    %jit3A_298 = arith.constant 0.000000e+00 : f32
    %broadcast_in_dim3A_299 = vector.broadcast %reduce_sum3A_294 : f32 to vector<1x128xf32>
    %broadcast_in_dim3A_300 = vector.broadcast %jit3A_298 : f32 to vector<1x128xf32>
    %select_n3A_301 = arith.select %eq3A_297, %broadcast_in_dim3A_299, %broadcast_in_dim3A_300 : vector<1x128xi1>, vector<1x128xf32>
    %add3A_302 = arith.addf %add3A_282, %select_n3A_301 : vector<1x128xf32>
    %get3A_303 = arith.constant 0 : index
    %get3A_304 = arith.constant 15 : index
    %get3A_305 = memref.load %arg2[%get3A_303, %get3A_304] : memref<1x128xf32, #tpu.memory_space<smem>>
    %ge3A_306 = vector.broadcast %get3A_305 : f32 to vector<256x2048xf32>
    %ge3A_307 = arith.cmpf oge, %get3A_6, %ge3A_306 : vector<256x2048xf32>
    %convert_element_type3A_308 = arith.extui %ge3A_307 : vector<256x2048xi1> to vector<256x2048xi32>
    %convert_element_type3A_309 = arith.sitofp %convert_element_type3A_308 : vector<256x2048xi32> to vector<256x2048xf32>
    %reduce_sum3A_310 = vector.shape_cast %convert_element_type3A_309 : vector<256x2048xf32> to vector<1x256x2048xf32>
    %reduce_sum3A_311 = arith.constant dense<0.000000e+00> : vector<1xf32>
    %reduce_sum3A_312 = vector.multi_reduction <add>, %reduce_sum3A_310, %reduce_sum3A_311 [1, 2] : vector<1x256x2048xf32> to vector<1xf32>
    %reduce_sum3A_313 = vector.shape_cast %reduce_sum3A_312 : vector<1xf32> to vector<1x1x1xf32>
    %reduce_sum3A_314 = vector.extract %reduce_sum3A_313[0, 0, 0] : f32 from vector<1x1x1xf32>
    %eq3A_315 = arith.constant 15 : i32
    %eq3A_316 = vector.broadcast %eq3A_315 : i32 to vector<1x128xi32>
    %eq3A_317 = arith.cmpi eq, %iota3A, %eq3A_316 : vector<1x128xi32>
    %jit3A_318 = arith.constant 0.000000e+00 : f32
    %broadcast_in_dim3A_319 = vector.broadcast %reduce_sum3A_314 : f32 to vector<1x128xf32>
    %broadcast_in_dim3A_320 = vector.broadcast %jit3A_318 : f32 to vector<1x128xf32>
    %select_n3A_321 = arith.select %eq3A_317, %broadcast_in_dim3A_319, %broadcast_in_dim3A_320 : vector<1x128xi1>, vector<1x128xf32>
    %add3A_322 = arith.addf %add3A_302, %select_n3A_321 : vector<1x128xf32>
    %add3A_323 = arith.addf %get3A_3, %add3A_322 : vector<1x128xf32>
    %swap3A = arith.constant 0 : index
    %swap3A_324 = arith.constant 0 : index
    %swap3A_325 = vector.load %arg3[%swap3A, %swap3A_324] : memref<1x128xf32, #tpu.memory_space<vmem>>, vector<1x128xf32>
    tpu.vector_store %arg3[%swap3A, %swap3A_324], %add3A_323 {strides = array<i32>} : memref<1x128xf32, #tpu.memory_space<vmem>>, vector<1x128xf32>,
    return
  }
  func.func @transform_0(%arg0: i32) -> (i32, i32) {
    %c0_i32 = arith.constant 0 : i32
    %c0_i32_0 = arith.constant 0 : i32
    return %arg0, %c0_i32 : i32, i32
  }
  func.func @transform_1(%arg0: i32) -> (i32, i32) {
    %c0_i32 = arith.constant 0 : i32
    %c0_i32_0 = arith.constant 0 : i32
    %c0_i32_1 = arith.constant 0 : i32
    return %c0_i32, %c0_i32_0 : i32, i32
  }
  func.func @transform_2(%arg0: i32) -> (i32, i32) {
    %c0_i32 = arith.constant 0 : i32
    %c0_i32_0 = arith.constant 0 : i32
    %c0_i32_1 = arith.constant 0 : i32
    return %c0_i32, %c0_i32_0 : i32, i32
  }
}

module attributes {stable_mosaic.version = 14 : i64} {
  func.func @_row_count_body(%arg0: i32, %arg1: memref<256x2048xf32, #tpu.memory_space<vmem>>, %arg2: memref<1x1xf32, #tpu.memory_space<smem>>, %arg3: memref<256x1xf32, #tpu.memory_space<vmem>>) attributes {dimension_semantics = [#tpu.dimension_semantics<arbitrary>], iteration_bounds = array<i64: 8>, scalar_prefetch = 0 : i64, scratch_operands = 0 : i64, tpu.core_type = #tpu.core_type<tc>, window_params = [{transform_indices = @transform_0, window_bounds = array<i64: 256, 2048>}, {transform_indices = @transform_1, window_bounds = array<i64: 1, 1>}, {transform_indices = @transform_2, window_bounds = array<i64: 256, 1>}]} {
    %get3A = arith.constant 0 : index
    %get3A_0 = arith.constant 0 : index
    %get3A_1 = vector.load %arg1[%get3A, %get3A_0] : memref<256x2048xf32, #tpu.memory_space<vmem>>, vector<256x2048xf32>
    %get3A_2 = arith.constant 0 : index
    %get3A_3 = arith.constant 0 : index
    %get3A_4 = memref.load %arg2[%get3A_2, %get3A_3] : memref<1x1xf32, #tpu.memory_space<smem>>
    %ge3A = vector.broadcast %get3A_4 : f32 to vector<256x2048xf32>
    %ge3A_5 = arith.cmpf oge, %get3A_1, %ge3A : vector<256x2048xf32>
    %convert_element_type3A = arith.extui %ge3A_5 : vector<256x2048xi1> to vector<256x2048xi32>
    %convert_element_type3A_6 = arith.sitofp %convert_element_type3A : vector<256x2048xi32> to vector<256x2048xf32>
    %reduce_sum3A = arith.constant dense<0.000000e+00> : vector<256xf32>
    %reduce_sum3A_7 = vector.multi_reduction <add>, %convert_element_type3A_6, %reduce_sum3A [1] : vector<256x2048xf32> to vector<256xf32>
    %broadcast_in_dim3A = vector.shape_cast %reduce_sum3A_7 : vector<256xf32> to vector<256x1xf32>
    %swap3A = arith.constant 0 : index
    %swap3A_8 = arith.constant 0 : index
    %swap3A_9 = vector.load %arg3[%swap3A, %swap3A_8] : memref<256x1xf32, #tpu.memory_space<vmem>>, vector<256x1xf32>
    tpu.vector_store %arg3[%swap3A, %swap3A_8], %broadcast_in_dim3A {strides = array<i32>} : memref<256x1xf32, #tpu.memory_space<vmem>>, vector<256x1xf32>,
    return
  }
  func.func @transform_0(%arg0: i32) -> (i32, i32) {
    %c0_i32 = arith.constant 0 : i32
    %c0_i32_0 = arith.constant 0 : i32
    return %arg0, %c0_i32 : i32, i32
  }
  func.func @transform_1(%arg0: i32) -> (i32, i32) {
    %c0_i32 = arith.constant 0 : i32
    %c0_i32_0 = arith.constant 0 : i32
    %c0_i32_1 = arith.constant 0 : i32
    return %c0_i32, %c0_i32_0 : i32, i32
  }
  func.func @transform_2(%arg0: i32) -> (i32, i32) {
    %c0_i32 = arith.constant 0 : i32
    %c0_i32_0 = arith.constant 0 : i32
    return %arg0, %c0_i32 : i32, i32
  }
}

module attributes {stable_mosaic.version = 14 : i64} {
  func.func @_gat_body(%arg0: i32, %arg1: memref<2048x512xf32, #tpu.memory_space<vmem>>, %arg2: memref<2048x128xf32, #tpu.memory_space<vmem>>, %arg3: memref<512x128xf32, #tpu.memory_space<vmem>>, %arg4: memref<128x256xf32, #tpu.memory_space<vmem>>, %arg5: memref<4x64xf32, #tpu.memory_space<vmem>>, %arg6: memref<4x64xf32, #tpu.memory_space<vmem>>, %arg7: memref<2048x1xf32, #tpu.memory_space<vmem>>, %arg8: memref<1x2048xf32, #tpu.memory_space<vmem>>, %arg9: memref<1x1xf32, #tpu.memory_space<smem>>, %arg10: memref<1x256xf32, #tpu.memory_space<vmem>>, %arg11: memref<512x256xf32, #tpu.memory_space<vmem>>) attributes {dimension_semantics = [#tpu.dimension_semantics<arbitrary>], iteration_bounds = array<i64: 4>, scalar_prefetch = 0 : i64, scratch_operands = 0 : i64, tpu.core_type = #tpu.core_type<tc>, window_params = [{transform_indices = @transform_0, window_bounds = array<i64: 2048, 512>}, {pipeline_mode = #tpu.pipeline_mode<synchronous>, transform_indices = @transform_1, window_bounds = array<i64: 2048, 128>}, {transform_indices = @transform_2, window_bounds = array<i64: 512, 128>}, {pipeline_mode = #tpu.pipeline_mode<synchronous>, transform_indices = @transform_3, window_bounds = array<i64: 128, 256>}, {pipeline_mode = #tpu.pipeline_mode<synchronous>, transform_indices = @transform_4, window_bounds = array<i64: 4, 64>}, {pipeline_mode = #tpu.pipeline_mode<synchronous>, transform_indices = @transform_5, window_bounds = array<i64: 4, 64>}, {pipeline_mode = #tpu.pipeline_mode<synchronous>, transform_indices = @transform_6, window_bounds = array<i64: 2048, 1>}, {pipeline_mode = #tpu.pipeline_mode<synchronous>, transform_indices = @transform_7, window_bounds = array<i64: 1, 2048>}, {transform_indices = @transform_8, window_bounds = array<i64: 1, 1>}, {pipeline_mode = #tpu.pipeline_mode<synchronous>, transform_indices = @transform_9, window_bounds = array<i64: 1, 256>}, {transform_indices = @transform_10, window_bounds = array<i64: 512, 256>}]} {
    %mul3A = arith.constant 512 : i32
    %mul3A_0 = arith.muli %arg0, %mul3A : i32
    %get3A = arith.constant 0 : index
    %get3A_1 = arith.constant 0 : index
    %get3A_2 = vector.load %arg1[%get3A, %get3A_1] : memref<2048x512xf32, #tpu.memory_space<vmem>>, vector<2048x512xf32>
    %get3A_3 = arith.constant 0 : index
    %get3A_4 = arith.constant 0 : index
    %get3A_5 = vector.load %arg7[%get3A_3, %get3A_4] : memref<2048x1xf32, #tpu.memory_space<vmem>>, vector<2048x1xf32>
    %get3A_6 = vector.shape_cast %get3A_5 : vector<2048x1xf32> to vector<2048x1xf32>
    %get3A_7 = arith.constant 0 : index
    %get3A_8 = arith.index_cast %mul3A_0 : i32 to index
    %get3A_9 = vector.load %arg8[%get3A_7, %get3A_8] : memref<1x2048xf32, #tpu.memory_space<vmem>>, vector<1x512xf32>
    %get3A_10 = arith.constant 0 : index
    %get3A_11 = arith.constant 0 : index
    %get3A_12 = memref.load %arg9[%get3A_10, %get3A_11] : memref<1x1xf32, #tpu.memory_space<smem>>
    %ge3A = vector.broadcast %get3A_12 : f32 to vector<2048x512xf32>
    %ge3A_13 = arith.cmpf oge, %get3A_2, %ge3A : vector<2048x512xf32>
    %eq3A = arith.constant 1.000000e+00 : f32
    %eq3A_14 = vector.broadcast %eq3A : f32 to vector<2048x1xf32>
    %eq3A_15 = arith.cmpf oeq, %get3A_6, %eq3A_14 : vector<2048x1xf32>
    %eq3A_16 = arith.constant 2.000000e+00 : f32
    %eq3A_17 = vector.broadcast %eq3A_16 : f32 to vector<2048x1xf32>
    %eq3A_18 = arith.cmpf oeq, %get3A_6, %eq3A_17 : vector<2048x1xf32>
    %eq3A_19 = arith.constant 1.000000e+00 : f32
    %eq3A_20 = vector.broadcast %eq3A_19 : f32 to vector<1x512xf32>
    %eq3A_21 = arith.cmpf oeq, %get3A_9, %eq3A_20 : vector<1x512xf32>
    %and3A = vector.broadcast %eq3A_18 : vector<2048x1xi1> to vector<2048x512xi1>
    %and3A_22 = vector.broadcast %eq3A_21 : vector<1x512xi1> to vector<2048x512xi1>
    %and3A_23 = arith.andi %and3A, %and3A_22 : vector<2048x512xi1>
    %or3A = vector.broadcast %eq3A_15 : vector<2048x1xi1> to vector<2048x512xi1>
    %or3A_24 = arith.ori %or3A, %and3A_23 : vector<2048x512xi1>
    %and3A_25 = arith.andi %ge3A_13, %or3A_24 : vector<2048x512xi1>
    %iota3A = tpu.iota {dimensions = array<i32: 0>} : vector<2048x512xi32>
    %iota3A_26 = tpu.iota {dimensions = array<i32: 1>} : vector<2048x512xi32>
    %add3A = vector.broadcast %mul3A_0 : i32 to vector<2048x512xi32>
    %add3A_27 = arith.addi %iota3A_26, %add3A : vector<2048x512xi32>
    %eq3A_28 = arith.cmpi eq, %iota3A, %add3A_27 : vector<2048x512xi32>
    %get3A_29 = arith.constant 0 : index
    %get3A_30 = arith.constant 0 : index
    %get3A_31 = vector.load %arg2[%get3A_29, %get3A_30] : memref<2048x128xf32, #tpu.memory_space<vmem>>, vector<2048x128xf32>
    %get3A_32 = arith.constant 0 : index
    %get3A_33 = arith.constant 0 : index
    %get3A_34 = vector.load %arg4[%get3A_32, %get3A_33] : memref<128x256xf32, #tpu.memory_space<vmem>>, vector<128x256xf32>
    %dot_general3A = arith.constant dense<0.000000e+00> : vector<2048x256xf32>
    %dot_general3A_35 = tpu.matmul %get3A_31, %get3A_34, %dot_general3A {dimension_numbers = #tpu.dot_dimension_numbers<[1], [0], [0], [1], [0, 0, 1, 1], [], []>, transpose_lhs_hint = false} : vector<2048x128xf32>, vector<128x256xf32>, vector<2048x256xf32> -> vector<2048x256xf32>
    %get3A_36 = arith.constant 0 : index
    %get3A_37 = arith.constant 0 : index
    %get3A_38 = vector.load %arg3[%get3A_36, %get3A_37] : memref<512x128xf32, #tpu.memory_space<vmem>>, vector<512x128xf32>
    %get3A_39 = arith.constant 0 : index
    %get3A_40 = arith.constant 0 : index
    %get3A_41 = vector.load %arg4[%get3A_39, %get3A_40] : memref<128x256xf32, #tpu.memory_space<vmem>>, vector<128x256xf32>
    %dot_general3A_42 = arith.constant dense<0.000000e+00> : vector<512x256xf32>
    %dot_general3A_43 = tpu.matmul %get3A_38, %get3A_41, %dot_general3A_42 {dimension_numbers = #tpu.dot_dimension_numbers<[1], [0], [0], [1], [0, 0, 1, 1], [], []>, transpose_lhs_hint = false} : vector<512x128xf32>, vector<128x256xf32>, vector<512x256xf32> -> vector<512x256xf32>
    %slice3A = vector.extract_strided_slice %dot_general3A_35 {offsets = [0, 0], sizes = [2048, 64], strides = [1, 1]} : vector<2048x256xf32> to vector<2048x64xf32>
    %slice3A_44 = vector.extract_strided_slice %dot_general3A_43 {offsets = [0, 0], sizes = [512, 64], strides = [1, 1]} : vector<512x256xf32> to vector<512x64xf32>
    %get3A_45 = arith.constant 0 : index
    %get3A_46 = arith.constant 0 : index
    %get3A_47 = vector.load %arg5[%get3A_45, %get3A_46] : memref<4x64xf32, #tpu.memory_space<vmem>>, vector<1x64xf32>
    %mul3A_48 = vector.broadcast %get3A_47 : vector<1x64xf32> to vector<2048x64xf32>
    %mul3A_49 = arith.mulf %slice3A, %mul3A_48 : vector<2048x64xf32>
    %reduce_sum3A = arith.constant dense<0.000000e+00> : vector<2048xf32>
    %reduce_sum3A_50 = vector.multi_reduction <add>, %mul3A_49, %reduce_sum3A [1] : vector<2048x64xf32> to vector<2048xf32>
    %broadcast_in_dim3A = vector.shape_cast %reduce_sum3A_50 : vector<2048xf32> to vector<2048x1xf32>
    %get3A_51 = arith.constant 0 : index
    %get3A_52 = arith.constant 0 : index
    %get3A_53 = vector.load %arg6[%get3A_51, %get3A_52] : memref<4x64xf32, #tpu.memory_space<vmem>>, vector<1x64xf32>
    %dot_general3A_54 = arith.constant dense<0.000000e+00> : vector<1x512xf32>
    %dot_general3A_55 = tpu.matmul %get3A_53, %slice3A_44, %dot_general3A_54 {dimension_numbers = #tpu.dot_dimension_numbers<[1], [1], [0], [0], [0, 0, 1, 0], [], []>, precision = #tpu.contract_precision<fp32>, transpose_lhs_hint = false} : vector<1x64xf32>, vector<512x64xf32>, vector<1x512xf32> -> vector<1x512xf32>
    %add3A_56 = vector.broadcast %broadcast_in_dim3A : vector<2048x1xf32> to vector<2048x512xf32>
    %add3A_57 = vector.broadcast %dot_general3A_55 : vector<1x512xf32> to vector<2048x512xf32>
    %add3A_58 = arith.addf %add3A_56, %add3A_57 : vector<2048x512xf32>
    %ge3A_59 = arith.constant 0.000000e+00 : f32
    %ge3A_60 = vector.broadcast %ge3A_59 : f32 to vector<2048x512xf32>
    %ge3A_61 = arith.cmpf oge, %add3A_58, %ge3A_60 : vector<2048x512xf32>
    %mul3A_62 = arith.constant 2.000000e-01 : f32
    %mul3A_63 = vector.broadcast %mul3A_62 : f32 to vector<2048x512xf32>
    %mul3A_64 = arith.mulf %mul3A_63, %add3A_58 : vector<2048x512xf32>
    %select_n3A = arith.select %ge3A_61, %add3A_58, %mul3A_64 : vector<2048x512xi1>, vector<2048x512xf32>
    %exp3A = math.exp %select_n3A : vector<2048x512xf32>
    %jit3A = arith.constant 0.000000e+00 : f32
    %broadcast_in_dim3A_65 = vector.broadcast %jit3A : f32 to vector<2048x512xf32>
    %select_n3A_66 = arith.select %and3A_25, %exp3A, %broadcast_in_dim3A_65 : vector<2048x512xi1>, vector<2048x512xf32>
    %jit3A_67 = arith.constant 0.000000e+00 : f32
    %broadcast_in_dim3A_68 = vector.broadcast %jit3A_67 : f32 to vector<2048x512xf32>
    %select_n3A_69 = arith.select %eq3A_28, %exp3A, %broadcast_in_dim3A_68 : vector<2048x512xi1>, vector<2048x512xf32>
    %add3A_70 = arith.addf %select_n3A_66, %select_n3A_69 : vector<2048x512xf32>
    %reduce_sum3A_71 = arith.constant dense<0.000000e+00> : vector<512xf32>
    %reduce_sum3A_72 = vector.multi_reduction <add>, %add3A_70, %reduce_sum3A_71 [0] : vector<2048x512xf32> to vector<512xf32>
    %broadcast_in_dim3A_73 = vector.shape_cast %reduce_sum3A_72 : vector<512xf32> to vector<1x512xf32>
    %add3A_74 = arith.constant 1.000000e-16 : f32
    %add3A_75 = vector.broadcast %add3A_74 : f32 to vector<1x512xf32>
    %add3A_76 = arith.addf %broadcast_in_dim3A_73, %add3A_75 : vector<1x512xf32>
    %div3A = arith.constant 1.000000e+00 : f32
    %div3A_77 = vector.broadcast %div3A : f32 to vector<1x512xf32>
    %div3A_78 = arith.divf %div3A_77, %add3A_76 : vector<1x512xf32>
    %mul3A_79 = vector.broadcast %div3A_78 : vector<1x512xf32> to vector<2048x512xf32>
    %mul3A_80 = arith.mulf %add3A_70, %mul3A_79 : vector<2048x512xf32>
    %convert_element_type3A = arith.truncf %mul3A_80 : vector<2048x512xf32> to vector<2048x512xbf16>
    %convert_element_type3A_81 = arith.extf %convert_element_type3A : vector<2048x512xbf16> to vector<2048x512xf32>
    %sub3A = arith.subf %mul3A_80, %convert_element_type3A_81 : vector<2048x512xf32>
    %convert_element_type3A_82 = arith.truncf %slice3A : vector<2048x64xf32> to vector<2048x64xbf16>
    %convert_element_type3A_83 = arith.extf %convert_element_type3A_82 : vector<2048x64xbf16> to vector<2048x64xf32>
    %sub3A_84 = arith.subf %slice3A, %convert_element_type3A_83 : vector<2048x64xf32>
    %dot_general3A_85 = arith.constant dense<0.000000e+00> : vector<512x64xf32>
    %dot_general3A_86 = tpu.matmul %convert_element_type3A_81, %convert_element_type3A_83, %dot_general3A_85 {dimension_numbers = #tpu.dot_dimension_numbers<[0], [0], [1], [1], [0, 1, 1, 1], [], []>, transpose_lhs_hint = false} : vector<2048x512xf32>, vector<2048x64xf32>, vector<512x64xf32> -> vector<512x64xf32>
    %dot_general3A_87 = arith.constant dense<0.000000e+00> : vector<512x64xf32>
    %dot_general3A_88 = tpu.matmul %convert_element_type3A_81, %sub3A_84, %dot_general3A_87 {dimension_numbers = #tpu.dot_dimension_numbers<[0], [0], [1], [1], [0, 1, 1, 1], [], []>, transpose_lhs_hint = false} : vector<2048x512xf32>, vector<2048x64xf32>, vector<512x64xf32> -> vector<512x64xf32>
    %add3A_89 = arith.addf %dot_general3A_86, %dot_general3A_88 : vector<512x64xf32>
    %dot_general3A_90 = arith.constant dense<0.000000e+00> : vector<512x64xf32>
    %dot_general3A_91 = tpu.matmul %sub3A, %convert_element_type3A_83, %dot_general3A_90 {dimension_numbers = #tpu.dot_dimension_numbers<[0], [0], [1], [1], [0, 1, 1, 1], [], []>, transpose_lhs_hint = false} : vector<2048x512xf32>, vector<2048x64xf32>, vector<512x64xf32> -> vector<512x64xf32>
    %add3A_92 = arith.addf %add3A_89, %dot_general3A_91 : vector<512x64xf32>
    %slice3A_93 = vector.extract_strided_slice %dot_general3A_35 {offsets = [0, 64], sizes = [2048, 64], strides = [1, 1]} : vector<2048x256xf32> to vector<2048x64xf32>
    %slice3A_94 = vector.extract_strided_slice %dot_general3A_43 {offsets = [0, 64], sizes = [512, 64], strides = [1, 1]} : vector<512x256xf32> to vector<512x64xf32>
    %get3A_95 = arith.constant 1 : index
    %get3A_96 = arith.constant 0 : index
    %get3A_97 = vector.load %arg5[%get3A_95, %get3A_96] : memref<4x64xf32, #tpu.memory_space<vmem>>, vector<1x64xf32>
    %mul3A_98 = vector.broadcast %get3A_97 : vector<1x64xf32> to vector<2048x64xf32>
    %mul3A_99 = arith.mulf %slice3A_93, %mul3A_98 : vector<2048x64xf32>
    %reduce_sum3A_100 = arith.constant dense<0.000000e+00> : vector<2048xf32>
    %reduce_sum3A_101 = vector.multi_reduction <add>, %mul3A_99, %reduce_sum3A_100 [1] : vector<2048x64xf32> to vector<2048xf32>
    %broadcast_in_dim3A_102 = vector.shape_cast %reduce_sum3A_101 : vector<2048xf32> to vector<2048x1xf32>
    %get3A_103 = arith.constant 1 : index
    %get3A_104 = arith.constant 0 : index
    %get3A_105 = vector.load %arg6[%get3A_103, %get3A_104] : memref<4x64xf32, #tpu.memory_space<vmem>>, vector<1x64xf32>
    %dot_general3A_106 = arith.constant dense<0.000000e+00> : vector<1x512xf32>
    %dot_general3A_107 = tpu.matmul %get3A_105, %slice3A_94, %dot_general3A_106 {dimension_numbers = #tpu.dot_dimension_numbers<[1], [1], [0], [0], [0, 0, 1, 0], [], []>, precision = #tpu.contract_precision<fp32>, transpose_lhs_hint = false} : vector<1x64xf32>, vector<512x64xf32>, vector<1x512xf32> -> vector<1x512xf32>
    %add3A_108 = vector.broadcast %broadcast_in_dim3A_102 : vector<2048x1xf32> to vector<2048x512xf32>
    %add3A_109 = vector.broadcast %dot_general3A_107 : vector<1x512xf32> to vector<2048x512xf32>
    %add3A_110 = arith.addf %add3A_108, %add3A_109 : vector<2048x512xf32>
    %ge3A_111 = arith.constant 0.000000e+00 : f32
    %ge3A_112 = vector.broadcast %ge3A_111 : f32 to vector<2048x512xf32>
    %ge3A_113 = arith.cmpf oge, %add3A_110, %ge3A_112 : vector<2048x512xf32>
    %mul3A_114 = arith.constant 2.000000e-01 : f32
    %mul3A_115 = vector.broadcast %mul3A_114 : f32 to vector<2048x512xf32>
    %mul3A_116 = arith.mulf %mul3A_115, %add3A_110 : vector<2048x512xf32>
    %select_n3A_117 = arith.select %ge3A_113, %add3A_110, %mul3A_116 : vector<2048x512xi1>, vector<2048x512xf32>
    %exp3A_118 = math.exp %select_n3A_117 : vector<2048x512xf32>
    %jit3A_119 = arith.constant 0.000000e+00 : f32
    %broadcast_in_dim3A_120 = vector.broadcast %jit3A_119 : f32 to vector<2048x512xf32>
    %select_n3A_121 = arith.select %and3A_25, %exp3A_118, %broadcast_in_dim3A_120 : vector<2048x512xi1>, vector<2048x512xf32>
    %jit3A_122 = arith.constant 0.000000e+00 : f32
    %broadcast_in_dim3A_123 = vector.broadcast %jit3A_122 : f32 to vector<2048x512xf32>
    %select_n3A_124 = arith.select %eq3A_28, %exp3A_118, %broadcast_in_dim3A_123 : vector<2048x512xi1>, vector<2048x512xf32>
    %add3A_125 = arith.addf %select_n3A_121, %select_n3A_124 : vector<2048x512xf32>
    %reduce_sum3A_126 = arith.constant dense<0.000000e+00> : vector<512xf32>
    %reduce_sum3A_127 = vector.multi_reduction <add>, %add3A_125, %reduce_sum3A_126 [0] : vector<2048x512xf32> to vector<512xf32>
    %broadcast_in_dim3A_128 = vector.shape_cast %reduce_sum3A_127 : vector<512xf32> to vector<1x512xf32>
    %add3A_129 = arith.constant 1.000000e-16 : f32
    %add3A_130 = vector.broadcast %add3A_129 : f32 to vector<1x512xf32>
    %add3A_131 = arith.addf %broadcast_in_dim3A_128, %add3A_130 : vector<1x512xf32>
    %div3A_132 = arith.constant 1.000000e+00 : f32
    %div3A_133 = vector.broadcast %div3A_132 : f32 to vector<1x512xf32>
    %div3A_134 = arith.divf %div3A_133, %add3A_131 : vector<1x512xf32>
    %mul3A_135 = vector.broadcast %div3A_134 : vector<1x512xf32> to vector<2048x512xf32>
    %mul3A_136 = arith.mulf %add3A_125, %mul3A_135 : vector<2048x512xf32>
    %convert_element_type3A_137 = arith.truncf %mul3A_136 : vector<2048x512xf32> to vector<2048x512xbf16>
    %convert_element_type3A_138 = arith.extf %convert_element_type3A_137 : vector<2048x512xbf16> to vector<2048x512xf32>
    %sub3A_139 = arith.subf %mul3A_136, %convert_element_type3A_138 : vector<2048x512xf32>
    %convert_element_type3A_140 = arith.truncf %slice3A_93 : vector<2048x64xf32> to vector<2048x64xbf16>
    %convert_element_type3A_141 = arith.extf %convert_element_type3A_140 : vector<2048x64xbf16> to vector<2048x64xf32>
    %sub3A_142 = arith.subf %slice3A_93, %convert_element_type3A_141 : vector<2048x64xf32>
    %dot_general3A_143 = arith.constant dense<0.000000e+00> : vector<512x64xf32>
    %dot_general3A_144 = tpu.matmul %convert_element_type3A_138, %convert_element_type3A_141, %dot_general3A_143 {dimension_numbers = #tpu.dot_dimension_numbers<[0], [0], [1], [1], [0, 1, 1, 1], [], []>, transpose_lhs_hint = false} : vector<2048x512xf32>, vector<2048x64xf32>, vector<512x64xf32> -> vector<512x64xf32>
    %dot_general3A_145 = arith.constant dense<0.000000e+00> : vector<512x64xf32>
    %dot_general3A_146 = tpu.matmul %convert_element_type3A_138, %sub3A_142, %dot_general3A_145 {dimension_numbers = #tpu.dot_dimension_numbers<[0], [0], [1], [1], [0, 1, 1, 1], [], []>, transpose_lhs_hint = false} : vector<2048x512xf32>, vector<2048x64xf32>, vector<512x64xf32> -> vector<512x64xf32>
    %add3A_147 = arith.addf %dot_general3A_144, %dot_general3A_146 : vector<512x64xf32>
    %dot_general3A_148 = arith.constant dense<0.000000e+00> : vector<512x64xf32>
    %dot_general3A_149 = tpu.matmul %sub3A_139, %convert_element_type3A_141, %dot_general3A_148 {dimension_numbers = #tpu.dot_dimension_numbers<[0], [0], [1], [1], [0, 1, 1, 1], [], []>, transpose_lhs_hint = false} : vector<2048x512xf32>, vector<2048x64xf32>, vector<512x64xf32> -> vector<512x64xf32>
    %add3A_150 = arith.addf %add3A_147, %dot_general3A_149 : vector<512x64xf32>
    %slice3A_151 = vector.extract_strided_slice %dot_general3A_35 {offsets = [0, 128], sizes = [2048, 64], strides = [1, 1]} : vector<2048x256xf32> to vector<2048x64xf32>
    %slice3A_152 = vector.extract_strided_slice %dot_general3A_43 {offsets = [0, 128], sizes = [512, 64], strides = [1, 1]} : vector<512x256xf32> to vector<512x64xf32>
    %get3A_153 = arith.constant 2 : index
    %get3A_154 = arith.constant 0 : index
    %get3A_155 = vector.load %arg5[%get3A_153, %get3A_154] : memref<4x64xf32, #tpu.memory_space<vmem>>, vector<1x64xf32>
    %mul3A_156 = vector.broadcast %get3A_155 : vector<1x64xf32> to vector<2048x64xf32>
    %mul3A_157 = arith.mulf %slice3A_151, %mul3A_156 : vector<2048x64xf32>
    %reduce_sum3A_158 = arith.constant dense<0.000000e+00> : vector<2048xf32>
    %reduce_sum3A_159 = vector.multi_reduction <add>, %mul3A_157, %reduce_sum3A_158 [1] : vector<2048x64xf32> to vector<2048xf32>
    %broadcast_in_dim3A_160 = vector.shape_cast %reduce_sum3A_159 : vector<2048xf32> to vector<2048x1xf32>
    %get3A_161 = arith.constant 2 : index
    %get3A_162 = arith.constant 0 : index
    %get3A_163 = vector.load %arg6[%get3A_161, %get3A_162] : memref<4x64xf32, #tpu.memory_space<vmem>>, vector<1x64xf32>
    %dot_general3A_164 = arith.constant dense<0.000000e+00> : vector<1x512xf32>
    %dot_general3A_165 = tpu.matmul %get3A_163, %slice3A_152, %dot_general3A_164 {dimension_numbers = #tpu.dot_dimension_numbers<[1], [1], [0], [0], [0, 0, 1, 0], [], []>, precision = #tpu.contract_precision<fp32>, transpose_lhs_hint = false} : vector<1x64xf32>, vector<512x64xf32>, vector<1x512xf32> -> vector<1x512xf32>
    %add3A_166 = vector.broadcast %broadcast_in_dim3A_160 : vector<2048x1xf32> to vector<2048x512xf32>
    %add3A_167 = vector.broadcast %dot_general3A_165 : vector<1x512xf32> to vector<2048x512xf32>
    %add3A_168 = arith.addf %add3A_166, %add3A_167 : vector<2048x512xf32>
    %ge3A_169 = arith.constant 0.000000e+00 : f32
    %ge3A_170 = vector.broadcast %ge3A_169 : f32 to vector<2048x512xf32>
    %ge3A_171 = arith.cmpf oge, %add3A_168, %ge3A_170 : vector<2048x512xf32>
    %mul3A_172 = arith.constant 2.000000e-01 : f32
    %mul3A_173 = vector.broadcast %mul3A_172 : f32 to vector<2048x512xf32>
    %mul3A_174 = arith.mulf %mul3A_173, %add3A_168 : vector<2048x512xf32>
    %select_n3A_175 = arith.select %ge3A_171, %add3A_168, %mul3A_174 : vector<2048x512xi1>, vector<2048x512xf32>
    %exp3A_176 = math.exp %select_n3A_175 : vector<2048x512xf32>
    %jit3A_177 = arith.constant 0.000000e+00 : f32
    %broadcast_in_dim3A_178 = vector.broadcast %jit3A_177 : f32 to vector<2048x512xf32>
    %select_n3A_179 = arith.select %and3A_25, %exp3A_176, %broadcast_in_dim3A_178 : vector<2048x512xi1>, vector<2048x512xf32>
    %jit3A_180 = arith.constant 0.000000e+00 : f32
    %broadcast_in_dim3A_181 = vector.broadcast %jit3A_180 : f32 to vector<2048x512xf32>
    %select_n3A_182 = arith.select %eq3A_28, %exp3A_176, %broadcast_in_dim3A_181 : vector<2048x512xi1>, vector<2048x512xf32>
    %add3A_183 = arith.addf %select_n3A_179, %select_n3A_182 : vector<2048x512xf32>
    %reduce_sum3A_184 = arith.constant dense<0.000000e+00> : vector<512xf32>
    %reduce_sum3A_185 = vector.multi_reduction <add>, %add3A_183, %reduce_sum3A_184 [0] : vector<2048x512xf32> to vector<512xf32>
    %broadcast_in_dim3A_186 = vector.shape_cast %reduce_sum3A_185 : vector<512xf32> to vector<1x512xf32>
    %add3A_187 = arith.constant 1.000000e-16 : f32
    %add3A_188 = vector.broadcast %add3A_187 : f32 to vector<1x512xf32>
    %add3A_189 = arith.addf %broadcast_in_dim3A_186, %add3A_188 : vector<1x512xf32>
    %div3A_190 = arith.constant 1.000000e+00 : f32
    %div3A_191 = vector.broadcast %div3A_190 : f32 to vector<1x512xf32>
    %div3A_192 = arith.divf %div3A_191, %add3A_189 : vector<1x512xf32>
    %mul3A_193 = vector.broadcast %div3A_192 : vector<1x512xf32> to vector<2048x512xf32>
    %mul3A_194 = arith.mulf %add3A_183, %mul3A_193 : vector<2048x512xf32>
    %convert_element_type3A_195 = arith.truncf %mul3A_194 : vector<2048x512xf32> to vector<2048x512xbf16>
    %convert_element_type3A_196 = arith.extf %convert_element_type3A_195 : vector<2048x512xbf16> to vector<2048x512xf32>
    %sub3A_197 = arith.subf %mul3A_194, %convert_element_type3A_196 : vector<2048x512xf32>
    %convert_element_type3A_198 = arith.truncf %slice3A_151 : vector<2048x64xf32> to vector<2048x64xbf16>
    %convert_element_type3A_199 = arith.extf %convert_element_type3A_198 : vector<2048x64xbf16> to vector<2048x64xf32>
    %sub3A_200 = arith.subf %slice3A_151, %convert_element_type3A_199 : vector<2048x64xf32>
    %dot_general3A_201 = arith.constant dense<0.000000e+00> : vector<512x64xf32>
    %dot_general3A_202 = tpu.matmul %convert_element_type3A_196, %convert_element_type3A_199, %dot_general3A_201 {dimension_numbers = #tpu.dot_dimension_numbers<[0], [0], [1], [1], [0, 1, 1, 1], [], []>, transpose_lhs_hint = false} : vector<2048x512xf32>, vector<2048x64xf32>, vector<512x64xf32> -> vector<512x64xf32>
    %dot_general3A_203 = arith.constant dense<0.000000e+00> : vector<512x64xf32>
    %dot_general3A_204 = tpu.matmul %convert_element_type3A_196, %sub3A_200, %dot_general3A_203 {dimension_numbers = #tpu.dot_dimension_numbers<[0], [0], [1], [1], [0, 1, 1, 1], [], []>, transpose_lhs_hint = false} : vector<2048x512xf32>, vector<2048x64xf32>, vector<512x64xf32> -> vector<512x64xf32>
    %add3A_205 = arith.addf %dot_general3A_202, %dot_general3A_204 : vector<512x64xf32>
    %dot_general3A_206 = arith.constant dense<0.000000e+00> : vector<512x64xf32>
    %dot_general3A_207 = tpu.matmul %sub3A_197, %convert_element_type3A_199, %dot_general3A_206 {dimension_numbers = #tpu.dot_dimension_numbers<[0], [0], [1], [1], [0, 1, 1, 1], [], []>, transpose_lhs_hint = false} : vector<2048x512xf32>, vector<2048x64xf32>, vector<512x64xf32> -> vector<512x64xf32>
    %add3A_208 = arith.addf %add3A_205, %dot_general3A_207 : vector<512x64xf32>
    %slice3A_209 = vector.extract_strided_slice %dot_general3A_35 {offsets = [0, 192], sizes = [2048, 64], strides = [1, 1]} : vector<2048x256xf32> to vector<2048x64xf32>
    %slice3A_210 = vector.extract_strided_slice %dot_general3A_43 {offsets = [0, 192], sizes = [512, 64], strides = [1, 1]} : vector<512x256xf32> to vector<512x64xf32>
    %get3A_211 = arith.constant 3 : index
    %get3A_212 = arith.constant 0 : index
    %get3A_213 = vector.load %arg5[%get3A_211, %get3A_212] : memref<4x64xf32, #tpu.memory_space<vmem>>, vector<1x64xf32>
    %mul3A_214 = vector.broadcast %get3A_213 : vector<1x64xf32> to vector<2048x64xf32>
    %mul3A_215 = arith.mulf %slice3A_209, %mul3A_214 : vector<2048x64xf32>
    %reduce_sum3A_216 = arith.constant dense<0.000000e+00> : vector<2048xf32>
    %reduce_sum3A_217 = vector.multi_reduction <add>, %mul3A_215, %reduce_sum3A_216 [1] : vector<2048x64xf32> to vector<2048xf32>
    %broadcast_in_dim3A_218 = vector.shape_cast %reduce_sum3A_217 : vector<2048xf32> to vector<2048x1xf32>
    %get3A_219 = arith.constant 3 : index
    %get3A_220 = arith.constant 0 : index
    %get3A_221 = vector.load %arg6[%get3A_219, %get3A_220] : memref<4x64xf32, #tpu.memory_space<vmem>>, vector<1x64xf32>
    %dot_general3A_222 = arith.constant dense<0.000000e+00> : vector<1x512xf32>
    %dot_general3A_223 = tpu.matmul %get3A_221, %slice3A_210, %dot_general3A_222 {dimension_numbers = #tpu.dot_dimension_numbers<[1], [1], [0], [0], [0, 0, 1, 0], [], []>, precision = #tpu.contract_precision<fp32>, transpose_lhs_hint = false} : vector<1x64xf32>, vector<512x64xf32>, vector<1x512xf32> -> vector<1x512xf32>
    %add3A_224 = vector.broadcast %broadcast_in_dim3A_218 : vector<2048x1xf32> to vector<2048x512xf32>
    %add3A_225 = vector.broadcast %dot_general3A_223 : vector<1x512xf32> to vector<2048x512xf32>
    %add3A_226 = arith.addf %add3A_224, %add3A_225 : vector<2048x512xf32>
    %ge3A_227 = arith.constant 0.000000e+00 : f32
    %ge3A_228 = vector.broadcast %ge3A_227 : f32 to vector<2048x512xf32>
    %ge3A_229 = arith.cmpf oge, %add3A_226, %ge3A_228 : vector<2048x512xf32>
    %mul3A_230 = arith.constant 2.000000e-01 : f32
    %mul3A_231 = vector.broadcast %mul3A_230 : f32 to vector<2048x512xf32>
    %mul3A_232 = arith.mulf %mul3A_231, %add3A_226 : vector<2048x512xf32>
    %select_n3A_233 = arith.select %ge3A_229, %add3A_226, %mul3A_232 : vector<2048x512xi1>, vector<2048x512xf32>
    %exp3A_234 = math.exp %select_n3A_233 : vector<2048x512xf32>
    %jit3A_235 = arith.constant 0.000000e+00 : f32
    %broadcast_in_dim3A_236 = vector.broadcast %jit3A_235 : f32 to vector<2048x512xf32>
    %select_n3A_237 = arith.select %and3A_25, %exp3A_234, %broadcast_in_dim3A_236 : vector<2048x512xi1>, vector<2048x512xf32>
    %jit3A_238 = arith.constant 0.000000e+00 : f32
    %broadcast_in_dim3A_239 = vector.broadcast %jit3A_238 : f32 to vector<2048x512xf32>
    %select_n3A_240 = arith.select %eq3A_28, %exp3A_234, %broadcast_in_dim3A_239 : vector<2048x512xi1>, vector<2048x512xf32>
    %add3A_241 = arith.addf %select_n3A_237, %select_n3A_240 : vector<2048x512xf32>
    %reduce_sum3A_242 = arith.constant dense<0.000000e+00> : vector<512xf32>
    %reduce_sum3A_243 = vector.multi_reduction <add>, %add3A_241, %reduce_sum3A_242 [0] : vector<2048x512xf32> to vector<512xf32>
    %broadcast_in_dim3A_244 = vector.shape_cast %reduce_sum3A_243 : vector<512xf32> to vector<1x512xf32>
    %add3A_245 = arith.constant 1.000000e-16 : f32
    %add3A_246 = vector.broadcast %add3A_245 : f32 to vector<1x512xf32>
    %add3A_247 = arith.addf %broadcast_in_dim3A_244, %add3A_246 : vector<1x512xf32>
    %div3A_248 = arith.constant 1.000000e+00 : f32
    %div3A_249 = vector.broadcast %div3A_248 : f32 to vector<1x512xf32>
    %div3A_250 = arith.divf %div3A_249, %add3A_247 : vector<1x512xf32>
    %mul3A_251 = vector.broadcast %div3A_250 : vector<1x512xf32> to vector<2048x512xf32>
    %mul3A_252 = arith.mulf %add3A_241, %mul3A_251 : vector<2048x512xf32>
    %convert_element_type3A_253 = arith.truncf %mul3A_252 : vector<2048x512xf32> to vector<2048x512xbf16>
    %convert_element_type3A_254 = arith.extf %convert_element_type3A_253 : vector<2048x512xbf16> to vector<2048x512xf32>
    %sub3A_255 = arith.subf %mul3A_252, %convert_element_type3A_254 : vector<2048x512xf32>
    %convert_element_type3A_256 = arith.truncf %slice3A_209 : vector<2048x64xf32> to vector<2048x64xbf16>
    %convert_element_type3A_257 = arith.extf %convert_element_type3A_256 : vector<2048x64xbf16> to vector<2048x64xf32>
    %sub3A_258 = arith.subf %slice3A_209, %convert_element_type3A_257 : vector<2048x64xf32>
    %dot_general3A_259 = arith.constant dense<0.000000e+00> : vector<512x64xf32>
    %dot_general3A_260 = tpu.matmul %convert_element_type3A_254, %convert_element_type3A_257, %dot_general3A_259 {dimension_numbers = #tpu.dot_dimension_numbers<[0], [0], [1], [1], [0, 1, 1, 1], [], []>, transpose_lhs_hint = false} : vector<2048x512xf32>, vector<2048x64xf32>, vector<512x64xf32> -> vector<512x64xf32>
    %dot_general3A_261 = arith.constant dense<0.000000e+00> : vector<512x64xf32>
    %dot_general3A_262 = tpu.matmul %convert_element_type3A_254, %sub3A_258, %dot_general3A_261 {dimension_numbers = #tpu.dot_dimension_numbers<[0], [0], [1], [1], [0, 1, 1, 1], [], []>, transpose_lhs_hint = false} : vector<2048x512xf32>, vector<2048x64xf32>, vector<512x64xf32> -> vector<512x64xf32>
    %add3A_263 = arith.addf %dot_general3A_260, %dot_general3A_262 : vector<512x64xf32>
    %dot_general3A_264 = arith.constant dense<0.000000e+00> : vector<512x64xf32>
    %dot_general3A_265 = tpu.matmul %sub3A_255, %convert_element_type3A_257, %dot_general3A_264 {dimension_numbers = #tpu.dot_dimension_numbers<[0], [0], [1], [1], [0, 1, 1, 1], [], []>, transpose_lhs_hint = false} : vector<2048x512xf32>, vector<2048x64xf32>, vector<512x64xf32> -> vector<512x64xf32>
    %add3A_266 = arith.addf %add3A_263, %dot_general3A_265 : vector<512x64xf32>
    %concatenate3A = tpu.concatenate %add3A_92, %add3A_150, %add3A_208, %add3A_266 in 1 : vector<512x64xf32>, vector<512x64xf32>, vector<512x64xf32>, vector<512x64xf32> -> vector<512x256xf32>
    %get3A_267 = arith.constant 0 : index
    %get3A_268 = arith.constant 0 : index
    %get3A_269 = vector.load %arg10[%get3A_267, %get3A_268] : memref<1x256xf32, #tpu.memory_space<vmem>>, vector<1x256xf32>
    %add3A_270 = vector.broadcast %get3A_269 : vector<1x256xf32> to vector<512x256xf32>
    %add3A_271 = arith.addf %concatenate3A, %add3A_270 : vector<512x256xf32>
    %gt3A = arith.constant 0.000000e+00 : f32
    %gt3A_272 = vector.broadcast %gt3A : f32 to vector<512x256xf32>
    %gt3A_273 = arith.cmpf ogt, %add3A_271, %gt3A_272 : vector<512x256xf32>
    %exp3A_274 = math.exp %add3A_271 : vector<512x256xf32>
    %sub3A_275 = arith.constant 1.000000e+00 : f32
    %sub3A_276 = vector.broadcast %sub3A_275 : f32 to vector<512x256xf32>
    %sub3A_277 = arith.subf %exp3A_274, %sub3A_276 : vector<512x256xf32>
    %select_n3A_278 = arith.select %gt3A_273, %add3A_271, %sub3A_277 : vector<512x256xi1>, vector<512x256xf32>
    %swap3A = arith.constant 0 : index
    %swap3A_279 = arith.constant 0 : index
    %swap3A_280 = vector.load %arg11[%swap3A, %swap3A_279] : memref<512x256xf32, #tpu.memory_space<vmem>>, vector<512x256xf32>
    tpu.vector_store %arg11[%swap3A, %swap3A_279], %select_n3A_278 {strides = array<i32>} : memref<512x256xf32, #tpu.memory_space<vmem>>, vector<512x256xf32>,
    return
  }
  func.func @transform_0(%arg0: i32) -> (i32, i32) {
    %c0_i32 = arith.constant 0 : i32
    %c0_i32_0 = arith.constant 0 : i32
    return %c0_i32, %arg0 : i32, i32
  }
  func.func @transform_1(%arg0: i32) -> (i32, i32) {
    %c0_i32 = arith.constant 0 : i32
    %c0_i32_0 = arith.constant 0 : i32
    %c0_i32_1 = arith.constant 0 : i32
    return %c0_i32, %c0_i32_0 : i32, i32
  }
  func.func @transform_2(%arg0: i32) -> (i32, i32) {
    %c0_i32 = arith.constant 0 : i32
    %c0_i32_0 = arith.constant 0 : i32
    return %arg0, %c0_i32 : i32, i32
  }
  func.func @transform_3(%arg0: i32) -> (i32, i32) {
    %c0_i32 = arith.constant 0 : i32
    %c0_i32_0 = arith.constant 0 : i32
    %c0_i32_1 = arith.constant 0 : i32
    return %c0_i32, %c0_i32_0 : i32, i32
  }
  func.func @transform_4(%arg0: i32) -> (i32, i32) {
    %c0_i32 = arith.constant 0 : i32
    %c0_i32_0 = arith.constant 0 : i32
    %c0_i32_1 = arith.constant 0 : i32
    return %c0_i32, %c0_i32_0 : i32, i32
  }
  func.func @transform_5(%arg0: i32) -> (i32, i32) {
    %c0_i32 = arith.constant 0 : i32
    %c0_i32_0 = arith.constant 0 : i32
    %c0_i32_1 = arith.constant 0 : i32
    return %c0_i32, %c0_i32_0 : i32, i32
  }
  func.func @transform_6(%arg0: i32) -> (i32, i32) {
    %c0_i32 = arith.constant 0 : i32
    %c0_i32_0 = arith.constant 0 : i32
    %c0_i32_1 = arith.constant 0 : i32
    return %c0_i32, %c0_i32_0 : i32, i32
  }
  func.func @transform_7(%arg0: i32) -> (i32, i32) {
    %c0_i32 = arith.constant 0 : i32
    %c0_i32_0 = arith.constant 0 : i32
    %c0_i32_1 = arith.constant 0 : i32
    return %c0_i32, %c0_i32_0 : i32, i32
  }
  func.func @transform_8(%arg0: i32) -> (i32, i32) {
    %c0_i32 = arith.constant 0 : i32
    %c0_i32_0 = arith.constant 0 : i32
    %c0_i32_1 = arith.constant 0 : i32
    return %c0_i32, %c0_i32_0 : i32, i32
  }
  func.func @transform_9(%arg0: i32) -> (i32, i32) {
    %c0_i32 = arith.constant 0 : i32
    %c0_i32_0 = arith.constant 0 : i32
    %c0_i32_1 = arith.constant 0 : i32
    return %c0_i32, %c0_i32_0 : i32, i32
  }
  func.func @transform_10(%arg0: i32) -> (i32, i32) {
    %c0_i32 = arith.constant 0 : i32
    %c0_i32_0 = arith.constant 0 : i32
    return %arg0, %c0_i32 : i32, i32
  }
}

module attributes {stable_mosaic.version = 14 : i64} {
  func.func @_gat_body(%arg0: i32, %arg1: memref<2048x512xf32, #tpu.memory_space<vmem>>, %arg2: memref<2048x256xf32, #tpu.memory_space<vmem>>, %arg3: memref<512x256xf32, #tpu.memory_space<vmem>>, %arg4: memref<256x128xf32, #tpu.memory_space<vmem>>, %arg5: memref<1x128xf32, #tpu.memory_space<vmem>>, %arg6: memref<1x128xf32, #tpu.memory_space<vmem>>, %arg7: memref<2048x1xf32, #tpu.memory_space<vmem>>, %arg8: memref<1x2048xf32, #tpu.memory_space<vmem>>, %arg9: memref<1x1xf32, #tpu.memory_space<smem>>, %arg10: memref<1x128xf32, #tpu.memory_space<vmem>>, %arg11: memref<512x128xf32, #tpu.memory_space<vmem>>) attributes {dimension_semantics = [#tpu.dimension_semantics<arbitrary>], iteration_bounds = array<i64: 4>, scalar_prefetch = 0 : i64, scratch_operands = 0 : i64, tpu.core_type = #tpu.core_type<tc>, window_params = [{transform_indices = @transform_0, window_bounds = array<i64: 2048, 512>}, {pipeline_mode = #tpu.pipeline_mode<synchronous>, transform_indices = @transform_1, window_bounds = array<i64: 2048, 256>}, {transform_indices = @transform_2, window_bounds = array<i64: 512, 256>}, {pipeline_mode = #tpu.pipeline_mode<synchronous>, transform_indices = @transform_3, window_bounds = array<i64: 256, 128>}, {pipeline_mode = #tpu.pipeline_mode<synchronous>, transform_indices = @transform_4, window_bounds = array<i64: 1, 128>}, {pipeline_mode = #tpu.pipeline_mode<synchronous>, transform_indices = @transform_5, window_bounds = array<i64: 1, 128>}, {pipeline_mode = #tpu.pipeline_mode<synchronous>, transform_indices = @transform_6, window_bounds = array<i64: 2048, 1>}, {pipeline_mode = #tpu.pipeline_mode<synchronous>, transform_indices = @transform_7, window_bounds = array<i64: 1, 2048>}, {transform_indices = @transform_8, window_bounds = array<i64: 1, 1>}, {pipeline_mode = #tpu.pipeline_mode<synchronous>, transform_indices = @transform_9, window_bounds = array<i64: 1, 128>}, {transform_indices = @transform_10, window_bounds = array<i64: 512, 128>}]} {
    %mul3A = arith.constant 512 : i32
    %mul3A_0 = arith.muli %arg0, %mul3A : i32
    %get3A = arith.constant 0 : index
    %get3A_1 = arith.constant 0 : index
    %get3A_2 = vector.load %arg1[%get3A, %get3A_1] : memref<2048x512xf32, #tpu.memory_space<vmem>>, vector<2048x512xf32>
    %get3A_3 = arith.constant 0 : index
    %get3A_4 = arith.constant 0 : index
    %get3A_5 = vector.load %arg7[%get3A_3, %get3A_4] : memref<2048x1xf32, #tpu.memory_space<vmem>>, vector<2048x1xf32>
    %get3A_6 = vector.shape_cast %get3A_5 : vector<2048x1xf32> to vector<2048x1xf32>
    %get3A_7 = arith.constant 0 : index
    %get3A_8 = arith.index_cast %mul3A_0 : i32 to index
    %get3A_9 = vector.load %arg8[%get3A_7, %get3A_8] : memref<1x2048xf32, #tpu.memory_space<vmem>>, vector<1x512xf32>
    %get3A_10 = arith.constant 0 : index
    %get3A_11 = arith.constant 0 : index
    %get3A_12 = memref.load %arg9[%get3A_10, %get3A_11] : memref<1x1xf32, #tpu.memory_space<smem>>
    %ge3A = vector.broadcast %get3A_12 : f32 to vector<2048x512xf32>
    %ge3A_13 = arith.cmpf oge, %get3A_2, %ge3A : vector<2048x512xf32>
    %eq3A = arith.constant 1.000000e+00 : f32
    %eq3A_14 = vector.broadcast %eq3A : f32 to vector<2048x1xf32>
    %eq3A_15 = arith.cmpf oeq, %get3A_6, %eq3A_14 : vector<2048x1xf32>
    %eq3A_16 = arith.constant 2.000000e+00 : f32
    %eq3A_17 = vector.broadcast %eq3A_16 : f32 to vector<2048x1xf32>
    %eq3A_18 = arith.cmpf oeq, %get3A_6, %eq3A_17 : vector<2048x1xf32>
    %eq3A_19 = arith.constant 1.000000e+00 : f32
    %eq3A_20 = vector.broadcast %eq3A_19 : f32 to vector<1x512xf32>
    %eq3A_21 = arith.cmpf oeq, %get3A_9, %eq3A_20 : vector<1x512xf32>
    %and3A = vector.broadcast %eq3A_18 : vector<2048x1xi1> to vector<2048x512xi1>
    %and3A_22 = vector.broadcast %eq3A_21 : vector<1x512xi1> to vector<2048x512xi1>
    %and3A_23 = arith.andi %and3A, %and3A_22 : vector<2048x512xi1>
    %or3A = vector.broadcast %eq3A_15 : vector<2048x1xi1> to vector<2048x512xi1>
    %or3A_24 = arith.ori %or3A, %and3A_23 : vector<2048x512xi1>
    %and3A_25 = arith.andi %ge3A_13, %or3A_24 : vector<2048x512xi1>
    %iota3A = tpu.iota {dimensions = array<i32: 0>} : vector<2048x512xi32>
    %iota3A_26 = tpu.iota {dimensions = array<i32: 1>} : vector<2048x512xi32>
    %add3A = vector.broadcast %mul3A_0 : i32 to vector<2048x512xi32>
    %add3A_27 = arith.addi %iota3A_26, %add3A : vector<2048x512xi32>
    %eq3A_28 = arith.cmpi eq, %iota3A, %add3A_27 : vector<2048x512xi32>
    %get3A_29 = arith.constant 0 : index
    %get3A_30 = arith.constant 0 : index
    %get3A_31 = vector.load %arg2[%get3A_29, %get3A_30] : memref<2048x256xf32, #tpu.memory_space<vmem>>, vector<2048x256xf32>
    %get3A_32 = arith.constant 0 : index
    %get3A_33 = arith.constant 0 : index
    %get3A_34 = vector.load %arg4[%get3A_32, %get3A_33] : memref<256x128xf32, #tpu.memory_space<vmem>>, vector<256x128xf32>
    %dot_general3A = arith.constant dense<0.000000e+00> : vector<2048x128xf32>
    %dot_general3A_35 = tpu.matmul %get3A_31, %get3A_34, %dot_general3A {dimension_numbers = #tpu.dot_dimension_numbers<[1], [0], [0], [1], [0, 0, 1, 1], [], []>, transpose_lhs_hint = false} : vector<2048x256xf32>, vector<256x128xf32>, vector<2048x128xf32> -> vector<2048x128xf32>
    %get3A_36 = arith.constant 0 : index
    %get3A_37 = arith.constant 0 : index
    %get3A_38 = vector.load %arg3[%get3A_36, %get3A_37] : memref<512x256xf32, #tpu.memory_space<vmem>>, vector<512x256xf32>
    %get3A_39 = arith.constant 0 : index
    %get3A_40 = arith.constant 0 : index
    %get3A_41 = vector.load %arg4[%get3A_39, %get3A_40] : memref<256x128xf32, #tpu.memory_space<vmem>>, vector<256x128xf32>
    %dot_general3A_42 = arith.constant dense<0.000000e+00> : vector<512x128xf32>
    %dot_general3A_43 = tpu.matmul %get3A_38, %get3A_41, %dot_general3A_42 {dimension_numbers = #tpu.dot_dimension_numbers<[1], [0], [0], [1], [0, 0, 1, 1], [], []>, transpose_lhs_hint = false} : vector<512x256xf32>, vector<256x128xf32>, vector<512x128xf32> -> vector<512x128xf32>
    %get3A_44 = arith.constant 0 : index
    %get3A_45 = arith.constant 0 : index
    %get3A_46 = vector.load %arg5[%get3A_44, %get3A_45] : memref<1x128xf32, #tpu.memory_space<vmem>>, vector<1x128xf32>
    %mul3A_47 = vector.broadcast %get3A_46 : vector<1x128xf32> to vector<2048x128xf32>
    %mul3A_48 = arith.mulf %dot_general3A_35, %mul3A_47 : vector<2048x128xf32>
    %reduce_sum3A = arith.constant dense<0.000000e+00> : vector<2048xf32>
    %reduce_sum3A_49 = vector.multi_reduction <add>, %mul3A_48, %reduce_sum3A [1] : vector<2048x128xf32> to vector<2048xf32>
    %broadcast_in_dim3A = vector.shape_cast %reduce_sum3A_49 : vector<2048xf32> to vector<2048x1xf32>
    %get3A_50 = arith.constant 0 : index
    %get3A_51 = arith.constant 0 : index
    %get3A_52 = vector.load %arg6[%get3A_50, %get3A_51] : memref<1x128xf32, #tpu.memory_space<vmem>>, vector<1x128xf32>
    %dot_general3A_53 = arith.constant dense<0.000000e+00> : vector<1x512xf32>
    %dot_general3A_54 = tpu.matmul %get3A_52, %dot_general3A_43, %dot_general3A_53 {dimension_numbers = #tpu.dot_dimension_numbers<[1], [1], [0], [0], [0, 0, 1, 0], [], []>, precision = #tpu.contract_precision<fp32>, transpose_lhs_hint = false} : vector<1x128xf32>, vector<512x128xf32>, vector<1x512xf32> -> vector<1x512xf32>
    %add3A_55 = vector.broadcast %broadcast_in_dim3A : vector<2048x1xf32> to vector<2048x512xf32>
    %add3A_56 = vector.broadcast %dot_general3A_54 : vector<1x512xf32> to vector<2048x512xf32>
    %add3A_57 = arith.addf %add3A_55, %add3A_56 : vector<2048x512xf32>
    %ge3A_58 = arith.constant 0.000000e+00 : f32
    %ge3A_59 = vector.broadcast %ge3A_58 : f32 to vector<2048x512xf32>
    %ge3A_60 = arith.cmpf oge, %add3A_57, %ge3A_59 : vector<2048x512xf32>
    %mul3A_61 = arith.constant 2.000000e-01 : f32
    %mul3A_62 = vector.broadcast %mul3A_61 : f32 to vector<2048x512xf32>
    %mul3A_63 = arith.mulf %mul3A_62, %add3A_57 : vector<2048x512xf32>
    %select_n3A = arith.select %ge3A_60, %add3A_57, %mul3A_63 : vector<2048x512xi1>, vector<2048x512xf32>
    %exp3A = math.exp %select_n3A : vector<2048x512xf32>
    %jit3A = arith.constant 0.000000e+00 : f32
    %broadcast_in_dim3A_64 = vector.broadcast %jit3A : f32 to vector<2048x512xf32>
    %select_n3A_65 = arith.select %and3A_25, %exp3A, %broadcast_in_dim3A_64 : vector<2048x512xi1>, vector<2048x512xf32>
    %jit3A_66 = arith.constant 0.000000e+00 : f32
    %broadcast_in_dim3A_67 = vector.broadcast %jit3A_66 : f32 to vector<2048x512xf32>
    %select_n3A_68 = arith.select %eq3A_28, %exp3A, %broadcast_in_dim3A_67 : vector<2048x512xi1>, vector<2048x512xf32>
    %add3A_69 = arith.addf %select_n3A_65, %select_n3A_68 : vector<2048x512xf32>
    %reduce_sum3A_70 = arith.constant dense<0.000000e+00> : vector<512xf32>
    %reduce_sum3A_71 = vector.multi_reduction <add>, %add3A_69, %reduce_sum3A_70 [0] : vector<2048x512xf32> to vector<512xf32>
    %broadcast_in_dim3A_72 = vector.shape_cast %reduce_sum3A_71 : vector<512xf32> to vector<1x512xf32>
    %add3A_73 = arith.constant 1.000000e-16 : f32
    %add3A_74 = vector.broadcast %add3A_73 : f32 to vector<1x512xf32>
    %add3A_75 = arith.addf %broadcast_in_dim3A_72, %add3A_74 : vector<1x512xf32>
    %div3A = arith.constant 1.000000e+00 : f32
    %div3A_76 = vector.broadcast %div3A : f32 to vector<1x512xf32>
    %div3A_77 = arith.divf %div3A_76, %add3A_75 : vector<1x512xf32>
    %mul3A_78 = vector.broadcast %div3A_77 : vector<1x512xf32> to vector<2048x512xf32>
    %mul3A_79 = arith.mulf %add3A_69, %mul3A_78 : vector<2048x512xf32>
    %convert_element_type3A = arith.truncf %mul3A_79 : vector<2048x512xf32> to vector<2048x512xbf16>
    %convert_element_type3A_80 = arith.extf %convert_element_type3A : vector<2048x512xbf16> to vector<2048x512xf32>
    %sub3A = arith.subf %mul3A_79, %convert_element_type3A_80 : vector<2048x512xf32>
    %convert_element_type3A_81 = arith.truncf %dot_general3A_35 : vector<2048x128xf32> to vector<2048x128xbf16>
    %convert_element_type3A_82 = arith.extf %convert_element_type3A_81 : vector<2048x128xbf16> to vector<2048x128xf32>
    %sub3A_83 = arith.subf %dot_general3A_35, %convert_element_type3A_82 : vector<2048x128xf32>
    %dot_general3A_84 = arith.constant dense<0.000000e+00> : vector<512x128xf32>
    %dot_general3A_85 = tpu.matmul %convert_element_type3A_80, %convert_element_type3A_82, %dot_general3A_84 {dimension_numbers = #tpu.dot_dimension_numbers<[0], [0], [1], [1], [0, 1, 1, 1], [], []>, transpose_lhs_hint = false} : vector<2048x512xf32>, vector<2048x128xf32>, vector<512x128xf32> -> vector<512x128xf32>
    %dot_general3A_86 = arith.constant dense<0.000000e+00> : vector<512x128xf32>
    %dot_general3A_87 = tpu.matmul %convert_element_type3A_80, %sub3A_83, %dot_general3A_86 {dimension_numbers = #tpu.dot_dimension_numbers<[0], [0], [1], [1], [0, 1, 1, 1], [], []>, transpose_lhs_hint = false} : vector<2048x512xf32>, vector<2048x128xf32>, vector<512x128xf32> -> vector<512x128xf32>
    %add3A_88 = arith.addf %dot_general3A_85, %dot_general3A_87 : vector<512x128xf32>
    %dot_general3A_89 = arith.constant dense<0.000000e+00> : vector<512x128xf32>
    %dot_general3A_90 = tpu.matmul %sub3A, %convert_element_type3A_82, %dot_general3A_89 {dimension_numbers = #tpu.dot_dimension_numbers<[0], [0], [1], [1], [0, 1, 1, 1], [], []>, transpose_lhs_hint = false} : vector<2048x512xf32>, vector<2048x128xf32>, vector<512x128xf32> -> vector<512x128xf32>
    %add3A_91 = arith.addf %add3A_88, %dot_general3A_90 : vector<512x128xf32>
    %get3A_92 = arith.constant 0 : index
    %get3A_93 = arith.constant 0 : index
    %get3A_94 = vector.load %arg10[%get3A_92, %get3A_93] : memref<1x128xf32, #tpu.memory_space<vmem>>, vector<1x128xf32>
    %add3A_95 = vector.broadcast %get3A_94 : vector<1x128xf32> to vector<512x128xf32>
    %add3A_96 = arith.addf %add3A_91, %add3A_95 : vector<512x128xf32>
    %swap3A = arith.constant 0 : index
    %swap3A_97 = arith.constant 0 : index
    %swap3A_98 = vector.load %arg11[%swap3A, %swap3A_97] : memref<512x128xf32, #tpu.memory_space<vmem>>, vector<512x128xf32>
    tpu.vector_store %arg11[%swap3A, %swap3A_97], %add3A_96 {strides = array<i32>} : memref<512x128xf32, #tpu.memory_space<vmem>>, vector<512x128xf32>,
    return
  }
  func.func @transform_0(%arg0: i32) -> (i32, i32) {
    %c0_i32 = arith.constant 0 : i32
    %c0_i32_0 = arith.constant 0 : i32
    return %c0_i32, %arg0 : i32, i32
  }
  func.func @transform_1(%arg0: i32) -> (i32, i32) {
    %c0_i32 = arith.constant 0 : i32
    %c0_i32_0 = arith.constant 0 : i32
    %c0_i32_1 = arith.constant 0 : i32
    return %c0_i32, %c0_i32_0 : i32, i32
  }
  func.func @transform_2(%arg0: i32) -> (i32, i32) {
    %c0_i32 = arith.constant 0 : i32
    %c0_i32_0 = arith.constant 0 : i32
    return %arg0, %c0_i32 : i32, i32
  }
  func.func @transform_3(%arg0: i32) -> (i32, i32) {
    %c0_i32 = arith.constant 0 : i32
    %c0_i32_0 = arith.constant 0 : i32
    %c0_i32_1 = arith.constant 0 : i32
    return %c0_i32, %c0_i32_0 : i32, i32
  }
  func.func @transform_4(%arg0: i32) -> (i32, i32) {
    %c0_i32 = arith.constant 0 : i32
    %c0_i32_0 = arith.constant 0 : i32
    %c0_i32_1 = arith.constant 0 : i32
    return %c0_i32, %c0_i32_0 : i32, i32
  }
  func.func @transform_5(%arg0: i32) -> (i32, i32) {
    %c0_i32 = arith.constant 0 : i32
    %c0_i32_0 = arith.constant 0 : i32
    %c0_i32_1 = arith.constant 0 : i32
    return %c0_i32, %c0_i32_0 : i32, i32
  }
  func.func @transform_6(%arg0: i32) -> (i32, i32) {
    %c0_i32 = arith.constant 0 : i32
    %c0_i32_0 = arith.constant 0 : i32
    %c0_i32_1 = arith.constant 0 : i32
    return %c0_i32, %c0_i32_0 : i32, i32
  }
  func.func @transform_7(%arg0: i32) -> (i32, i32) {
    %c0_i32 = arith.constant 0 : i32
    %c0_i32_0 = arith.constant 0 : i32
    %c0_i32_1 = arith.constant 0 : i32
    return %c0_i32, %c0_i32_0 : i32, i32
  }
  func.func @transform_8(%arg0: i32) -> (i32, i32) {
    %c0_i32 = arith.constant 0 : i32
    %c0_i32_0 = arith.constant 0 : i32
    %c0_i32_1 = arith.constant 0 : i32
    return %c0_i32, %c0_i32_0 : i32, i32
  }
  func.func @transform_9(%arg0: i32) -> (i32, i32) {
    %c0_i32 = arith.constant 0 : i32
    %c0_i32_0 = arith.constant 0 : i32
    %c0_i32_1 = arith.constant 0 : i32
    return %c0_i32, %c0_i32_0 : i32, i32
  }
  func.func @transform_10(%arg0: i32) -> (i32, i32) {
    %c0_i32 = arith.constant 0 : i32
    %c0_i32_0 = arith.constant 0 : i32
    return %arg0, %c0_i32 : i32, i32
  }
}

</mosaic_0001>

<sc_bundles>
// kernel: kernel.8.cloned.1.call-start
scs
__scs_entry_jumppad:
0x0: {  	(pc) =	sbr.rel $0x88, $3  }
0x1: {  	(tag) =	ssettag $0x0;
	lr =	simm.s32 $0x1  }
0x2: {  	[smem:$0x3F95] =	sst lr;
	_ =	strace $0xD0000000  }
0x3: {  	_ = 	snop  }
0x4: {  	_ = 	snop  }
0x5: {  	_ = 	snop  }
0x6: {  	_ = 	snop  }
0x7: {  	_ = 	snop  }
__scs_overlays_trampoline_lowered:
0x8: {  	[smem:$0x3FA4] =	sst s0  }
0x9: {  	[smem:$0x3FA5] =	sst s1  }
0xa: {  	[smem:$0x3FA6] =	sst s2  }
0xb: {  	[smem:$0x3FA7] =	sst s3  }
0xc: {  	[smem:$0x3FA8] =	sst s4  }
0xd: {  	[smem:$0x3FA9] =	sst s5  }
0xe: {  	[smem:$0x3FAA] =	sst s6  }
0xf: {  	[smem:$0x3FAB] =	sst s7  }
0x10: {  	[smem:$0x3FAC] =	sst s8  }
0x11: {  	[smem:$0x3FAD] =	sst s9;
	s0 =	simm.s32 @!p0 $0x0  }
0x12: {  	s1 =	sld [smem:$0x3F93];
	s0 =	simm.s32 @p0 $0x1  }
0x13: {  	[smem:$0x3FAE] =	sst s0;
	s0 =	simm.s32 @!p1 $0x0  }
0x14: {  	s2 =	sld [smem:$0x3F92];
	s0 =	simm.s32 @p1 $0x1  }
0x15: {  	[smem:$0x3FAF] =	sst s0;
	s0 =	simm.s32 @!p2 $0x0  }
0x16: {  	s3 =	sld [smem:$0x3FDB];
	s0 =	simm.s32 @p2 $0x1  }
0x17: {  	s4 =	simm.s32 $0x1BF5;
	[smem:$0x3FB1] =	sst s0  }
0x18: {  	s0 =	sld [smem:$0x3F94];
	_ =	swait.ge [sflag:s4], $0x0  }
0x19: {  	s7 =	sld [smem:$0x3F95]  }
0x1a: {  	s8 =	sadd.s32 $0xFFFFE003, lr  }
0x1b: {  	s9 =	sadd.s32 $0xFFFFFEF7, lr;
	s5 =	simm.s32 $0xFFFFFFFF;
	p2 =	slt.u32 s8, $0xFFFFF086  }
0x1c: {  	p1 =	slt.u32 s9, $0xF7A;
	s5 =	simm.s32 @!p2 $0x0  }
0x1d: {  	s5 =	simm.s32 @p1 $0x1;
	p0 =	seq.s32 s7, s2  }
0x1e: {  	s7 =	smul.u32 @!p0 $0xF7A, s2;
	p2 =	seq.s32 @!p0 s5, $0x0  }
0x1f: {  	s9 =	smul.u32 $0xF7A, s1;
	s8 =	simm.s32 @!p0 $0x1BF5;
	p2 =	por !p2, p0  }
0x20: {  	[sflag:s8] =	ssyncset.s32 @!p0 $0xFFFFF086;
	s6 =	sadd.s32 @!p0 s3, s7;
	s7 =	simm.s32 @!p0 $0x108  }
0x21: {  	s3 =	sadd.s32 s3, s9;
	s6 =	sadd.s32 @!p0 $0x88, s6;
	s7 =	simm.s32 @p2 $0x1082  }
0x22: {  	[simem:s7], [sflag:s8] =	dma.local @!p0 [hbm:s6], $0xF7A  }
0x23: {  	s9 =	sor.u32 $0xD0000000, s2;
	s6 =	simm.s32 $0x108;
	_ =	swait.ge @!p0 [sflag:s8], $0x0  }
0x24: {  	s3 =	sadd.s32 $0x88, s3;
	s6 =	simm.s32 @!p1 $0x1082;
	[sflag:s4] =	ssyncset.s32 $0xFFFFF086  }
0x25: {  	[simem:s6], [sflag:s4] =	dma.local [hbm:s3], $0xF7A  }
0x26: {  	[smem:$0x3F95] =	sst s1;
	(tag) =	ssettag s2;
	_ =	strace s9  }
0x27: {  	s1 =	sld [smem:$0x3FA5]  }
0x28: {  	s2 =	sld [smem:$0x3FA6]  }
0x29: {  	s4 =	sld [smem:$0x3FA8]  }
0x2a: {  	p0 =	seq.s32 s5, $0x0;
	s5 =	sld [smem:$0x3FA9]  }
0x2b: {  	s6 =	sld [smem:$0x3FAA]  }
0x2c: {  	s7 =	sld [smem:$0x3FAB]  }
0x2d: {  	s3 =	simm.s32 $0x108;
	s8 =	sld [smem:$0x3FAC]  }
0x2e: {  	s3 =	simm.s32 @!p0 $0x1082;
	s9 =	sld [smem:$0x3FAD]  }
0x2f: {  	lr =	sadd.s32 s0, s3;
	s0 =	sld [smem:$0x3FA4]  }
0x30: {  	s3 =	sld [smem:$0x3FA7]  }
0x31: {  	[smem:$0x3FB0] =	sst s10  }
0x32: {  	s10 =	sld [smem:$0x3FAE];
	_ =	sdelay $0x3  }
0x33: {  	p0 =	seq.s32 s10, $0x1;
	s10 =	sld [smem:$0x3FB0];
	_ =	sdelay $0x3  }
0x34: {  	[smem:$0x3FB0] =	sst s10  }
0x35: {  	s10 =	sld [smem:$0x3FAF];
	_ =	sdelay $0x3  }
0x36: {  	p1 =	seq.s32 s10, $0x1;
	s10 =	sld [smem:$0x3FB0];
	_ =	sdelay $0x3  }
0x37: {  	[smem:$0x3FB0] =	sst s10  }
0x38: {  	s10 =	sld [smem:$0x3FB1]  }
0x39: {  	_ = 	snop;
	(pc) =	sbr.ind lr, $3  }
0x3a: {  	_ = 	snop  }
0x3b: {  	_ = 	snop  }
0x3c: {  	p2 =	seq.s32 s10, $0x1;
	s10 =	sld [smem:$0x3FB0]  }
0x3d: {  	_ =	shalt  }
0x3e: {  	_ =	shalt  }
0x3f: {  	_ =	shalt  }
0x40: {  	_ =	shalt  }
0x41: {  	_ =	shalt  }
0x42: {  	_ =	shalt  }
0x43: {  	_ =	shalt  }
0x44: {  	_ =	shalt  }
0x45: {  	_ =	shalt  }
0x46: {  	_ =	shalt  }
0x47: {  	_ =	shalt  }
0x48: {  	_ =	shalt  }
0x49: {  	_ =	shalt  }
0x4a: {  	_ =	shalt  }
0x4b: {  	_ =	shalt  }
0x4c: {  	_ =	shalt  }
0x4d: {  	_ =	shalt  }
0x4e: {  	_ =	shalt  }
0x4f: {  	_ =	shalt  }
0x50: {  	_ =	shalt  }
0x51: {  	_ =	shalt  }
0x52: {  	_ =	shalt  }
0x53: {  	_ =	shalt  }
0x54: {  	_ =	shalt  }
0x55: {  	_ =	shalt  }
0x56: {  	_ =	shalt  }
0x57: {  	_ =	shalt  }
0x58: {  	_ =	shalt  }
0x59: {  	_ =	shalt  }
0x5a: {  	_ =	shalt  }
0x5b: {  	_ =	shalt  }
0x5c: {  	_ =	shalt  }
0x5d: {  	_ =	shalt  }
0x5e: {  	_ =	shalt  }
0x5f: {  	_ =	shalt  }
0x60: {  	_ =	shalt  }
0x61: {  	_ =	shalt  }
0x62: {  	_ =	shalt  }
0x63: {  	_ =	shalt  }
0x64: {  	_ =	shalt  }
0x65: {  	_ =	shalt  }
0x66: {  	_ =	shalt  }
0x67: {  	_ =	shalt  }
0x68: {  	_ =	shalt  }
0x69: {  	_ =	shalt  }
0x6a: {  	_ =	shalt  }
0x6b: {  	_ =	shalt  }
0x6c: {  	_ =	shalt  }
0x6d: {  	_ =	shalt  }
0x6e: {  	_ =	shalt  }
0x6f: {  	_ =	shalt  }
0x70: {  	_ =	shalt  }
0x71: {  	_ =	shalt  }
0x72: {  	_ =	shalt  }
0x73: {  	_ =	shalt  }
0x74: {  	_ =	shalt  }
0x75: {  	_ =	shalt  }
0x76: {  	_ =	shalt  }
0x77: {  	_ =	shalt  }
0x78: {  	_ =	shalt  }
0x79: {  	_ =	shalt  }
0x7a: {  	_ =	shalt  }
0x7b: {  	_ =	shalt  }
0x7c: {  	_ =	shalt  }
0x7d: {  	_ =	shalt  }
0x7e: {  	_ =	shalt  }
0x7f: {  	_ =	shalt  }
0x80: {  	_ =	shalt  }
0x81: {  	_ =	shalt  }
0x82: {  	_ =	shalt  }
0x83: {  	_ =	shalt  }
0x84: {  	_ =	shalt  }
0x85: {  	_ =	shalt  }
0x86: {  	_ =	shalt  }
0x87: {  	_ =	shalt  }
.Lfunc_end0:
.L_simem_size_0:
called_computation_lowered:
.L_overlay_start_0:
0x88: {  	s2 =	sld [smem:$0x3FD9]  }
0x89: {  	s3 =	sld [smem:$0x3FFE];
	_ =	sdelay $0x1  }
0x8a: {  	s1 =	srdreg.scid  }
0x8b: {  	s0 =	sand.u32 $0x1, s1  }
0x8c: {  	s17 =	sshll.u32 s0, $0xA;
	s2 =	sadd.s32 s3, s2  }
0x8d: {  	s2 =	sadd.s32 s2, s17  }
0x8e: {  	[smem:$0x3FBC] =	sst s2  }
0x8f: {  	_ = 	snop  }
0x90: {  	s2 =	sld [smem:$0x3FD0];
	(tm) =	ssettm $0x1  }
0x91: {  	s18 =	sld [smem:$0x3FFB];
	_ =	sdelay $0x3  }
0x92: {  	_ =	strace s18  }
0x93: {  	s3 =	sld [smem:$0x3FFC];
	_ =	sdelay $0x3  }
0x94: {  	_ =	strace s3  }
0x95: {  	s3 =	sld [smem:$0x3FFD];
	_ =	sdelay $0x3  }
0x96: {  	_ =	strace s3  }
0x97: {  	_ =	strace $0x8FFFFFFF  }
0x98: {  	s19 =	sld [smem:$0x3FDB];
	_ =	sdelay $0x1  }
0x99: {  	s4 =	simm.s32 $_scs_section_size  }
0x9a: {  	s5 =	simm.s32 $_size__tile_overlayer_lowered;
	s6 =	simm.s32 $_tile_overlayer_lowered  }
0x9b: {  	s22 =	simm.s32 $0x1BFF;
	s21 =	sshll.u32 s6, $0x1;
	s3 =	sadd.s32 s4, s19  }
0x9c: {  	s7 =	simm.s32 $0x0;
	s20 =	sshll.u32 s5, $0x1;
	s5 =	sadd.s32 s21, s3  }
0x9d: {  	[timem:s7], [sflag:s22] =	dma.local [hbm:s5], s20  }
0x9e: {  	_ =	swait.ge [sflag:s22], s20  }
0x9f: {  	s4 =	ssub.s32 $0x0, s20;
	[sflag:s22] =	ssyncset.done $0x0  }
0xa0: {  	[sflag:s22] =	ssyncadd.s32 s4;
	_ =	sdelay $0x1  }
0xa1: {  	s23 =	simm.s32 $0x1B8B  }
0xa2: {  	_ =	swait.ge [sflag:s23], $0x1  }
0xa3: {  	[sflag:s23] =	ssyncset.done $0x0  }
0xa4: {  	s25 =	simm.s32 $0x1B8E;
	s24 =	sld [smem:$0x3FFE];
	[sflag:s23] =	ssyncadd.s32 $0xFFFFFFFF  }
0xa5: {  	s26 =	simm.s32 $execute0_lowered;
	[smem:$0x3FD2] =	sst s25  }
0xa6: {  	s5 =	sshll.u32 s26, $0x1;
	_ =	strace $0x80000046;
	[dreg:$0x1] =	wrdreg $0xFFFFFFFF  }
0xa7: {  	s28 =	simm.s32 $_size_execute0_lowered;
	s3 =	sadd.s32 s3, s5;
	[dreg:$0x0] =	wrdreg $0x0  }
0xa8: {  	s5 =	sshll.u32 s28, $0x1;
	[dreg:$0x2] =	wrdreg s3  }
0xa9: {  	[dreg:$0x3] =	wrdreg s5  }
0xaa: {  	[dreg:$0x4] =	wrdreg $0xC0  }
0xab: {  	_ =	task [dreg:s7], $0x5FFFF  }
0xac: {  	[dreg:$0x1] =	wrdreg $0xFFFFFFFF  }
0xad: {  	[dreg:$0x0] =	wrdreg $0x60  }
0xae: {  	[dreg:$0x2] =	wrdreg s24  }
0xaf: {  	[dreg:$0x3] =	wrdreg s2  }
0xb0: {  	[dreg:$0x4] =	wrdreg $0x9  }
0xb1: {  	_ =	task.clear_ibuf [dreg:s7], $0x5FFFF;
	_ =	strace $0x90000046  }
0xb2: {  	s29 =	simm.s32 $0x9;
	_ =	strace $0x80000048  }
0xb3: {  	_ =	swait.ge [sflag:s29], $0x1  }
0xb4: {  	[sflag:s29] =	ssyncadd.s32 $0xFFFFFFFF  }
0xb5: {  	_ =	strace $0x90000048  }
0xb6: {  	_ =	sfence  }
0xb7: {  	s30 =	sld [smem:$0x0];
	_ =	sdelay $0x2  }
0xb8: {  	s31 =	sshll.u32 s1, $0xD;
	s1 =	sshrl.u32 s1, $0x2  }
0xb9: {  	s3 =	sand.u32 $0x4000, s31;
	s1 =	sadd.s32 s1, s30  }
0xba: {  	s0 =	sor.u32 s3, s0;
	s1 =	sshll.u32 s1, $0x11  }
0xbb: {  	s0 =	sor.u32 s1, s0  }
0xbc: {  	s0 =	sadd.s32 $0x8F2B, s0  }
0xbd: {  	[sflag:s0] =	ssyncadd.remote.s32 $0x1  }
0xbe: {  	_ =	sfence.sel $0xFFFF  }
0xbf: {  	[dreg:$0x0] =	wrdreg $0xFFFFFFFF;
	(pc) =	sbr.abs _section_cstart, $3  }
0xc0: {  	[dreg:$0x1] =	wrdreg $0xFFFFFFFF  }
0xc1: {  	_ =	task.clear_ibuf [dreg:s7], $0x2FFFF;
	_ =	strace $0x9FFFFFFF  }
0xc2: {  	(tm) =	ssettm $0x7FFFFFFF  }
0xc3: {  	_ =	shalt  }
tec
execute0_lowered:
.L_overlay_start_1:
0x0: {  	(tag) =	ssettag $0x1  }
0x1: {  	s6 =	rddreg [dreg:$0x0];
	s1 =	srdreg.scid  }
0x2: {  	s0 =	stileid.u32;
	s2 =	rddreg [dreg:$0x1]  }
0x3: {  	s3 =	simm.s32 $0x0;
	s13 =	simm.s32 $0x1;
	s14 =	simm.s32 $0x18080  }
0x4: {  	s15 =	simm.s32 $0x8000;
	s16 =	simm.s32 $0x80;
	s17 =	simm.s32 $0x400  }
0x5: {  	s18 =	simm.s32 $0x0;
	s5 =	sand.u32 $0x1, s1;
	s1 =	rddreg [dreg:$0x2]  }
0x6: {  	s4 =	sshll.u32 s0, $0x1;
	[smem:$0x7FF] =	sst s3;
	s8 =	sshll.u32 s0, $0xE  }
0x7: {  	s7 =	sor.u32 s5, s4;
	_ =	strace $0x80000047;
	s10 =	ssub.s32 $0x2, s5  }
0x8: {  	s5 =	sadd.s32 $0x80200, s6;
	s8 =	sand.u32 $0x30000, s8;
	s4 =	sshll.u32 s7, $0xE  }
0x9: {  	s11 =	sshrl.u32 s10, $0x1;
	s12 =	sadd.s32 s8, s6;
	s30 =	sshll.u32 s7, $0x4  }
0xa: {  	s9 =	sadd.s32 s4, s6;
	s4 =	sadd.s32 $0x80400, s6;
	s11 =	ssub.s32 s10, s11  }
0xb: {  	s31 =	sand.u32 $0x70, s30;
	s6 =	sadd.s32 $0x200, s9;
	s7 =	sadd.s32 $0x1200, s9  }
0xc: {  	v0 =	vlaneseq.u32;
	s8 =	sadd.s32 $0x2200, s9;
	s9 =	sadd.s32 $0x3200, s9;
	s10 =	sadd.s32 s31, s12  }
0xd: {  	v1 =	vimm.f32 $1.000000000e+00;
	v0 =	vor.u32 $0xFFE00000, v0;
	s11 =	smax.u32 s11, $0x1;
	s12 =	simm.s32 $0x18000;
	s10 =	sadd.s32 $0x80600, s10  }
.LBB2_1:
0xe: {  	[tilespmem:s12], [sflag:$0x1] =	stream.linear.gather [hbm4b:s4+s3], $0x80, $0x38;
	[tilespmem:$0x18100] =	vst v63  }
0xf: {  	_ =	swait.ge [sflag:s13], $0x80  }
0x10: {  	[sflag:s13] =	ssyncset.done $0x0  }
0x11: {  	[sflag:s13] =	ssyncadd.s32 $0xFFFFFF80  }
0x12: {  	[tilespmem:s14], [sflag:$0x1] =	stream.linear.gather [hbm4b:s5+s3], $0x80, $0x38;
	[tilespmem:$0x18100] =	vst v63  }
0x13: {  	_ =	swait.ge [sflag:s13], $0x80  }
0x14: {  	[sflag:s13] =	ssyncset.done $0x0  }
0x15: {  	[sflag:s13] =	ssyncadd.s32 $0xFFFFFF80  }
0x16: {  	[tilespmem:s15], [sflag:$0x1] =	stream.linear.gather [hbm4b:s2+s3], $0x10000, $0x38;
	[tilespmem:$0x18100] =	vst v63  }
0x17: {  	_ =	swait.ge [sflag:s13], $0x10000  }
0x18: {  	[sflag:s13] =	ssyncset.done $0x0  }
0x19: {  	[sflag:s13] =	ssyncadd.s32 $0xFFFF0000  }
0x1a: {  	v2 =	vld [tilespmem:$0x18000]  }
0x1b: {  	v3 =	vld [tilespmem:$0x18080];
	[tilespmem:s3], [sflag:$0x1] =	stream.linear.gather [hbm4b:s6+s3], $0x8000, $0x38  }
0x1c: {  	_ =	swait.ge [sflag:s13], $0x8000  }
0x1d: {  	[sflag:s13] =	ssyncset.done $0x0  }
0x1e: {  	s19 =	simm.s32 $0x0;
	[sflag:s13] =	ssyncadd.s32 $0xFFFF8000  }
.LBB2_2:
0x1f: {  	s20 =	sshra.s32 s19, $0x2  }
0x20: {  	v4 =	vld [tilespmem:s20+$0x0];
	_ =	sdelay $0x4  }
0x21: {  	v4 =	vmul.f32 v4, v2;
	_ =	sdelay $0x1  }
0x22: {  	v4 =	vadd.f32 v4, v3;
	_ =	sdelay $0x1  }
0x23: {  	v4 =	vmax.f32 v4, $1.310720000e+05  }
0x24: {  	v4 =	vmin.f32 v4, $1.351670000e+05  }
0x25: {  	v4 =	vtrunc.f32 v4  }
0x26: {  	v4 =	vcvt.f32.s32 v4;
	_ =	sdelay $0x1  }
0x27: {  	v4 =	vshll.u32 v4, $0x4  }
0x28: {  	v4 =	vadd.s32 v0, v4;
	_ =	sdelay $0x4  }
0x29: {  	[tilespmem:v4+s15+$0x0] =	vst.idx.add.f32.msk $0xffff, v1  }
0x2a: {  	v4 =	vld [tilespmem:s20+$0x10];
	_ =	sdelay $0x4  }
0x2b: {  	v4 =	vmul.f32 v4, v2;
	_ =	sdelay $0x1  }
0x2c: {  	v4 =	vadd.f32 v4, v3;
	_ =	sdelay $0x1  }
0x2d: {  	v4 =	vmax.f32 v4, $1.310720000e+05  }
0x2e: {  	v4 =	vmin.f32 v4, $1.351670000e+05  }
0x2f: {  	v4 =	vtrunc.f32 v4  }
0x30: {  	v4 =	vcvt.f32.s32 v4;
	_ =	sdelay $0x1  }
0x31: {  	v4 =	vshll.u32 v4, $0x4  }
0x32: {  	v4 =	vadd.s32 v0, v4;
	_ =	sdelay $0x4  }
0x33: {  	[tilespmem:v4+s15+$0x0] =	vst.idx.add.f32.msk $0xffff, v1  }
0x34: {  	v4 =	vld [tilespmem:s20+$0x20];
	_ =	sdelay $0x4  }
0x35: {  	v4 =	vmul.f32 v4, v2;
	_ =	sdelay $0x1  }
0x36: {  	v4 =	vadd.f32 v4, v3;
	_ =	sdelay $0x1  }
0x37: {  	v4 =	vmax.f32 v4, $1.310720000e+05  }
0x38: {  	v4 =	vmin.f32 v4, $1.351670000e+05  }
0x39: {  	v4 =	vtrunc.f32 v4  }
0x3a: {  	v4 =	vcvt.f32.s32 v4;
	_ =	sdelay $0x1  }
0x3b: {  	v4 =	vshll.u32 v4, $0x4  }
0x3c: {  	v4 =	vadd.s32 v0, v4;
	_ =	sdelay $0x4  }
0x3d: {  	[tilespmem:v4+s15+$0x0] =	vst.idx.add.f32.msk $0xffff, v1  }
0x3e: {  	v4 =	vld [tilespmem:s20+$0x30];
	_ =	sdelay $0x4  }
0x3f: {  	v4 =	vmul.f32 v4, v2;
	_ =	sdelay $0x1  }
0x40: {  	v4 =	vadd.f32 v4, v3;
	_ =	sdelay $0x1  }
0x41: {  	v4 =	vmax.f32 v4, $1.310720000e+05  }
0x42: {  	v4 =	vmin.f32 v4, $1.351670000e+05  }
0x43: {  	v4 =	vtrunc.f32 v4  }
0x44: {  	v4 =	vcvt.f32.s32 v4;
	_ =	sdelay $0x1  }
0x45: {  	v4 =	vshll.u32 v4, $0x4  }
0x46: {  	v4 =	vadd.s32 v0, v4;
	_ =	sdelay $0x4  }
0x47: {  	[tilespmem:v4+s15+$0x0] =	vst.idx.add.f32.msk $0xffff, v1  }
0x48: {  	v4 =	vld [tilespmem:s20+$0x40];
	_ =	sdelay $0x4  }
0x49: {  	v4 =	vmul.f32 v4, v2;
	_ =	sdelay $0x1  }
0x4a: {  	v4 =	vadd.f32 v4, v3;
	_ =	sdelay $0x1  }
0x4b: {  	v4 =	vmax.f32 v4, $1.310720000e+05  }
0x4c: {  	v4 =	vmin.f32 v4, $1.351670000e+05  }
0x4d: {  	v4 =	vtrunc.f32 v4  }
0x4e: {  	v4 =	vcvt.f32.s32 v4;
	_ =	sdelay $0x1  }
0x4f: {  	v4 =	vshll.u32 v4, $0x4  }
0x50: {  	v4 =	vadd.s32 v0, v4;
	_ =	sdelay $0x4  }
0x51: {  	[tilespmem:v4+s15+$0x0] =	vst.idx.add.f32.msk $0xffff, v1  }
0x52: {  	v4 =	vld [tilespmem:s20+$0x50];
	_ =	sdelay $0x4  }
0x53: {  	v4 =	vmul.f32 v4, v2;
	_ =	sdelay $0x1  }
0x54: {  	v4 =	vadd.f32 v4, v3;
	_ =	sdelay $0x1  }
0x55: {  	v4 =	vmax.f32 v4, $1.310720000e+05  }
0x56: {  	v4 =	vmin.f32 v4, $1.351670000e+05  }
0x57: {  	v4 =	vtrunc.f32 v4  }
0x58: {  	v4 =	vcvt.f32.s32 v4;
	_ =	sdelay $0x1  }
0x59: {  	v4 =	vshll.u32 v4, $0x4  }
0x5a: {  	v4 =	vadd.s32 v0, v4;
	_ =	sdelay $0x4  }
0x5b: {  	[tilespmem:v4+s15+$0x0] =	vst.idx.add.f32.msk $0xffff, v1  }
0x5c: {  	v4 =	vld [tilespmem:s20+$0x60];
	_ =	sdelay $0x4  }
0x5d: {  	v4 =	vmul.f32 v4, v2;
	_ =	sdelay $0x1  }
0x5e: {  	v4 =	vadd.f32 v4, v3;
	_ =	sdelay $0x1  }
0x5f: {  	v4 =	vmax.f32 v4, $1.310720000e+05  }
0x60: {  	v4 =	vmin.f32 v4, $1.351670000e+05  }
0x61: {  	v4 =	vtrunc.f32 v4  }
0x62: {  	v4 =	vcvt.f32.s32 v4;
	_ =	sdelay $0x1  }
0x63: {  	v4 =	vshll.u32 v4, $0x4  }
0x64: {  	v4 =	vadd.s32 v0, v4;
	_ =	sdelay $0x4  }
0x65: {  	[tilespmem:v4+s15+$0x0] =	vst.idx.add.f32.msk $0xffff, v1  }
0x66: {  	v4 =	vld [tilespmem:s20+$0x70];
	_ =	sdelay $0x4  }
0x67: {  	v4 =	vmul.f32 v4, v2;
	_ =	sdelay $0x1  }
0x68: {  	v4 =	vadd.f32 v4, v3;
	_ =	sdelay $0x1  }
0x69: {  	v4 =	vmax.f32 v4, $1.310720000e+05  }
0x6a: {  	v4 =	vmin.f32 v4, $1.351670000e+05  }
0x6b: {  	v4 =	vtrunc.f32 v4  }
0x6c: {  	v4 =	vcvt.f32.s32 v4;
	_ =	sdelay $0x1  }
0x6d: {  	v4 =	vshll.u32 v4, $0x4  }
0x6e: {  	p0 =	sne.s32 s19, $0x1FE00;
	v4 =	vadd.s32 v0, v4  }
.Ltmp0:
0x6f: {  	_ = 	snop;
	(pc) =	sbr.rel @p0 .LBB2_2-.Ltmp0, $2  }
0x70: {  	_ =	sdelay $0x2  }
0x71: {  	s19 =	sadd.s32 $0x200, s19;
	[tilespmem:v4+s15+$0x0] =	vst.idx.add.f32.msk $0xffff, v1  }
0x72: {  	s19 =	simm.s32 $0x0  }
0x73: {  	[tilespmem:s19], [sflag:$0x1] =	stream.linear.gather [hbm4b:s7+s19], $0x8000, $0x38;
	[tilespmem:$0x18100] =	vst v63  }
0x74: {  	_ =	swait.ge [sflag:s13], $0x8000  }
0x75: {  	[sflag:s13] =	ssyncset.done $0x0  }
0x76: {  	[sflag:s13] =	ssyncadd.s32 $0xFFFF8000  }
.LBB2_4:
0x77: {  	s20 =	sshra.s32 s19, $0x2  }
0x78: {  	v4 =	vld [tilespmem:s20+$0x0];
	_ =	sdelay $0x4  }
0x79: {  	v4 =	vmul.f32 v4, v2;
	_ =	sdelay $0x1  }
0x7a: {  	v4 =	vadd.f32 v4, v3;
	_ =	sdelay $0x1  }
0x7b: {  	v4 =	vmax.f32 v4, $1.310720000e+05  }
0x7c: {  	v4 =	vmin.f32 v4, $1.351670000e+05  }
0x7d: {  	v4 =	vtrunc.f32 v4  }
0x7e: {  	v4 =	vcvt.f32.s32 v4;
	_ =	sdelay $0x1  }
0x7f: {  	v4 =	vshll.u32 v4, $0x4  }
0x80: {  	v4 =	vadd.s32 v0, v4;
	_ =	sdelay $0x4  }
0x81: {  	[tilespmem:v4+s15+$0x0] =	vst.idx.add.f32.msk $0xffff, v1  }
0x82: {  	v4 =	vld [tilespmem:s20+$0x10];
	_ =	sdelay $0x4  }
0x83: {  	v4 =	vmul.f32 v4, v2;
	_ =	sdelay $0x1  }
0x84: {  	v4 =	vadd.f32 v4, v3;
	_ =	sdelay $0x1  }
0x85: {  	v4 =	vmax.f32 v4, $1.310720000e+05  }
0x86: {  	v4 =	vmin.f32 v4, $1.351670000e+05  }
0x87: {  	v4 =	vtrunc.f32 v4  }
0x88: {  	v4 =	vcvt.f32.s32 v4;
	_ =	sdelay $0x1  }
0x89: {  	v4 =	vshll.u32 v4, $0x4  }
0x8a: {  	v4 =	vadd.s32 v0, v4;
	_ =	sdelay $0x4  }
0x8b: {  	[tilespmem:v4+s15+$0x0] =	vst.idx.add.f32.msk $0xffff, v1  }
0x8c: {  	v4 =	vld [tilespmem:s20+$0x20];
	_ =	sdelay $0x4  }
0x8d: {  	v4 =	vmul.f32 v4, v2;
	_ =	sdelay $0x1  }
0x8e: {  	v4 =	vadd.f32 v4, v3;
	_ =	sdelay $0x1  }
0x8f: {  	v4 =	vmax.f32 v4, $1.310720000e+05  }
0x90: {  	v4 =	vmin.f32 v4, $1.351670000e+05  }
0x91: {  	v4 =	vtrunc.f32 v4  }
0x92: {  	v4 =	vcvt.f32.s32 v4;
	_ =	sdelay $0x1  }
0x93: {  	v4 =	vshll.u32 v4, $0x4  }
0x94: {  	v4 =	vadd.s32 v0, v4;
	_ =	sdelay $0x4  }
0x95: {  	[tilespmem:v4+s15+$0x0] =	vst.idx.add.f32.msk $0xffff, v1  }
0x96: {  	v4 =	vld [tilespmem:s20+$0x30];
	_ =	sdelay $0x4  }
0x97: {  	v4 =	vmul.f32 v4, v2;
	_ =	sdelay $0x1  }
0x98: {  	v4 =	vadd.f32 v4, v3;
	_ =	sdelay $0x1  }
0x99: {  	v4 =	vmax.f32 v4, $1.310720000e+05  }
0x9a: {  	v4 =	vmin.f32 v4, $1.351670000e+05  }
0x9b: {  	v4 =	vtrunc.f32 v4  }
0x9c: {  	v4 =	vcvt.f32.s32 v4;
	_ =	sdelay $0x1  }
0x9d: {  	v4 =	vshll.u32 v4, $0x4  }
0x9e: {  	v4 =	vadd.s32 v0, v4;
	_ =	sdelay $0x4  }
0x9f: {  	[tilespmem:v4+s15+$0x0] =	vst.idx.add.f32.msk $0xffff, v1  }
0xa0: {  	v4 =	vld [tilespmem:s20+$0x40];
	_ =	sdelay $0x4  }
0xa1: {  	v4 =	vmul.f32 v4, v2;
	_ =	sdelay $0x1  }
0xa2: {  	v4 =	vadd.f32 v4, v3;
	_ =	sdelay $0x1  }
0xa3: {  	v4 =	vmax.f32 v4, $1.310720000e+05  }
0xa4: {  	v4 =	vmin.f32 v4, $1.351670000e+05  }
0xa5: {  	v4 =	vtrunc.f32 v4  }
0xa6: {  	v4 =	vcvt.f32.s32 v4;
	_ =	sdelay $0x1  }
0xa7: {  	v4 =	vshll.u32 v4, $0x4  }
0xa8: {  	v4 =	vadd.s32 v0, v4;
	_ =	sdelay $0x4  }
0xa9: {  	[tilespmem:v4+s15+$0x0] =	vst.idx.add.f32.msk $0xffff, v1  }
0xaa: {  	v4 =	vld [tilespmem:s20+$0x50];
	_ =	sdelay $0x4  }
0xab: {  	v4 =	vmul.f32 v4, v2;
	_ =	sdelay $0x1  }
0xac: {  	v4 =	vadd.f32 v4, v3;
	_ =	sdelay $0x1  }
0xad: {  	v4 =	vmax.f32 v4, $1.310720000e+05  }
0xae: {  	v4 =	vmin.f32 v4, $1.351670000e+05  }
0xaf: {  	v4 =	vtrunc.f32 v4  }
0xb0: {  	v4 =	vcvt.f32.s32 v4;
	_ =	sdelay $0x1  }
0xb1: {  	v4 =	vshll.u32 v4, $0x4  }
0xb2: {  	v4 =	vadd.s32 v0, v4;
	_ =	sdelay $0x4  }
0xb3: {  	[tilespmem:v4+s15+$0x0] =	vst.idx.add.f32.msk $0xffff, v1  }
0xb4: {  	v4 =	vld [tilespmem:s20+$0x60];
	_ =	sdelay $0x4  }
0xb5: {  	v4 =	vmul.f32 v4, v2;
	_ =	sdelay $0x1  }
0xb6: {  	v4 =	vadd.f32 v4, v3;
	_ =	sdelay $0x1  }
0xb7: {  	v4 =	vmax.f32 v4, $1.310720000e+05  }
0xb8: {  	v4 =	vmin.f32 v4, $1.351670000e+05  }
0xb9: {  	v4 =	vtrunc.f32 v4  }
0xba: {  	v4 =	vcvt.f32.s32 v4;
	_ =	sdelay $0x1  }
0xbb: {  	v4 =	vshll.u32 v4, $0x4  }
0xbc: {  	v4 =	vadd.s32 v0, v4;
	_ =	sdelay $0x4  }
0xbd: {  	[tilespmem:v4+s15+$0x0] =	vst.idx.add.f32.msk $0xffff, v1  }
0xbe: {  	v4 =	vld [tilespmem:s20+$0x70];
	_ =	sdelay $0x4  }
0xbf: {  	v4 =	vmul.f32 v4, v2;
	_ =	sdelay $0x1  }
0xc0: {  	v4 =	vadd.f32 v4, v3;
	_ =	sdelay $0x1  }
0xc1: {  	v4 =	vmax.f32 v4, $1.310720000e+05  }
0xc2: {  	v4 =	vmin.f32 v4, $1.351670000e+05  }
0xc3: {  	v4 =	vtrunc.f32 v4  }
0xc4: {  	v4 =	vcvt.f32.s32 v4;
	_ =	sdelay $0x1  }
0xc5: {  	v4 =	vshll.u32 v4, $0x4  }
0xc6: {  	p0 =	sne.s32 s19, $0x1FE00;
	v4 =	vadd.s32 v0, v4  }
.Ltmp1:
0xc7: {  	_ = 	snop;
	(pc) =	sbr.rel @p0 .LBB2_4-.Ltmp1, $2  }
0xc8: {  	_ =	sdelay $0x2  }
0xc9: {  	s19 =	sadd.s32 $0x200, s19;
	[tilespmem:v4+s15+$0x0] =	vst.idx.add.f32.msk $0xffff, v1  }
0xca: {  	s19 =	simm.s32 $0x0  }
0xcb: {  	[tilespmem:s19], [sflag:$0x1] =	stream.linear.gather [hbm4b:s8+s19], $0x8000, $0x38;
	[tilespmem:$0x18100] =	vst v63  }
0xcc: {  	_ =	swait.ge [sflag:s13], $0x8000  }
0xcd: {  	[sflag:s13] =	ssyncset.done $0x0  }
0xce: {  	[sflag:s13] =	ssyncadd.s32 $0xFFFF8000  }
.LBB2_6:
0xcf: {  	s20 =	sshra.s32 s19, $0x2  }
0xd0: {  	v4 =	vld [tilespmem:s20+$0x0];
	_ =	sdelay $0x4  }
0xd1: {  	v4 =	vmul.f32 v4, v2;
	_ =	sdelay $0x1  }
0xd2: {  	v4 =	vadd.f32 v4, v3;
	_ =	sdelay $0x1  }
0xd3: {  	v4 =	vmax.f32 v4, $1.310720000e+05  }
0xd4: {  	v4 =	vmin.f32 v4, $1.351670000e+05  }
0xd5: {  	v4 =	vtrunc.f32 v4  }
0xd6: {  	v4 =	vcvt.f32.s32 v4;
	_ =	sdelay $0x1  }
0xd7: {  	v4 =	vshll.u32 v4, $0x4  }
0xd8: {  	v4 =	vadd.s32 v0, v4;
	_ =	sdelay $0x4  }
0xd9: {  	[tilespmem:v4+s15+$0x0] =	vst.idx.add.f32.msk $0xffff, v1  }
0xda: {  	v4 =	vld [tilespmem:s20+$0x10];
	_ =	sdelay $0x4  }
0xdb: {  	v4 =	vmul.f32 v4, v2;
	_ =	sdelay $0x1  }
0xdc: {  	v4 =	vadd.f32 v4, v3;
	_ =	sdelay $0x1  }
0xdd: {  	v4 =	vmax.f32 v4, $1.310720000e+05  }
0xde: {  	v4 =	vmin.f32 v4, $1.351670000e+05  }
0xdf: {  	v4 =	vtrunc.f32 v4  }
0xe0: {  	v4 =	vcvt.f32.s32 v4;
	_ =	sdelay $0x1  }
0xe1: {  	v4 =	vshll.u32 v4, $0x4  }
0xe2: {  	v4 =	vadd.s32 v0, v4;
	_ =	sdelay $0x4  }
0xe3: {  	[tilespmem:v4+s15+$0x0] =	vst.idx.add.f32.msk $0xffff, v1  }
0xe4: {  	v4 =	vld [tilespmem:s20+$0x20];
	_ =	sdelay $0x4  }
0xe5: {  	v4 =	vmul.f32 v4, v2;
	_ =	sdelay $0x1  }
0xe6: {  	v4 =	vadd.f32 v4, v3;
	_ =	sdelay $0x1  }
0xe7: {  	v4 =	vmax.f32 v4, $1.310720000e+05  }
0xe8: {  	v4 =	vmin.f32 v4, $1.351670000e+05  }
0xe9: {  	v4 =	vtrunc.f32 v4  }
0xea: {  	v4 =	vcvt.f32.s32 v4;
	_ =	sdelay $0x1  }
0xeb: {  	v4 =	vshll.u32 v4, $0x4  }
0xec: {  	v4 =	vadd.s32 v0, v4;
	_ =	sdelay $0x4  }
0xed: {  	[tilespmem:v4+s15+$0x0] =	vst.idx.add.f32.msk $0xffff, v1  }
0xee: {  	v4 =	vld [tilespmem:s20+$0x30];
	_ =	sdelay $0x4  }
0xef: {  	v4 =	vmul.f32 v4, v2;
	_ =	sdelay $0x1  }
0xf0: {  	v4 =	vadd.f32 v4, v3;
	_ =	sdelay $0x1  }
0xf1: {  	v4 =	vmax.f32 v4, $1.310720000e+05  }
0xf2: {  	v4 =	vmin.f32 v4, $1.351670000e+05  }
0xf3: {  	v4 =	vtrunc.f32 v4  }
0xf4: {  	v4 =	vcvt.f32.s32 v4;
	_ =	sdelay $0x1  }
0xf5: {  	v4 =	vshll.u32 v4, $0x4  }
0xf6: {  	v4 =	vadd.s32 v0, v4;
	_ =	sdelay $0x4  }
0xf7: {  	[tilespmem:v4+s15+$0x0] =	vst.idx.add.f32.msk $0xffff, v1  }
0xf8: {  	v4 =	vld [tilespmem:s20+$0x40];
	_ =	sdelay $0x4  }
0xf9: {  	v4 =	vmul.f32 v4, v2;
	_ =	sdelay $0x1  }
0xfa: {  	v4 =	vadd.f32 v4, v3;
	_ =	sdelay $0x1  }
0xfb: {  	v4 =	vmax.f32 v4, $1.310720000e+05  }
0xfc: {  	v4 =	vmin.f32 v4, $1.351670000e+05  }
0xfd: {  	v4 =	vtrunc.f32 v4  }
0xfe: {  	v4 =	vcvt.f32.s32 v4;
	_ =	sdelay $0x1  }
0xff: {  	v4 =	vshll.u32 v4, $0x4  }
0x100: {  	v4 =	vadd.s32 v0, v4;
	_ =	sdelay $0x4  }
0x101: {  	[tilespmem:v4+s15+$0x0] =	vst.idx.add.f32.msk $0xffff, v1  }
0x102: {  	v4 =	vld [tilespmem:s20+$0x50];
	_ =	sdelay $0x4  }
0x103: {  	v4 =	vmul.f32 v4, v2;
	_ =	sdelay $0x1  }
0x104: {  	v4 =	vadd.f32 v4, v3;
	_ =	sdelay $0x1  }
0x105: {  	v4 =	vmax.f32 v4, $1.310720000e+05  }
0x106: {  	v4 =	vmin.f32 v4, $1.351670000e+05  }
0x107: {  	v4 =	vtrunc.f32 v4  }
0x108: {  	v4 =	vcvt.f32.s32 v4;
	_ =	sdelay $0x1  }
0x109: {  	v4 =	vshll.u32 v4, $0x4  }
0x10a: {  	v4 =	vadd.s32 v0, v4;
	_ =	sdelay $0x4  }
0x10b: {  	[tilespmem:v4+s15+$0x0] =	vst.idx.add.f32.msk $0xffff, v1  }
0x10c: {  	v4 =	vld [tilespmem:s20+$0x60];
	_ =	sdelay $0x4  }
0x10d: {  	v4 =	vmul.f32 v4, v2;
	_ =	sdelay $0x1  }
0x10e: {  	v4 =	vadd.f32 v4, v3;
	_ =	sdelay $0x1  }
0x10f: {  	v4 =	vmax.f32 v4, $1.310720000e+05  }
0x110: {  	v4 =	vmin.f32 v4, $1.351670000e+05  }
0x111: {  	v4 =	vtrunc.f32 v4  }
0x112: {  	v4 =	vcvt.f32.s32 v4;
	_ =	sdelay $0x1  }
0x113: {  	v4 =	vshll.u32 v4, $0x4  }
0x114: {  	v4 =	vadd.s32 v0, v4;
	_ =	sdelay $0x4  }
0x115: {  	[tilespmem:v4+s15+$0x0] =	vst.idx.add.f32.msk $0xffff, v1  }
0x116: {  	v4 =	vld [tilespmem:s20+$0x70];
	_ =	sdelay $0x4  }
0x117: {  	v4 =	vmul.f32 v4, v2;
	_ =	sdelay $0x1  }
0x118: {  	v4 =	vadd.f32 v4, v3;
	_ =	sdelay $0x1  }
0x119: {  	v4 =	vmax.f32 v4, $1.310720000e+05  }
0x11a: {  	v4 =	vmin.f32 v4, $1.351670000e+05  }
0x11b: {  	v4 =	vtrunc.f32 v4  }
0x11c: {  	v4 =	vcvt.f32.s32 v4;
	_ =	sdelay $0x1  }
0x11d: {  	v4 =	vshll.u32 v4, $0x4  }
0x11e: {  	p0 =	sne.s32 s19, $0x1FE00;
	v4 =	vadd.s32 v0, v4  }
.Ltmp2:
0x11f: {  	_ = 	snop;
	(pc) =	sbr.rel @p0 .LBB2_6-.Ltmp2, $2  }
0x120: {  	_ =	sdelay $0x2  }
0x121: {  	s19 =	sadd.s32 $0x200, s19;
	[tilespmem:v4+s15+$0x0] =	vst.idx.add.f32.msk $0xffff, v1  }
0x122: {  	s19 =	simm.s32 $0x0  }
0x123: {  	[tilespmem:s19], [sflag:$0x1] =	stream.linear.gather [hbm4b:s9+s19], $0x8000, $0x38;
	[tilespmem:$0x18100] =	vst v63  }
0x124: {  	_ =	swait.ge [sflag:s13], $0x8000  }
0x125: {  	[sflag:s13] =	ssyncset.done $0x0  }
0x126: {  	[sflag:s13] =	ssyncadd.s32 $0xFFFF8000  }
.LBB2_8:
0x127: {  	s20 =	sshra.s32 s19, $0x2  }
0x128: {  	v4 =	vld [tilespmem:s20+$0x0];
	_ =	sdelay $0x4  }
0x129: {  	v4 =	vmul.f32 v4, v2;
	_ =	sdelay $0x1  }
0x12a: {  	v4 =	vadd.f32 v4, v3;
	_ =	sdelay $0x1  }
0x12b: {  	v4 =	vmax.f32 v4, $1.310720000e+05  }
0x12c: {  	v4 =	vmin.f32 v4, $1.351670000e+05  }
0x12d: {  	v4 =	vtrunc.f32 v4  }
0x12e: {  	v4 =	vcvt.f32.s32 v4;
	_ =	sdelay $0x1  }
0x12f: {  	v4 =	vshll.u32 v4, $0x4  }
0x130: {  	v4 =	vadd.s32 v0, v4;
	_ =	sdelay $0x4  }
0x131: {  	[tilespmem:v4+s15+$0x0] =	vst.idx.add.f32.msk $0xffff, v1  }
0x132: {  	v4 =	vld [tilespmem:s20+$0x10];
	_ =	sdelay $0x4  }
0x133: {  	v4 =	vmul.f32 v4, v2;
	_ =	sdelay $0x1  }
0x134: {  	v4 =	vadd.f32 v4, v3;
	_ =	sdelay $0x1  }
0x135: {  	v4 =	vmax.f32 v4, $1.310720000e+05  }
0x136: {  	v4 =	vmin.f32 v4, $1.351670000e+05  }
0x137: {  	v4 =	vtrunc.f32 v4  }
0x138: {  	v4 =	vcvt.f32.s32 v4;
	_ =	sdelay $0x1  }
0x139: {  	v4 =	vshll.u32 v4, $0x4  }
0x13a: {  	v4 =	vadd.s32 v0, v4;
	_ =	sdelay $0x4  }
0x13b: {  	[tilespmem:v4+s15+$0x0] =	vst.idx.add.f32.msk $0xffff, v1  }
0x13c: {  	v4 =	vld [tilespmem:s20+$0x20];
	_ =	sdelay $0x4  }
0x13d: {  	v4 =	vmul.f32 v4, v2;
	_ =	sdelay $0x1  }
0x13e: {  	v4 =	vadd.f32 v4, v3;
	_ =	sdelay $0x1  }
0x13f: {  	v4 =	vmax.f32 v4, $1.310720000e+05  }
0x140: {  	v4 =	vmin.f32 v4, $1.351670000e+05  }
0x141: {  	v4 =	vtrunc.f32 v4  }
0x142: {  	v4 =	vcvt.f32.s32 v4;
	_ =	sdelay $0x1  }
0x143: {  	v4 =	vshll.u32 v4, $0x4  }
0x144: {  	v4 =	vadd.s32 v0, v4;
	_ =	sdelay $0x4  }
0x145: {  	[tilespmem:v4+s15+$0x0] =	vst.idx.add.f32.msk $0xffff, v1  }
0x146: {  	v4 =	vld [tilespmem:s20+$0x30];
	_ =	sdelay $0x4  }
0x147: {  	v4 =	vmul.f32 v4, v2;
	_ =	sdelay $0x1  }
0x148: {  	v4 =	vadd.f32 v4, v3;
	_ =	sdelay $0x1  }
0x149: {  	v4 =	vmax.f32 v4, $1.310720000e+05  }
0x14a: {  	v4 =	vmin.f32 v4, $1.351670000e+05  }
0x14b: {  	v4 =	vtrunc.f32 v4  }
0x14c: {  	v4 =	vcvt.f32.s32 v4;
	_ =	sdelay $0x1  }
0x14d: {  	v4 =	vshll.u32 v4, $0x4  }
0x14e: {  	v4 =	vadd.s32 v0, v4;
	_ =	sdelay $0x4  }
0x14f: {  	[tilespmem:v4+s15+$0x0] =	vst.idx.add.f32.msk $0xffff, v1  }
0x150: {  	v4 =	vld [tilespmem:s20+$0x40];
	_ =	sdelay $0x4  }
0x151: {  	v4 =	vmul.f32 v4, v2;
	_ =	sdelay $0x1  }
0x152: {  	v4 =	vadd.f32 v4, v3;
	_ =	sdelay $0x1  }
0x153: {  	v4 =	vmax.f32 v4, $1.310720000e+05  }
0x154: {  	v4 =	vmin.f32 v4, $1.351670000e+05  }
0x155: {  	v4 =	vtrunc.f32 v4  }
0x156: {  	v4 =	vcvt.f32.s32 v4;
	_ =	sdelay $0x1  }
0x157: {  	v4 =	vshll.u32 v4, $0x4  }
0x158: {  	v4 =	vadd.s32 v0, v4;
	_ =	sdelay $0x4  }
0x159: {  	[tilespmem:v4+s15+$0x0] =	vst.idx.add.f32.msk $0xffff, v1  }
0x15a: {  	v4 =	vld [tilespmem:s20+$0x50];
	_ =	sdelay $0x4  }
0x15b: {  	v4 =	vmul.f32 v4, v2;
	_ =	sdelay $0x1  }
0x15c: {  	v4 =	vadd.f32 v4, v3;
	_ =	sdelay $0x1  }
0x15d: {  	v4 =	vmax.f32 v4, $1.310720000e+05  }
0x15e: {  	v4 =	vmin.f32 v4, $1.351670000e+05  }
0x15f: {  	v4 =	vtrunc.f32 v4  }
0x160: {  	v4 =	vcvt.f32.s32 v4;
	_ =	sdelay $0x1  }
0x161: {  	v4 =	vshll.u32 v4, $0x4  }
0x162: {  	v4 =	vadd.s32 v0, v4;
	_ =	sdelay $0x4  }
0x163: {  	[tilespmem:v4+s15+$0x0] =	vst.idx.add.f32.msk $0xffff, v1  }
0x164: {  	v4 =	vld [tilespmem:s20+$0x60];
	_ =	sdelay $0x4  }
0x165: {  	v4 =	vmul.f32 v4, v2;
	_ =	sdelay $0x1  }
0x166: {  	v4 =	vadd.f32 v4, v3;
	_ =	sdelay $0x1  }
0x167: {  	v4 =	vmax.f32 v4, $1.310720000e+05  }
0x168: {  	v4 =	vmin.f32 v4, $1.351670000e+05  }
0x169: {  	v4 =	vtrunc.f32 v4  }
0x16a: {  	v4 =	vcvt.f32.s32 v4;
	_ =	sdelay $0x1  }
0x16b: {  	v4 =	vshll.u32 v4, $0x4  }
0x16c: {  	v4 =	vadd.s32 v0, v4;
	_ =	sdelay $0x4  }
0x16d: {  	[tilespmem:v4+s15+$0x0] =	vst.idx.add.f32.msk $0xffff, v1  }
0x16e: {  	v4 =	vld [tilespmem:s20+$0x70];
	_ =	sdelay $0x4  }
0x16f: {  	v4 =	vmul.f32 v4, v2;
	_ =	sdelay $0x1  }
0x170: {  	v4 =	vadd.f32 v4, v3;
	_ =	sdelay $0x1  }
0x171: {  	v4 =	vmax.f32 v4, $1.310720000e+05  }
0x172: {  	v4 =	vmin.f32 v4, $1.351670000e+05  }
0x173: {  	v4 =	vtrunc.f32 v4  }
0x174: {  	v4 =	vcvt.f32.s32 v4;
	_ =	sdelay $0x1  }
0x175: {  	v4 =	vshll.u32 v4, $0x4  }
0x176: {  	p0 =	sne.s32 s19, $0x1FE00;
	v4 =	vadd.s32 v0, v4  }
.Ltmp3:
0x177: {  	_ = 	snop;
	(pc) =	sbr.rel @p0 .LBB2_8-.Ltmp3, $2  }
0x178: {  	_ =	sdelay $0x2  }
0x179: {  	s19 =	sadd.s32 $0x200, s19;
	[tilespmem:v4+s15+$0x0] =	vst.idx.add.f32.msk $0xffff, v1  }
0x17a: {  	s18 =	sadd.s32 $0x1, s18  }
0x17b: {  	p0 =	sne.s32 s18, s11  }
.Ltmp4:
0x17c: {  	_ = 	snop;
	(pc) =	sbr.rel @p0 .LBB2_1-.Ltmp4, $4  }
0x17d: {  	[hbm4b:s10+s16] =	stream.strided.scatter [tilespmem:s15], [sflag:$0x1], $0x10000, s17, s16, $0x38;
	[tilespmem:$0x18100] =	vst v63  }
0x17e: {  	_ =	swait.ge [sflag:s13], $0x10000  }
0x17f: {  	[sflag:s13] =	ssyncset.done $0x0  }
0x180: {  	[sflag:s13] =	ssyncadd.s32 $0xFFFF0000  }
0x181: {  	_ =	sfence.sel $0x180000  }
0x182: {  	[bflag:$0x0] =	sbarrier.arrive $0xFFFF  }
0x183: {  	p0 =	sne.s32 s0, $0x0;
	_ =	strace $0x90000047  }
0x184: {  	s0 =	sadd.s32 @!p0 $0x100000, s1;
	[bflag:$0x2] =	sbarrier.arrive $0xFFFF  }
0x185: {  	[sflag:s0] =	ssyncadd.tile.s32 @!p0 $0x1;
	_ =	shalt  }
.Lfunc_end2:
_tile_overlayer_lowered:
.L_overlay_start_2:
0x186: {  	(tag) =	ssettag $0x2  }
0x187: {  	s0 =	rddreg [dreg:$0x0];
	s2 =	stileid.u32  }
0x188: {  	s1 =	rddreg [dreg:$0x1];
	p0 =	sne.s32 s2, $0x0  }
0x189: {  	s3 =	rddreg [dreg:$0x2];
	[bflag:$0x3] =	sbarrier.arrive $0xFFFF;
	s2 =	simm.s32 @!p0 $0x1C01  }
0x18a: {  	[timem:s3], [sflag:s2] =	dma.local @!p0 [hbm:s0], s1  }
0x18b: {  	s0 =	simm.s32 @!p0 $0x1  }
0x18c: {  	_ =	swait.ge @!p0 [sflag:s0], s1  }
0x18d: {  	s1 =	ssub.s32 @!p0 $0x0, s1;
	[sflag:s0] =	ssyncset.done @!p0 $0x0  }
0x18e: {  	[sflag:s0] =	ssyncadd.s32 @!p0 s1  }
0x18f: {  	[bflag:$0x3] =	sbarrier.arrive $0xFFFF  }
0x190: {  	_ =	shalt  }

</sc_bundles>
